<compile_context>
chip_gen: v7x
topology: tpu7x:2x2x1
jax: 0.10.2.dev20260603
libtpu: 0.0.44.dev20260713+nightly
codegen_flags: <defaults>
</compile_context>

<pallas_src>
import jax
import jax.numpy as jnp
from jax import lax
from jax.experimental import pallas as pl
from jax.experimental.pallas import tpu as pltpu
from jax.experimental.pallas import tpu_sc as plsc

BATCH = 4096
SEQ = 50
SEQ_PAD = 64
DIM = 32
NW = 32
ROWS_PER_W = BATCH // NW

CBW = 32
NCW = ROWS_PER_W // CBW
SLW = CBW * SEQ

CB = 64
NCHUNK = ROWS_PER_W // CB
SLOTS = CB * SEQ


def _wbody(doc_hbm, wt_hbm, wout_hbm, idx_v, ridx_v, w32_v, wout_v, sem):
    cid = lax.axis_index("c")
    sid = lax.axis_index("s")
    wid = sid * 2 + cid
    lane = lax.iota(jnp.int32, 16)

    for chunk in range(NCW):
        g = wid * NCW + chunk
        pltpu.sync_copy(doc_hbm.at[g], idx_v)

        def shift_body(k, _):
            base = pl.multiple_of(k * 16, 16)
            ridx_v[pl.ds(base, 16)] = jnp.right_shift(idx_v[pl.ds(base, 16)], 5)
            return 0

        lax.fori_loop(0, SLW // 16, shift_body, 0)
        pltpu.async_copy(wt_hbm.at[ridx_v], w32_v, sem).wait()

        def row_body(r, _):
            for k in range(4):
                slot = jnp.minimum(r * SEQ + k * 16 + lane, SLW - 1)
                orig = plsc.load_gather(idx_v, [slot])
                val = plsc.load_gather(w32_v, [slot, jnp.bitwise_and(orig, 31)])
                wout_v[r, pl.ds(k * 16, 16)] = val
            return 0

        lax.fori_loop(0, CBW, row_body, 0)
        pltpu.sync_copy(wout_v, wout_hbm.at[pl.ds(g * CBW, CBW)])


def _mbody(doc_hbm, wp_hbm, tok_hbm, out_hbm, idx_v, tok_v, wv, out_v, sem):
    cid = lax.axis_index("c")
    sid = lax.axis_index("s")
    wid = sid * 2 + cid
    lane = lax.iota(jnp.int32, 16)

    for chunk in range(NCHUNK):
        g = wid * NCHUNK + chunk
        pltpu.sync_copy(doc_hbm.at[g], idx_v)
        pltpu.sync_copy(wp_hbm.at[pl.ds(g * CB, CB)], wv)
        pltpu.async_copy(tok_hbm.at[idx_v], tok_v, sem).wait()

        def row_body(r, _):
            w0 = wv[r, pl.ds(0, 16)]
            w1 = wv[r, pl.ds(16, 16)]
            w2 = wv[r, pl.ds(32, 16)]
            w3 = wv[r, pl.ds(48, 16)]
            w3m = jnp.where(lane < (SEQ - 48), w3, -jnp.inf)
            m = jnp.max(jnp.maximum(jnp.maximum(w0, w1), jnp.maximum(w2, w3m)))
            e0 = jnp.exp(w0 - m)
            e1 = jnp.exp(w1 - m)
            e2 = jnp.exp(w2 - m)
            e3 = jnp.exp(w3m - m)
            s = jnp.sum(e0 + e1 + e2 + e3)
            inv = 1.0 / jnp.broadcast_to(s, (16,))
            cs = [e0 * inv, e1 * inv, e2 * inv, e3 * inv]

            base = r * SEQ
            a0 = jnp.zeros((16,), jnp.float32)
            a1 = jnp.zeros((16,), jnp.float32)
            for l in range(SEQ):
                c = cs[l // 16][l % 16]
                row = base + l
                t0 = tok_v[row, pl.ds(0, 16)]
                t1 = tok_v[row, pl.ds(16, 16)]
                a0 = a0 + c * t0
                a1 = a1 + c * t1
            out_v[r, pl.ds(0, 16)] = a0
            out_v[r, pl.ds(16, 16)] = a1
            return 0

        lax.fori_loop(0, CB, row_body, 0)
        pltpu.sync_copy(out_v, out_hbm.at[pl.ds(g * CB, CB)])


def kernel(document, token_table, weight_table):
    doc = document.astype(jnp.int32)
    mesh = plsc.VectorSubcoreMesh(core_axis_name="c", subcore_axis_name="s")
    params = pltpu.CompilerParams(
        needs_layout_passes=False, use_tc_tiling_on_sc=False)

    wt32 = weight_table.reshape(31250, 32)
    wfn = pl.kernel(
        _wbody,
        out_type=jax.ShapeDtypeStruct((BATCH, SEQ_PAD), jnp.float32),
        mesh=mesh,
        compiler_params=params,
        scratch_types=[
            pltpu.VMEM((SLW,), jnp.int32),
            pltpu.VMEM((SLW,), jnp.int32),
            pltpu.VMEM((SLW, 32), jnp.float32),
            pltpu.VMEM((CBW, SEQ_PAD), jnp.float32),
            pltpu.SemaphoreType.DMA,
        ],
    )
    wpad = wfn(doc.reshape(NW * NCW, SLW), wt32)

    mfn = pl.kernel(
        _mbody,
        out_type=jax.ShapeDtypeStruct((BATCH, DIM), jnp.float32),
        mesh=mesh,
        compiler_params=params,
        scratch_types=[
            pltpu.VMEM((SLOTS,), jnp.int32),
            pltpu.VMEM((SLOTS, DIM), jnp.float32),
            pltpu.VMEM((CB, SEQ_PAD), jnp.float32),
            pltpu.VMEM((CB, DIM), jnp.float32),
            pltpu.SemaphoreType.DMA,
        ],
    )
    return mfn(doc.reshape(NW * NCHUNK, SLOTS), wpad, token_table)

# --- scband reference (transcript-rebuilt; emitter-appended) ---
"""Pipeline reference for scband-document-encoder-89008902242556 (READ-ONLY COPY).

The authoritative reference and input builder live on the scoring server;
editing this copy changes nothing except your own understanding.
"""

import jax, jax.numpy as jnp
import numpy as np

VOCAB = 1000000
EMBED_DIM = 32
BATCH = 4096
HIST_LEN = 50


def setup_inputs(seed: int = 0) -> dict:
    key = jax.random.key(seed)
    k1, k2, k3 = jax.random.split(key, 3)
    document = jax.random.randint(k1, (BATCH, HIST_LEN), 0, VOCAB, dtype=jnp.int64 if jax.config.jax_enable_x64 else jnp.int32)
    token_table = jax.random.normal(k2, (VOCAB, EMBED_DIM), dtype=jnp.float32) * 0.02
    weight_table = jax.random.normal(k3, (VOCAB, 1), dtype=jnp.float32) * 0.02
    return {"document": document, "token_table": token_table, "weight_table": weight_table}


def reference(document, token_table, weight_table):
    # document_tokens = self.document_token_embeds(document)  -> [B, L, D]
    document_tokens = jnp.take(token_table, document, axis=0)
    # token_weights = self.weights(document)  -> [B, L, 1]
    token_weights = jnp.take(weight_table, document, axis=0)
    # normalized_weights = F.softmax(token_weights, 1)  (softmax over sequence dim)
    normalized_weights = jax.nn.softmax(token_weights, axis=1)
    # torch.sum(normalized_weights * document_tokens, 1)  -> [B, D]
    return jnp.sum(normalized_weights * document_tokens, axis=1)

if __name__ == "__main__":
    import jax
    _d = setup_inputs()
    print(jax.jit(kernel)(*tuple(_d.values())))

</pallas_src>

<mosaic_0001>
#map = affine_map<(d0, d1) -> (0, 0)>
module attributes {stable_mosaic.version = 14 : i64} {
  func.func @_mbody(%arg0: i32, %arg1: i32, %arg2: memref<64x3200xi32, #tpu.memory_space<hbm>>, %arg3: memref<4096x64xf32, #tpu.memory_space<hbm>>, %arg4: memref<1000000x32xf32, #tpu.memory_space<hbm>>, %arg5: memref<4096x32xf32, #tpu.memory_space<hbm>>, %arg6: memref<3200xi32, #tpu.memory_space<vmem>>, %arg7: memref<3200x32xf32, #tpu.memory_space<vmem>>, %arg8: memref<64x64xf32, #tpu.memory_space<vmem>>, %arg9: memref<64x32xf32, #tpu.memory_space<vmem>>, %arg10: memref<!tpu.dma_semaphore, #tpu.memory_space<semaphore_mem>>) attributes {dimension_semantics = [#tpu.dimension_semantics<core_parallel>, #tpu.dimension_semantics<subcore_parallel>], iteration_bounds = array<i64: 2, 16>, scalar_prefetch = 0 : i64, scratch_operands = 5 : i64, tpu.core_type = #tpu.core_type<sc_vector_subcore>, window_params = [{transform_indices = #map}, {transform_indices = #map}, {transform_indices = #map}, {transform_indices = #map}]} {
    %mul3A = arith.constant 2 : i32
    %mul3A_0 = arith.muli %arg1, %mul3A : i32
    %add3A = arith.addi %mul3A_0, %arg0 : i32
    %iota3A = tpu.iota {dimensions = array<i32: 0>} : vector<16xi32>
    %mul3A_1 = arith.constant 2 : i32
    %mul3A_2 = arith.muli %add3A, %mul3A_1 : i32
    %add3A_3 = arith.constant 0 : i32
    %add3A_4 = arith.addi %mul3A_2, %add3A_3 : i32
    "tpu.region"() ({
      %run_scoped3A = tpu.sem_alloc : memref<!tpu.dma_semaphore, #tpu.memory_space<semaphore_mem>>
      %dma_start3A_40 = arith.constant 0 : i32
      %dma_start3A_41 = tpu.memref_slice %arg2[%add3A_4, %dma_start3A_40] : memref<64x3200xi32, #tpu.memory_space<hbm>> -> memref<1x3200xi32, #tpu.memory_space<hbm>>
      %dma_start3A_42 = tpu.memref_squeeze %dma_start3A_41 : memref<1x3200xi32, #tpu.memory_space<hbm>> -> memref<3200xi32, #tpu.memory_space<hbm>>
      %dma_start3A_43 = arith.constant 0 : i32
      %dma_start3A_44 = tpu.memref_slice %arg2[%add3A_4, %dma_start3A_43] : memref<64x3200xi32, #tpu.memory_space<hbm>> -> memref<1x3200xi32, #tpu.memory_space<hbm>>
      %dma_start3A_45 = tpu.memref_squeeze %dma_start3A_44 : memref<1x3200xi32, #tpu.memory_space<hbm>> -> memref<3200xi32, #tpu.memory_space<hbm>>
      tpu.enqueue_dma source(%dma_start3A_45 : memref<3200xi32, #tpu.memory_space<hbm>>) target(%arg6 : memref<3200xi32, #tpu.memory_space<vmem>>) target_semaphore(%run_scoped3A : memref<!tpu.dma_semaphore, #tpu.memory_space<semaphore_mem>>)
      %dma_wait3A_46 = arith.constant 0 : i32
      %dma_wait3A_47 = tpu.memref_slice %arg2[%add3A_4, %dma_wait3A_46] : memref<64x3200xi32, #tpu.memory_space<hbm>> -> memref<1x3200xi32, #tpu.memory_space<hbm>>
      %dma_wait3A_48 = tpu.memref_squeeze %dma_wait3A_47 : memref<1x3200xi32, #tpu.memory_space<hbm>> -> memref<3200xi32, #tpu.memory_space<hbm>>
      %dma_wait3A_49 = arith.constant 0 : i32
      %dma_wait3A_50 = tpu.memref_slice %arg2[%add3A_4, %dma_wait3A_49] : memref<64x3200xi32, #tpu.memory_space<hbm>> -> memref<1x3200xi32, #tpu.memory_space<hbm>>
      %dma_wait3A_51 = tpu.memref_squeeze %dma_wait3A_50 : memref<1x3200xi32, #tpu.memory_space<hbm>> -> memref<3200xi32, #tpu.memory_space<hbm>>
      tpu.wait_dma2 semaphore(%run_scoped3A : memref<!tpu.dma_semaphore, #tpu.memory_space<semaphore_mem>>) src(%dma_wait3A_51 : memref<3200xi32, #tpu.memory_space<hbm>>) dst(%arg6 : memref<3200xi32, #tpu.memory_space<vmem>>)
      tpu.yield
    }) : () -> ()
    %mul3A_5 = arith.constant 64 : i32
    %mul3A_6 = arith.muli %add3A_4, %mul3A_5 : i32
    "tpu.region"() ({
      %run_scoped3A = tpu.sem_alloc : memref<!tpu.dma_semaphore, #tpu.memory_space<semaphore_mem>>
      %dma_start3A_40 = arith.constant 0 : i32
      %dma_start3A_41 = tpu.memref_slice %arg3[%mul3A_6, %dma_start3A_40] : memref<4096x64xf32, #tpu.memory_space<hbm>> -> memref<64x64xf32, #tpu.memory_space<hbm>>
      %dma_start3A_42 = arith.constant 0 : i32
      %dma_start3A_43 = tpu.memref_slice %arg3[%mul3A_6, %dma_start3A_42] : memref<4096x64xf32, #tpu.memory_space<hbm>> -> memref<64x64xf32, #tpu.memory_space<hbm>>
      tpu.enqueue_dma source(%dma_start3A_43 : memref<64x64xf32, #tpu.memory_space<hbm>>) target(%arg8 : memref<64x64xf32, #tpu.memory_space<vmem>>) target_semaphore(%run_scoped3A : memref<!tpu.dma_semaphore, #tpu.memory_space<semaphore_mem>>)
      %dma_wait3A_44 = arith.constant 0 : i32
      %dma_wait3A_45 = tpu.memref_slice %arg3[%mul3A_6, %dma_wait3A_44] : memref<4096x64xf32, #tpu.memory_space<hbm>> -> memref<64x64xf32, #tpu.memory_space<hbm>>
      %dma_wait3A_46 = arith.constant 0 : i32
      %dma_wait3A_47 = tpu.memref_slice %arg3[%mul3A_6, %dma_wait3A_46] : memref<4096x64xf32, #tpu.memory_space<hbm>> -> memref<64x64xf32, #tpu.memory_space<hbm>>
      tpu.wait_dma2 semaphore(%run_scoped3A : memref<!tpu.dma_semaphore, #tpu.memory_space<semaphore_mem>>) src(%dma_wait3A_47 : memref<64x64xf32, #tpu.memory_space<hbm>>) dst(%arg8 : memref<64x64xf32, #tpu.memory_space<vmem>>)
      tpu.yield
    }) : () -> ()
    %dma_start3A = arith.constant 0 : i32
    %dma_start3A_7 = arith.constant 0 : i32
    %dma_start3A_8 = tpu.memref_slice %arg4[%dma_start3A, %dma_start3A_7] : memref<1000000x32xf32, #tpu.memory_space<hbm>> -> memref<1000000x32xf32, #tpu.memory_space<hbm>>
    tpu.enqueue_indirect_dma source(%dma_start3A_8 : memref<1000000x32xf32, #tpu.memory_space<hbm>>) target(%arg7 : memref<3200x32xf32, #tpu.memory_space<vmem>>) offsets(%arg6 : memref<3200xi32, #tpu.memory_space<vmem>>) semaphore(%arg10 : memref<!tpu.dma_semaphore, #tpu.memory_space<semaphore_mem>>)
    %dma_wait3A = arith.constant 0 : i32
    %dma_wait3A_9 = arith.constant 0 : i32
    %dma_wait3A_10 = tpu.memref_slice %arg4[%dma_wait3A, %dma_wait3A_9] : memref<1000000x32xf32, #tpu.memory_space<hbm>> -> memref<1000000x32xf32, #tpu.memory_space<hbm>>
    tpu.wait_indirect_dma semaphore(%arg10 : memref<!tpu.dma_semaphore, #tpu.memory_space<semaphore_mem>>) src(%dma_wait3A_10 : memref<1000000x32xf32, #tpu.memory_space<hbm>>) dst(%arg7 : memref<3200x32xf32, #tpu.memory_space<vmem>>)
    %scan3A = arith.constant 0 : i32
    %scan3A_11 = arith.constant 0 : i32
    %scan3A_12 = arith.constant 64 : i32
    %scan3A_13 = arith.addi %scan3A_11, %scan3A_12 : i32
    %scan3A_14 = arith.constant 1 : i32
    %scan3A_15 = scf.for %scan3A_40 = %scan3A_11 to %scan3A_13 step %scan3A_14 iter_args(%scan3A_41 = %scan3A) -> (i32)  : i32 {
      %get3A = arith.index_cast %scan3A_40 : i32 to index
      %get3A_42 = arith.constant 0 : index
      %get3A_43 = tpu.vector_load %arg8[%get3A, %get3A_42] {strides = array<i32>} : memref<64x64xf32, #tpu.memory_space<vmem>>, vector<16xf32>,
      %get3A_44 = arith.index_cast %scan3A_40 : i32 to index
      %get3A_45 = arith.constant 16 : index
      %get3A_46 = tpu.vector_load %arg8[%get3A_44, %get3A_45] {strides = array<i32>} : memref<64x64xf32, #tpu.memory_space<vmem>>, vector<16xf32>,
      %get3A_47 = arith.index_cast %scan3A_40 : i32 to index
      %get3A_48 = arith.constant 32 : index
      %get3A_49 = tpu.vector_load %arg8[%get3A_47, %get3A_48] {strides = array<i32>} : memref<64x64xf32, #tpu.memory_space<vmem>>, vector<16xf32>,
      %get3A_50 = arith.index_cast %scan3A_40 : i32 to index
      %get3A_51 = arith.constant 48 : index
      %get3A_52 = tpu.vector_load %arg8[%get3A_50, %get3A_51] {strides = array<i32>} : memref<64x64xf32, #tpu.memory_space<vmem>>, vector<16xf32>,
      %lt3A = arith.constant 2 : i32
      %lt3A_53 = vector.broadcast %lt3A : i32 to vector<16xi32>
      %lt3A_54 = arith.cmpi slt, %iota3A, %lt3A_53 : vector<16xi32>
      %jit3A = arith.constant 0xFF800000 : f32
      %broadcast_in_dim3A = vector.broadcast %jit3A : f32 to vector<16xf32>
      %select_n3A = arith.select %lt3A_54, %get3A_52, %broadcast_in_dim3A : vector<16xi1>, vector<16xf32>
      %max3A = arith.maximumf %get3A_43, %get3A_46 : vector<16xf32>
      %max3A_55 = arith.maximumf %get3A_49, %select_n3A : vector<16xf32>
      %max3A_56 = arith.maximumf %max3A, %max3A_55 : vector<16xf32>
      %reduce_max3A = arith.constant true
      %reduce_max3A_57 = vector.broadcast %reduce_max3A : i1 to vector<16xi1>
      %reduce_max3A_58 = tpu.scan <max>, %max3A_56 masked %reduce_max3A_57 : vector<16xf32>, vector<16xi1> -> vector<16xf32>
      %reduce_max3A_59 = vector.extract %reduce_max3A_58[15] : f32 from vector<16xf32>
      %sub3A = vector.broadcast %reduce_max3A_59 : f32 to vector<16xf32>
      %sub3A_60 = arith.subf %get3A_43, %sub3A : vector<16xf32>
      %exp3A = math.exp %sub3A_60 : vector<16xf32>
      %sub3A_61 = vector.broadcast %reduce_max3A_59 : f32 to vector<16xf32>
      %sub3A_62 = arith.subf %get3A_46, %sub3A_61 : vector<16xf32>
      %exp3A_63 = math.exp %sub3A_62 : vector<16xf32>
      %sub3A_64 = vector.broadcast %reduce_max3A_59 : f32 to vector<16xf32>
      %sub3A_65 = arith.subf %get3A_49, %sub3A_64 : vector<16xf32>
      %exp3A_66 = math.exp %sub3A_65 : vector<16xf32>
      %sub3A_67 = vector.broadcast %reduce_max3A_59 : f32 to vector<16xf32>
      %sub3A_68 = arith.subf %select_n3A, %sub3A_67 : vector<16xf32>
      %exp3A_69 = math.exp %sub3A_68 : vector<16xf32>
      %add3A_70 = arith.addf %exp3A, %exp3A_63 : vector<16xf32>
      %add3A_71 = arith.addf %add3A_70, %exp3A_66 : vector<16xf32>
      %add3A_72 = arith.addf %add3A_71, %exp3A_69 : vector<16xf32>
      %reduce_sum3A = arith.constant true
      %reduce_sum3A_73 = vector.broadcast %reduce_sum3A : i1 to vector<16xi1>
      %reduce_sum3A_74 = tpu.scan <sum>, %add3A_72 masked %reduce_sum3A_73 : vector<16xf32>, vector<16xi1> -> vector<16xf32>
      %reduce_sum3A_75 = vector.extract %reduce_sum3A_74[15] : f32 from vector<16xf32>
      %broadcast_in_dim3A_76 = vector.broadcast %reduce_sum3A_75 : f32 to vector<16xf32>
      %div3A = arith.constant 1.000000e+00 : f32
      %div3A_77 = vector.broadcast %div3A : f32 to vector<16xf32>
      %div3A_78 = arith.divf %div3A_77, %broadcast_in_dim3A_76 : vector<16xf32>
      %mul3A_79 = arith.mulf %exp3A, %div3A_78 : vector<16xf32>
      %mul3A_80 = arith.mulf %exp3A_63, %div3A_78 : vector<16xf32>
      %mul3A_81 = arith.mulf %exp3A_66, %div3A_78 : vector<16xf32>
      %mul3A_82 = arith.mulf %exp3A_69, %div3A_78 : vector<16xf32>
      %mul3A_83 = arith.constant 50 : i32
      %mul3A_84 = arith.muli %scan3A_40, %mul3A_83 : i32
      %broadcast_in_dim3A_85 = arith.constant 0.000000e+00 : f32
      %broadcast_in_dim3A_86 = vector.broadcast %broadcast_in_dim3A_85 : f32 to vector<16xf32>
      %broadcast_in_dim3A_87 = arith.constant 0.000000e+00 : f32
      %broadcast_in_dim3A_88 = vector.broadcast %broadcast_in_dim3A_87 : f32 to vector<16xf32>
      %slice3A = vector.extract_strided_slice %mul3A_79 {offsets = [0], sizes = [1], strides = [1]} : vector<16xf32> to vector<1xf32>
      %squeeze3A = vector.extract %slice3A[0] : f32 from vector<1xf32>
      %add3A_89 = arith.constant 0 : i32
      %add3A_90 = arith.addi %mul3A_84, %add3A_89 : i32
      %get3A_91 = arith.index_cast %add3A_90 : i32 to index
      %get3A_92 = arith.constant 0 : index
      %get3A_93 = tpu.vector_load %arg7[%get3A_91, %get3A_92] {strides = array<i32>} : memref<3200x32xf32, #tpu.memory_space<vmem>>, vector<16xf32>,
      %get3A_94 = arith.index_cast %add3A_90 : i32 to index
      %get3A_95 = arith.constant 16 : index
      %get3A_96 = tpu.vector_load %arg7[%get3A_94, %get3A_95] {strides = array<i32>} : memref<3200x32xf32, #tpu.memory_space<vmem>>, vector<16xf32>,
      %mul3A_97 = vector.broadcast %squeeze3A : f32 to vector<16xf32>
      %mul3A_98 = arith.mulf %mul3A_97, %get3A_93 : vector<16xf32>
      %add3A_99 = arith.addf %broadcast_in_dim3A_86, %mul3A_98 : vector<16xf32>
      %mul3A_100 = vector.broadcast %squeeze3A : f32 to vector<16xf32>
      %mul3A_101 = arith.mulf %mul3A_100, %get3A_96 : vector<16xf32>
      %add3A_102 = arith.addf %broadcast_in_dim3A_88, %mul3A_101 : vector<16xf32>
      %slice3A_103 = vector.extract_strided_slice %mul3A_79 {offsets = [1], sizes = [1], strides = [1]} : vector<16xf32> to vector<1xf32>
      %squeeze3A_104 = vector.extract %slice3A_103[0] : f32 from vector<1xf32>
      %add3A_105 = arith.constant 1 : i32
      %add3A_106 = arith.addi %mul3A_84, %add3A_105 : i32
      %get3A_107 = arith.index_cast %add3A_106 : i32 to index
      %get3A_108 = arith.constant 0 : index
      %get3A_109 = tpu.vector_load %arg7[%get3A_107, %get3A_108] {strides = array<i32>} : memref<3200x32xf32, #tpu.memory_space<vmem>>, vector<16xf32>,
      %get3A_110 = arith.index_cast %add3A_106 : i32 to index
      %get3A_111 = arith.constant 16 : index
      %get3A_112 = tpu.vector_load %arg7[%get3A_110, %get3A_111] {strides = array<i32>} : memref<3200x32xf32, #tpu.memory_space<vmem>>, vector<16xf32>,
      %mul3A_113 = vector.broadcast %squeeze3A_104 : f32 to vector<16xf32>
      %mul3A_114 = arith.mulf %mul3A_113, %get3A_109 : vector<16xf32>
      %add3A_115 = arith.addf %add3A_99, %mul3A_114 : vector<16xf32>
      %mul3A_116 = vector.broadcast %squeeze3A_104 : f32 to vector<16xf32>
      %mul3A_117 = arith.mulf %mul3A_116, %get3A_112 : vector<16xf32>
      %add3A_118 = arith.addf %add3A_102, %mul3A_117 : vector<16xf32>
      %slice3A_119 = vector.extract_strided_slice %mul3A_79 {offsets = [2], sizes = [1], strides = [1]} : vector<16xf32> to vector<1xf32>
      %squeeze3A_120 = vector.extract %slice3A_119[0] : f32 from vector<1xf32>
      %add3A_121 = arith.constant 2 : i32
      %add3A_122 = arith.addi %mul3A_84, %add3A_121 : i32
      %get3A_123 = arith.index_cast %add3A_122 : i32 to index
      %get3A_124 = arith.constant 0 : index
      %get3A_125 = tpu.vector_load %arg7[%get3A_123, %get3A_124] {strides = array<i32>} : memref<3200x32xf32, #tpu.memory_space<vmem>>, vector<16xf32>,
      %get3A_126 = arith.index_cast %add3A_122 : i32 to index
      %get3A_127 = arith.constant 16 : index
      %get3A_128 = tpu.vector_load %arg7[%get3A_126, %get3A_127] {strides = array<i32>} : memref<3200x32xf32, #tpu.memory_space<vmem>>, vector<16xf32>,
      %mul3A_129 = vector.broadcast %squeeze3A_120 : f32 to vector<16xf32>
      %mul3A_130 = arith.mulf %mul3A_129, %get3A_125 : vector<16xf32>
      %add3A_131 = arith.addf %add3A_115, %mul3A_130 : vector<16xf32>
      %mul3A_132 = vector.broadcast %squeeze3A_120 : f32 to vector<16xf32>
      %mul3A_133 = arith.mulf %mul3A_132, %get3A_128 : vector<16xf32>
      %add3A_134 = arith.addf %add3A_118, %mul3A_133 : vector<16xf32>
      %slice3A_135 = vector.extract_strided_slice %mul3A_79 {offsets = [3], sizes = [1], strides = [1]} : vector<16xf32> to vector<1xf32>
      %squeeze3A_136 = vector.extract %slice3A_135[0] : f32 from vector<1xf32>
      %add3A_137 = arith.constant 3 : i32
      %add3A_138 = arith.addi %mul3A_84, %add3A_137 : i32
      %get3A_139 = arith.index_cast %add3A_138 : i32 to index
      %get3A_140 = arith.constant 0 : index
      %get3A_141 = tpu.vector_load %arg7[%get3A_139, %get3A_140] {strides = array<i32>} : memref<3200x32xf32, #tpu.memory_space<vmem>>, vector<16xf32>,
      %get3A_142 = arith.index_cast %add3A_138 : i32 to index
      %get3A_143 = arith.constant 16 : index
      %get3A_144 = tpu.vector_load %arg7[%get3A_142, %get3A_143] {strides = array<i32>} : memref<3200x32xf32, #tpu.memory_space<vmem>>, vector<16xf32>,
      %mul3A_145 = vector.broadcast %squeeze3A_136 : f32 to vector<16xf32>
      %mul3A_146 = arith.mulf %mul3A_145, %get3A_141 : vector<16xf32>
      %add3A_147 = arith.addf %add3A_131, %mul3A_146 : vector<16xf32>
      %mul3A_148 = vector.broadcast %squeeze3A_136 : f32 to vector<16xf32>
      %mul3A_149 = arith.mulf %mul3A_148, %get3A_144 : vector<16xf32>
      %add3A_150 = arith.addf %add3A_134, %mul3A_149 : vector<16xf32>
      %slice3A_151 = vector.extract_strided_slice %mul3A_79 {offsets = [4], sizes = [1], strides = [1]} : vector<16xf32> to vector<1xf32>
      %squeeze3A_152 = vector.extract %slice3A_151[0] : f32 from vector<1xf32>
      %add3A_153 = arith.constant 4 : i32
      %add3A_154 = arith.addi %mul3A_84, %add3A_153 : i32
      %get3A_155 = arith.index_cast %add3A_154 : i32 to index
      %get3A_156 = arith.constant 0 : index
      %get3A_157 = tpu.vector_load %arg7[%get3A_155, %get3A_156] {strides = array<i32>} : memref<3200x32xf32, #tpu.memory_space<vmem>>, vector<16xf32>,
      %get3A_158 = arith.index_cast %add3A_154 : i32 to index
      %get3A_159 = arith.constant 16 : index
      %get3A_160 = tpu.vector_load %arg7[%get3A_158, %get3A_159] {strides = array<i32>} : memref<3200x32xf32, #tpu.memory_space<vmem>>, vector<16xf32>,
      %mul3A_161 = vector.broadcast %squeeze3A_152 : f32 to vector<16xf32>
      %mul3A_162 = arith.mulf %mul3A_161, %get3A_157 : vector<16xf32>
      %add3A_163 = arith.addf %add3A_147, %mul3A_162 : vector<16xf32>
      %mul3A_164 = vector.broadcast %squeeze3A_152 : f32 to vector<16xf32>
      %mul3A_165 = arith.mulf %mul3A_164, %get3A_160 : vector<16xf32>
      %add3A_166 = arith.addf %add3A_150, %mul3A_165 : vector<16xf32>
      %slice3A_167 = vector.extract_strided_slice %mul3A_79 {offsets = [5], sizes = [1], strides = [1]} : vector<16xf32> to vector<1xf32>
      %squeeze3A_168 = vector.extract %slice3A_167[0] : f32 from vector<1xf32>
      %add3A_169 = arith.constant 5 : i32
      %add3A_170 = arith.addi %mul3A_84, %add3A_169 : i32
      %get3A_171 = arith.index_cast %add3A_170 : i32 to index
      %get3A_172 = arith.constant 0 : index
      %get3A_173 = tpu.vector_load %arg7[%get3A_171, %get3A_172] {strides = array<i32>} : memref<3200x32xf32, #tpu.memory_space<vmem>>, vector<16xf32>,
      %get3A_174 = arith.index_cast %add3A_170 : i32 to index
      %get3A_175 = arith.constant 16 : index
      %get3A_176 = tpu.vector_load %arg7[%get3A_174, %get3A_175] {strides = array<i32>} : memref<3200x32xf32, #tpu.memory_space<vmem>>, vector<16xf32>,
      %mul3A_177 = vector.broadcast %squeeze3A_168 : f32 to vector<16xf32>
      %mul3A_178 = arith.mulf %mul3A_177, %get3A_173 : vector<16xf32>
      %add3A_179 = arith.addf %add3A_163, %mul3A_178 : vector<16xf32>
      %mul3A_180 = vector.broadcast %squeeze3A_168 : f32 to vector<16xf32>
      %mul3A_181 = arith.mulf %mul3A_180, %get3A_176 : vector<16xf32>
      %add3A_182 = arith.addf %add3A_166, %mul3A_181 : vector<16xf32>
      %slice3A_183 = vector.extract_strided_slice %mul3A_79 {offsets = [6], sizes = [1], strides = [1]} : vector<16xf32> to vector<1xf32>
      %squeeze3A_184 = vector.extract %slice3A_183[0] : f32 from vector<1xf32>
      %add3A_185 = arith.constant 6 : i32
      %add3A_186 = arith.addi %mul3A_84, %add3A_185 : i32
      %get3A_187 = arith.index_cast %add3A_186 : i32 to index
      %get3A_188 = arith.constant 0 : index
      %get3A_189 = tpu.vector_load %arg7[%get3A_187, %get3A_188] {strides = array<i32>} : memref<3200x32xf32, #tpu.memory_space<vmem>>, vector<16xf32>,
      %get3A_190 = arith.index_cast %add3A_186 : i32 to index
      %get3A_191 = arith.constant 16 : index
      %get3A_192 = tpu.vector_load %arg7[%get3A_190, %get3A_191] {strides = array<i32>} : memref<3200x32xf32, #tpu.memory_space<vmem>>, vector<16xf32>,
      %mul3A_193 = vector.broadcast %squeeze3A_184 : f32 to vector<16xf32>
      %mul3A_194 = arith.mulf %mul3A_193, %get3A_189 : vector<16xf32>
      %add3A_195 = arith.addf %add3A_179, %mul3A_194 : vector<16xf32>
      %mul3A_196 = vector.broadcast %squeeze3A_184 : f32 to vector<16xf32>
      %mul3A_197 = arith.mulf %mul3A_196, %get3A_192 : vector<16xf32>
      %add3A_198 = arith.addf %add3A_182, %mul3A_197 : vector<16xf32>
      %slice3A_199 = vector.extract_strided_slice %mul3A_79 {offsets = [7], sizes = [1], strides = [1]} : vector<16xf32> to vector<1xf32>
      %squeeze3A_200 = vector.extract %slice3A_199[0] : f32 from vector<1xf32>
      %add3A_201 = arith.constant 7 : i32
      %add3A_202 = arith.addi %mul3A_84, %add3A_201 : i32
      %get3A_203 = arith.index_cast %add3A_202 : i32 to index
      %get3A_204 = arith.constant 0 : index
      %get3A_205 = tpu.vector_load %arg7[%get3A_203, %get3A_204] {strides = array<i32>} : memref<3200x32xf32, #tpu.memory_space<vmem>>, vector<16xf32>,
      %get3A_206 = arith.index_cast %add3A_202 : i32 to index
      %get3A_207 = arith.constant 16 : index
      %get3A_208 = tpu.vector_load %arg7[%get3A_206, %get3A_207] {strides = array<i32>} : memref<3200x32xf32, #tpu.memory_space<vmem>>, vector<16xf32>,
      %mul3A_209 = vector.broadcast %squeeze3A_200 : f32 to vector<16xf32>
      %mul3A_210 = arith.mulf %mul3A_209, %get3A_205 : vector<16xf32>
      %add3A_211 = arith.addf %add3A_195, %mul3A_210 : vector<16xf32>
      %mul3A_212 = vector.broadcast %squeeze3A_200 : f32 to vector<16xf32>
      %mul3A_213 = arith.mulf %mul3A_212, %get3A_208 : vector<16xf32>
      %add3A_214 = arith.addf %add3A_198, %mul3A_213 : vector<16xf32>
      %slice3A_215 = vector.extract_strided_slice %mul3A_79 {offsets = [8], sizes = [1], strides = [1]} : vector<16xf32> to vector<1xf32>
      %squeeze3A_216 = vector.extract %slice3A_215[0] : f32 from vector<1xf32>
      %add3A_217 = arith.constant 8 : i32
      %add3A_218 = arith.addi %mul3A_84, %add3A_217 : i32
      %get3A_219 = arith.index_cast %add3A_218 : i32 to index
      %get3A_220 = arith.constant 0 : index
      %get3A_221 = tpu.vector_load %arg7[%get3A_219, %get3A_220] {strides = array<i32>} : memref<3200x32xf32, #tpu.memory_space<vmem>>, vector<16xf32>,
      %get3A_222 = arith.index_cast %add3A_218 : i32 to index
      %get3A_223 = arith.constant 16 : index
      %get3A_224 = tpu.vector_load %arg7[%get3A_222, %get3A_223] {strides = array<i32>} : memref<3200x32xf32, #tpu.memory_space<vmem>>, vector<16xf32>,
      %mul3A_225 = vector.broadcast %squeeze3A_216 : f32 to vector<16xf32>
      %mul3A_226 = arith.mulf %mul3A_225, %get3A_221 : vector<16xf32>
      %add3A_227 = arith.addf %add3A_211, %mul3A_226 : vector<16xf32>
      %mul3A_228 = vector.broadcast %squeeze3A_216 : f32 to vector<16xf32>
      %mul3A_229 = arith.mulf %mul3A_228, %get3A_224 : vector<16xf32>
      %add3A_230 = arith.addf %add3A_214, %mul3A_229 : vector<16xf32>
      %slice3A_231 = vector.extract_strided_slice %mul3A_79 {offsets = [9], sizes = [1], strides = [1]} : vector<16xf32> to vector<1xf32>
      %squeeze3A_232 = vector.extract %slice3A_231[0] : f32 from vector<1xf32>
      %add3A_233 = arith.constant 9 : i32
      %add3A_234 = arith.addi %mul3A_84, %add3A_233 : i32
      %get3A_235 = arith.index_cast %add3A_234 : i32 to index
      %get3A_236 = arith.constant 0 : index
      %get3A_237 = tpu.vector_load %arg7[%get3A_235, %get3A_236] {strides = array<i32>} : memref<3200x32xf32, #tpu.memory_space<vmem>>, vector<16xf32>,
      %get3A_238 = arith.index_cast %add3A_234 : i32 to index
      %get3A_239 = arith.constant 16 : index
      %get3A_240 = tpu.vector_load %arg7[%get3A_238, %get3A_239] {strides = array<i32>} : memref<3200x32xf32, #tpu.memory_space<vmem>>, vector<16xf32>,
      %mul3A_241 = vector.broadcast %squeeze3A_232 : f32 to vector<16xf32>
      %mul3A_242 = arith.mulf %mul3A_241, %get3A_237 : vector<16xf32>
      %add3A_243 = arith.addf %add3A_227, %mul3A_242 : vector<16xf32>
      %mul3A_244 = vector.broadcast %squeeze3A_232 : f32 to vector<16xf32>
      %mul3A_245 = arith.mulf %mul3A_244, %get3A_240 : vector<16xf32>
      %add3A_246 = arith.addf %add3A_230, %mul3A_245 : vector<16xf32>
      %slice3A_247 = vector.extract_strided_slice %mul3A_79 {offsets = [10], sizes = [1], strides = [1]} : vector<16xf32> to vector<1xf32>
      %squeeze3A_248 = vector.extract %slice3A_247[0] : f32 from vector<1xf32>
      %add3A_249 = arith.constant 10 : i32
      %add3A_250 = arith.addi %mul3A_84, %add3A_249 : i32
      %get3A_251 = arith.index_cast %add3A_250 : i32 to index
      %get3A_252 = arith.constant 0 : index
      %get3A_253 = tpu.vector_load %arg7[%get3A_251, %get3A_252] {strides = array<i32>} : memref<3200x32xf32, #tpu.memory_space<vmem>>, vector<16xf32>,
      %get3A_254 = arith.index_cast %add3A_250 : i32 to index
      %get3A_255 = arith.constant 16 : index
      %get3A_256 = tpu.vector_load %arg7[%get3A_254, %get3A_255] {strides = array<i32>} : memref<3200x32xf32, #tpu.memory_space<vmem>>, vector<16xf32>,
      %mul3A_257 = vector.broadcast %squeeze3A_248 : f32 to vector<16xf32>
      %mul3A_258 = arith.mulf %mul3A_257, %get3A_253 : vector<16xf32>
      %add3A_259 = arith.addf %add3A_243, %mul3A_258 : vector<16xf32>
      %mul3A_260 = vector.broadcast %squeeze3A_248 : f32 to vector<16xf32>
      %mul3A_261 = arith.mulf %mul3A_260, %get3A_256 : vector<16xf32>
      %add3A_262 = arith.addf %add3A_246, %mul3A_261 : vector<16xf32>
      %slice3A_263 = vector.extract_strided_slice %mul3A_79 {offsets = [11], sizes = [1], strides = [1]} : vector<16xf32> to vector<1xf32>
      %squeeze3A_264 = vector.extract %slice3A_263[0] : f32 from vector<1xf32>
      %add3A_265 = arith.constant 11 : i32
      %add3A_266 = arith.addi %mul3A_84, %add3A_265 : i32
      %get3A_267 = arith.index_cast %add3A_266 : i32 to index
      %get3A_268 = arith.constant 0 : index
      %get3A_269 = tpu.vector_load %arg7[%get3A_267, %get3A_268] {strides = array<i32>} : memref<3200x32xf32, #tpu.memory_space<vmem>>, vector<16xf32>,
      %get3A_270 = arith.index_cast %add3A_266 : i32 to index
      %get3A_271 = arith.constant 16 : index
      %get3A_272 = tpu.vector_load %arg7[%get3A_270, %get3A_271] {strides = array<i32>} : memref<3200x32xf32, #tpu.memory_space<vmem>>, vector<16xf32>,
      %mul3A_273 = vector.broadcast %squeeze3A_264 : f32 to vector<16xf32>
      %mul3A_274 = arith.mulf %mul3A_273, %get3A_269 : vector<16xf32>
      %add3A_275 = arith.addf %add3A_259, %mul3A_274 : vector<16xf32>
      %mul3A_276 = vector.broadcast %squeeze3A_264 : f32 to vector<16xf32>
      %mul3A_277 = arith.mulf %mul3A_276, %get3A_272 : vector<16xf32>
      %add3A_278 = arith.addf %add3A_262, %mul3A_277 : vector<16xf32>
      %slice3A_279 = vector.extract_strided_slice %mul3A_79 {offsets = [12], sizes = [1], strides = [1]} : vector<16xf32> to vector<1xf32>
      %squeeze3A_280 = vector.extract %slice3A_279[0] : f32 from vector<1xf32>
      %add3A_281 = arith.constant 12 : i32
      %add3A_282 = arith.addi %mul3A_84, %add3A_281 : i32
      %get3A_283 = arith.index_cast %add3A_282 : i32 to index
      %get3A_284 = arith.constant 0 : index
      %get3A_285 = tpu.vector_load %arg7[%get3A_283, %get3A_284] {strides = array<i32>} : memref<3200x32xf32, #tpu.memory_space<vmem>>, vector<16xf32>,
      %get3A_286 = arith.index_cast %add3A_282 : i32 to index
      %get3A_287 = arith.constant 16 : index
      %get3A_288 = tpu.vector_load %arg7[%get3A_286, %get3A_287] {strides = array<i32>} : memref<3200x32xf32, #tpu.memory_space<vmem>>, vector<16xf32>,
      %mul3A_289 = vector.broadcast %squeeze3A_280 : f32 to vector<16xf32>
      %mul3A_290 = arith.mulf %mul3A_289, %get3A_285 : vector<16xf32>
      %add3A_291 = arith.addf %add3A_275, %mul3A_290 : vector<16xf32>
      %mul3A_292 = vector.broadcast %squeeze3A_280 : f32 to vector<16xf32>
      %mul3A_293 = arith.mulf %mul3A_292, %get3A_288 : vector<16xf32>
      %add3A_294 = arith.addf %add3A_278, %mul3A_293 : vector<16xf32>
      %slice3A_295 = vector.extract_strided_slice %mul3A_79 {offsets = [13], sizes = [1], strides = [1]} : vector<16xf32> to vector<1xf32>
      %squeeze3A_296 = vector.extract %slice3A_295[0] : f32 from vector<1xf32>
      %add3A_297 = arith.constant 13 : i32
      %add3A_298 = arith.addi %mul3A_84, %add3A_297 : i32
      %get3A_299 = arith.index_cast %add3A_298 : i32 to index
      %get3A_300 = arith.constant 0 : index
      %get3A_301 = tpu.vector_load %arg7[%get3A_299, %get3A_300] {strides = array<i32>} : memref<3200x32xf32, #tpu.memory_space<vmem>>, vector<16xf32>,
      %get3A_302 = arith.index_cast %add3A_298 : i32 to index
      %get3A_303 = arith.constant 16 : index
      %get3A_304 = tpu.vector_load %arg7[%get3A_302, %get3A_303] {strides = array<i32>} : memref<3200x32xf32, #tpu.memory_space<vmem>>, vector<16xf32>,
      %mul3A_305 = vector.broadcast %squeeze3A_296 : f32 to vector<16xf32>
      %mul3A_306 = arith.mulf %mul3A_305, %get3A_301 : vector<16xf32>
      %add3A_307 = arith.addf %add3A_291, %mul3A_306 : vector<16xf32>
      %mul3A_308 = vector.broadcast %squeeze3A_296 : f32 to vector<16xf32>
      %mul3A_309 = arith.mulf %mul3A_308, %get3A_304 : vector<16xf32>
      %add3A_310 = arith.addf %add3A_294, %mul3A_309 : vector<16xf32>
      %slice3A_311 = vector.extract_strided_slice %mul3A_79 {offsets = [14], sizes = [1], strides = [1]} : vector<16xf32> to vector<1xf32>
      %squeeze3A_312 = vector.extract %slice3A_311[0] : f32 from vector<1xf32>
      %add3A_313 = arith.constant 14 : i32
      %add3A_314 = arith.addi %mul3A_84, %add3A_313 : i32
      %get3A_315 = arith.index_cast %add3A_314 : i32 to index
      %get3A_316 = arith.constant 0 : index
      %get3A_317 = tpu.vector_load %arg7[%get3A_315, %get3A_316] {strides = array<i32>} : memref<3200x32xf32, #tpu.memory_space<vmem>>, vector<16xf32>,
      %get3A_318 = arith.index_cast %add3A_314 : i32 to index
      %get3A_319 = arith.constant 16 : index
      %get3A_320 = tpu.vector_load %arg7[%get3A_318, %get3A_319] {strides = array<i32>} : memref<3200x32xf32, #tpu.memory_space<vmem>>, vector<16xf32>,
      %mul3A_321 = vector.broadcast %squeeze3A_312 : f32 to vector<16xf32>
      %mul3A_322 = arith.mulf %mul3A_321, %get3A_317 : vector<16xf32>
      %add3A_323 = arith.addf %add3A_307, %mul3A_322 : vector<16xf32>
      %mul3A_324 = vector.broadcast %squeeze3A_312 : f32 to vector<16xf32>
      %mul3A_325 = arith.mulf %mul3A_324, %get3A_320 : vector<16xf32>
      %add3A_326 = arith.addf %add3A_310, %mul3A_325 : vector<16xf32>
      %slice3A_327 = vector.extract_strided_slice %mul3A_79 {offsets = [15], sizes = [1], strides = [1]} : vector<16xf32> to vector<1xf32>
      %squeeze3A_328 = vector.extract %slice3A_327[0] : f32 from vector<1xf32>
      %add3A_329 = arith.constant 15 : i32
      %add3A_330 = arith.addi %mul3A_84, %add3A_329 : i32
      %get3A_331 = arith.index_cast %add3A_330 : i32 to index
      %get3A_332 = arith.constant 0 : index
      %get3A_333 = tpu.vector_load %arg7[%get3A_331, %get3A_332] {strides = array<i32>} : memref<3200x32xf32, #tpu.memory_space<vmem>>, vector<16xf32>,
      %get3A_334 = arith.index_cast %add3A_330 : i32 to index
      %get3A_335 = arith.constant 16 : index
      %get3A_336 = tpu.vector_load %arg7[%get3A_334, %get3A_335] {strides = array<i32>} : memref<3200x32xf32, #tpu.memory_space<vmem>>, vector<16xf32>,
      %mul3A_337 = vector.broadcast %squeeze3A_328 : f32 to vector<16xf32>
      %mul3A_338 = arith.mulf %mul3A_337, %get3A_333 : vector<16xf32>
      %add3A_339 = arith.addf %add3A_323, %mul3A_338 : vector<16xf32>
      %mul3A_340 = vector.broadcast %squeeze3A_328 : f32 to vector<16xf32>
      %mul3A_341 = arith.mulf %mul3A_340, %get3A_336 : vector<16xf32>
      %add3A_342 = arith.addf %add3A_326, %mul3A_341 : vector<16xf32>
      %slice3A_343 = vector.extract_strided_slice %mul3A_80 {offsets = [0], sizes = [1], strides = [1]} : vector<16xf32> to vector<1xf32>
      %squeeze3A_344 = vector.extract %slice3A_343[0] : f32 from vector<1xf32>
      %add3A_345 = arith.constant 16 : i32
      %add3A_346 = arith.addi %mul3A_84, %add3A_345 : i32
      %get3A_347 = arith.index_cast %add3A_346 : i32 to index
      %get3A_348 = arith.constant 0 : index
      %get3A_349 = tpu.vector_load %arg7[%get3A_347, %get3A_348] {strides = array<i32>} : memref<3200x32xf32, #tpu.memory_space<vmem>>, vector<16xf32>,
      %get3A_350 = arith.index_cast %add3A_346 : i32 to index
      %get3A_351 = arith.constant 16 : index
      %get3A_352 = tpu.vector_load %arg7[%get3A_350, %get3A_351] {strides = array<i32>} : memref<3200x32xf32, #tpu.memory_space<vmem>>, vector<16xf32>,
      %mul3A_353 = vector.broadcast %squeeze3A_344 : f32 to vector<16xf32>
      %mul3A_354 = arith.mulf %mul3A_353, %get3A_349 : vector<16xf32>
      %add3A_355 = arith.addf %add3A_339, %mul3A_354 : vector<16xf32>
      %mul3A_356 = vector.broadcast %squeeze3A_344 : f32 to vector<16xf32>
      %mul3A_357 = arith.mulf %mul3A_356, %get3A_352 : vector<16xf32>
      %add3A_358 = arith.addf %add3A_342, %mul3A_357 : vector<16xf32>
      %slice3A_359 = vector.extract_strided_slice %mul3A_80 {offsets = [1], sizes = [1], strides = [1]} : vector<16xf32> to vector<1xf32>
      %squeeze3A_360 = vector.extract %slice3A_359[0] : f32 from vector<1xf32>
      %add3A_361 = arith.constant 17 : i32
      %add3A_362 = arith.addi %mul3A_84, %add3A_361 : i32
      %get3A_363 = arith.index_cast %add3A_362 : i32 to index
      %get3A_364 = arith.constant 0 : index
      %get3A_365 = tpu.vector_load %arg7[%get3A_363, %get3A_364] {strides = array<i32>} : memref<3200x32xf32, #tpu.memory_space<vmem>>, vector<16xf32>,
      %get3A_366 = arith.index_cast %add3A_362 : i32 to index
      %get3A_367 = arith.constant 16 : index
      %get3A_368 = tpu.vector_load %arg7[%get3A_366, %get3A_367] {strides = array<i32>} : memref<3200x32xf32, #tpu.memory_space<vmem>>, vector<16xf32>,
      %mul3A_369 = vector.broadcast %squeeze3A_360 : f32 to vector<16xf32>
      %mul3A_370 = arith.mulf %mul3A_369, %get3A_365 : vector<16xf32>
      %add3A_371 = arith.addf %add3A_355, %mul3A_370 : vector<16xf32>
      %mul3A_372 = vector.broadcast %squeeze3A_360 : f32 to vector<16xf32>
      %mul3A_373 = arith.mulf %mul3A_372, %get3A_368 : vector<16xf32>
      %add3A_374 = arith.addf %add3A_358, %mul3A_373 : vector<16xf32>
      %slice3A_375 = vector.extract_strided_slice %mul3A_80 {offsets = [2], sizes = [1], strides = [1]} : vector<16xf32> to vector<1xf32>
      %squeeze3A_376 = vector.extract %slice3A_375[0] : f32 from vector<1xf32>
      %add3A_377 = arith.constant 18 : i32
      %add3A_378 = arith.addi %mul3A_84, %add3A_377 : i32
      %get3A_379 = arith.index_cast %add3A_378 : i32 to index
      %get3A_380 = arith.constant 0 : index
      %get3A_381 = tpu.vector_load %arg7[%get3A_379, %get3A_380] {strides = array<i32>} : memref<3200x32xf32, #tpu.memory_space<vmem>>, vector<16xf32>,
      %get3A_382 = arith.index_cast %add3A_378 : i32 to index
      %get3A_383 = arith.constant 16 : index
      %get3A_384 = tpu.vector_load %arg7[%get3A_382, %get3A_383] {strides = array<i32>} : memref<3200x32xf32, #tpu.memory_space<vmem>>, vector<16xf32>,
      %mul3A_385 = vector.broadcast %squeeze3A_376 : f32 to vector<16xf32>
      %mul3A_386 = arith.mulf %mul3A_385, %get3A_381 : vector<16xf32>
      %add3A_387 = arith.addf %add3A_371, %mul3A_386 : vector<16xf32>
      %mul3A_388 = vector.broadcast %squeeze3A_376 : f32 to vector<16xf32>
      %mul3A_389 = arith.mulf %mul3A_388, %get3A_384 : vector<16xf32>
      %add3A_390 = arith.addf %add3A_374, %mul3A_389 : vector<16xf32>
      %slice3A_391 = vector.extract_strided_slice %mul3A_80 {offsets = [3], sizes = [1], strides = [1]} : vector<16xf32> to vector<1xf32>
      %squeeze3A_392 = vector.extract %slice3A_391[0] : f32 from vector<1xf32>
      %add3A_393 = arith.constant 19 : i32
      %add3A_394 = arith.addi %mul3A_84, %add3A_393 : i32
      %get3A_395 = arith.index_cast %add3A_394 : i32 to index
      %get3A_396 = arith.constant 0 : index
      %get3A_397 = tpu.vector_load %arg7[%get3A_395, %get3A_396] {strides = array<i32>} : memref<3200x32xf32, #tpu.memory_space<vmem>>, vector<16xf32>,
      %get3A_398 = arith.index_cast %add3A_394 : i32 to index
      %get3A_399 = arith.constant 16 : index
      %get3A_400 = tpu.vector_load %arg7[%get3A_398, %get3A_399] {strides = array<i32>} : memref<3200x32xf32, #tpu.memory_space<vmem>>, vector<16xf32>,
      %mul3A_401 = vector.broadcast %squeeze3A_392 : f32 to vector<16xf32>
      %mul3A_402 = arith.mulf %mul3A_401, %get3A_397 : vector<16xf32>
      %add3A_403 = arith.addf %add3A_387, %mul3A_402 : vector<16xf32>
      %mul3A_404 = vector.broadcast %squeeze3A_392 : f32 to vector<16xf32>
      %mul3A_405 = arith.mulf %mul3A_404, %get3A_400 : vector<16xf32>
      %add3A_406 = arith.addf %add3A_390, %mul3A_405 : vector<16xf32>
      %slice3A_407 = vector.extract_strided_slice %mul3A_80 {offsets = [4], sizes = [1], strides = [1]} : vector<16xf32> to vector<1xf32>
      %squeeze3A_408 = vector.extract %slice3A_407[0] : f32 from vector<1xf32>
      %add3A_409 = arith.constant 20 : i32
      %add3A_410 = arith.addi %mul3A_84, %add3A_409 : i32
      %get3A_411 = arith.index_cast %add3A_410 : i32 to index
      %get3A_412 = arith.constant 0 : index
      %get3A_413 = tpu.vector_load %arg7[%get3A_411, %get3A_412] {strides = array<i32>} : memref<3200x32xf32, #tpu.memory_space<vmem>>, vector<16xf32>,
      %get3A_414 = arith.index_cast %add3A_410 : i32 to index
      %get3A_415 = arith.constant 16 : index
      %get3A_416 = tpu.vector_load %arg7[%get3A_414, %get3A_415] {strides = array<i32>} : memref<3200x32xf32, #tpu.memory_space<vmem>>, vector<16xf32>,
      %mul3A_417 = vector.broadcast %squeeze3A_408 : f32 to vector<16xf32>
      %mul3A_418 = arith.mulf %mul3A_417, %get3A_413 : vector<16xf32>
      %add3A_419 = arith.addf %add3A_403, %mul3A_418 : vector<16xf32>
      %mul3A_420 = vector.broadcast %squeeze3A_408 : f32 to vector<16xf32>
      %mul3A_421 = arith.mulf %mul3A_420, %get3A_416 : vector<16xf32>
      %add3A_422 = arith.addf %add3A_406, %mul3A_421 : vector<16xf32>
      %slice3A_423 = vector.extract_strided_slice %mul3A_80 {offsets = [5], sizes = [1], strides = [1]} : vector<16xf32> to vector<1xf32>
      %squeeze3A_424 = vector.extract %slice3A_423[0] : f32 from vector<1xf32>
      %add3A_425 = arith.constant 21 : i32
      %add3A_426 = arith.addi %mul3A_84, %add3A_425 : i32
      %get3A_427 = arith.index_cast %add3A_426 : i32 to index
      %get3A_428 = arith.constant 0 : index
      %get3A_429 = tpu.vector_load %arg7[%get3A_427, %get3A_428] {strides = array<i32>} : memref<3200x32xf32, #tpu.memory_space<vmem>>, vector<16xf32>,
      %get3A_430 = arith.index_cast %add3A_426 : i32 to index
      %get3A_431 = arith.constant 16 : index
      %get3A_432 = tpu.vector_load %arg7[%get3A_430, %get3A_431] {strides = array<i32>} : memref<3200x32xf32, #tpu.memory_space<vmem>>, vector<16xf32>,
      %mul3A_433 = vector.broadcast %squeeze3A_424 : f32 to vector<16xf32>
      %mul3A_434 = arith.mulf %mul3A_433, %get3A_429 : vector<16xf32>
      %add3A_435 = arith.addf %add3A_419, %mul3A_434 : vector<16xf32>
      %mul3A_436 = vector.broadcast %squeeze3A_424 : f32 to vector<16xf32>
      %mul3A_437 = arith.mulf %mul3A_436, %get3A_432 : vector<16xf32>
      %add3A_438 = arith.addf %add3A_422, %mul3A_437 : vector<16xf32>
      %slice3A_439 = vector.extract_strided_slice %mul3A_80 {offsets = [6], sizes = [1], strides = [1]} : vector<16xf32> to vector<1xf32>
      %squeeze3A_440 = vector.extract %slice3A_439[0] : f32 from vector<1xf32>
      %add3A_441 = arith.constant 22 : i32
      %add3A_442 = arith.addi %mul3A_84, %add3A_441 : i32
      %get3A_443 = arith.index_cast %add3A_442 : i32 to index
      %get3A_444 = arith.constant 0 : index
      %get3A_445 = tpu.vector_load %arg7[%get3A_443, %get3A_444] {strides = array<i32>} : memref<3200x32xf32, #tpu.memory_space<vmem>>, vector<16xf32>,
      %get3A_446 = arith.index_cast %add3A_442 : i32 to index
      %get3A_447 = arith.constant 16 : index
      %get3A_448 = tpu.vector_load %arg7[%get3A_446, %get3A_447] {strides = array<i32>} : memref<3200x32xf32, #tpu.memory_space<vmem>>, vector<16xf32>,
      %mul3A_449 = vector.broadcast %squeeze3A_440 : f32 to vector<16xf32>
      %mul3A_450 = arith.mulf %mul3A_449, %get3A_445 : vector<16xf32>
      %add3A_451 = arith.addf %add3A_435, %mul3A_450 : vector<16xf32>
      %mul3A_452 = vector.broadcast %squeeze3A_440 : f32 to vector<16xf32>
      %mul3A_453 = arith.mulf %mul3A_452, %get3A_448 : vector<16xf32>
      %add3A_454 = arith.addf %add3A_438, %mul3A_453 : vector<16xf32>
      %slice3A_455 = vector.extract_strided_slice %mul3A_80 {offsets = [7], sizes = [1], strides = [1]} : vector<16xf32> to vector<1xf32>
      %squeeze3A_456 = vector.extract %slice3A_455[0] : f32 from vector<1xf32>
      %add3A_457 = arith.constant 23 : i32
      %add3A_458 = arith.addi %mul3A_84, %add3A_457 : i32
      %get3A_459 = arith.index_cast %add3A_458 : i32 to index
      %get3A_460 = arith.constant 0 : index
      %get3A_461 = tpu.vector_load %arg7[%get3A_459, %get3A_460] {strides = array<i32>} : memref<3200x32xf32, #tpu.memory_space<vmem>>, vector<16xf32>,
      %get3A_462 = arith.index_cast %add3A_458 : i32 to index
      %get3A_463 = arith.constant 16 : index
      %get3A_464 = tpu.vector_load %arg7[%get3A_462, %get3A_463] {strides = array<i32>} : memref<3200x32xf32, #tpu.memory_space<vmem>>, vector<16xf32>,
      %mul3A_465 = vector.broadcast %squeeze3A_456 : f32 to vector<16xf32>
      %mul3A_466 = arith.mulf %mul3A_465, %get3A_461 : vector<16xf32>
      %add3A_467 = arith.addf %add3A_451, %mul3A_466 : vector<16xf32>
      %mul3A_468 = vector.broadcast %squeeze3A_456 : f32 to vector<16xf32>
      %mul3A_469 = arith.mulf %mul3A_468, %get3A_464 : vector<16xf32>
      %add3A_470 = arith.addf %add3A_454, %mul3A_469 : vector<16xf32>
      %slice3A_471 = vector.extract_strided_slice %mul3A_80 {offsets = [8], sizes = [1], strides = [1]} : vector<16xf32> to vector<1xf32>
      %squeeze3A_472 = vector.extract %slice3A_471[0] : f32 from vector<1xf32>
      %add3A_473 = arith.constant 24 : i32
      %add3A_474 = arith.addi %mul3A_84, %add3A_473 : i32
      %get3A_475 = arith.index_cast %add3A_474 : i32 to index
      %get3A_476 = arith.constant 0 : index
      %get3A_477 = tpu.vector_load %arg7[%get3A_475, %get3A_476] {strides = array<i32>} : memref<3200x32xf32, #tpu.memory_space<vmem>>, vector<16xf32>,
      %get3A_478 = arith.index_cast %add3A_474 : i32 to index
      %get3A_479 = arith.constant 16 : index
      %get3A_480 = tpu.vector_load %arg7[%get3A_478, %get3A_479] {strides = array<i32>} : memref<3200x32xf32, #tpu.memory_space<vmem>>, vector<16xf32>,
      %mul3A_481 = vector.broadcast %squeeze3A_472 : f32 to vector<16xf32>
      %mul3A_482 = arith.mulf %mul3A_481, %get3A_477 : vector<16xf32>
      %add3A_483 = arith.addf %add3A_467, %mul3A_482 : vector<16xf32>
      %mul3A_484 = vector.broadcast %squeeze3A_472 : f32 to vector<16xf32>
      %mul3A_485 = arith.mulf %mul3A_484, %get3A_480 : vector<16xf32>
      %add3A_486 = arith.addf %add3A_470, %mul3A_485 : vector<16xf32>
      %slice3A_487 = vector.extract_strided_slice %mul3A_80 {offsets = [9], sizes = [1], strides = [1]} : vector<16xf32> to vector<1xf32>
      %squeeze3A_488 = vector.extract %slice3A_487[0] : f32 from vector<1xf32>
      %add3A_489 = arith.constant 25 : i32
      %add3A_490 = arith.addi %mul3A_84, %add3A_489 : i32
      %get3A_491 = arith.index_cast %add3A_490 : i32 to index
      %get3A_492 = arith.constant 0 : index
      %get3A_493 = tpu.vector_load %arg7[%get3A_491, %get3A_492] {strides = array<i32>} : memref<3200x32xf32, #tpu.memory_space<vmem>>, vector<16xf32>,
      %get3A_494 = arith.index_cast %add3A_490 : i32 to index
      %get3A_495 = arith.constant 16 : index
      %get3A_496 = tpu.vector_load %arg7[%get3A_494, %get3A_495] {strides = array<i32>} : memref<3200x32xf32, #tpu.memory_space<vmem>>, vector<16xf32>,
      %mul3A_497 = vector.broadcast %squeeze3A_488 : f32 to vector<16xf32>
      %mul3A_498 = arith.mulf %mul3A_497, %get3A_493 : vector<16xf32>
      %add3A_499 = arith.addf %add3A_483, %mul3A_498 : vector<16xf32>
      %mul3A_500 = vector.broadcast %squeeze3A_488 : f32 to vector<16xf32>
      %mul3A_501 = arith.mulf %mul3A_500, %get3A_496 : vector<16xf32>
      %add3A_502 = arith.addf %add3A_486, %mul3A_501 : vector<16xf32>
      %slice3A_503 = vector.extract_strided_slice %mul3A_80 {offsets = [10], sizes = [1], strides = [1]} : vector<16xf32> to vector<1xf32>
      %squeeze3A_504 = vector.extract %slice3A_503[0] : f32 from vector<1xf32>
      %add3A_505 = arith.constant 26 : i32
      %add3A_506 = arith.addi %mul3A_84, %add3A_505 : i32
      %get3A_507 = arith.index_cast %add3A_506 : i32 to index
      %get3A_508 = arith.constant 0 : index
      %get3A_509 = tpu.vector_load %arg7[%get3A_507, %get3A_508] {strides = array<i32>} : memref<3200x32xf32, #tpu.memory_space<vmem>>, vector<16xf32>,
      %get3A_510 = arith.index_cast %add3A_506 : i32 to index
      %get3A_511 = arith.constant 16 : index
      %get3A_512 = tpu.vector_load %arg7[%get3A_510, %get3A_511] {strides = array<i32>} : memref<3200x32xf32, #tpu.memory_space<vmem>>, vector<16xf32>,
      %mul3A_513 = vector.broadcast %squeeze3A_504 : f32 to vector<16xf32>
      %mul3A_514 = arith.mulf %mul3A_513, %get3A_509 : vector<16xf32>
      %add3A_515 = arith.addf %add3A_499, %mul3A_514 : vector<16xf32>
      %mul3A_516 = vector.broadcast %squeeze3A_504 : f32 to vector<16xf32>
      %mul3A_517 = arith.mulf %mul3A_516, %get3A_512 : vector<16xf32>
      %add3A_518 = arith.addf %add3A_502, %mul3A_517 : vector<16xf32>
      %slice3A_519 = vector.extract_strided_slice %mul3A_80 {offsets = [11], sizes = [1], strides = [1]} : vector<16xf32> to vector<1xf32>
      %squeeze3A_520 = vector.extract %slice3A_519[0] : f32 from vector<1xf32>
      %add3A_521 = arith.constant 27 : i32
      %add3A_522 = arith.addi %mul3A_84, %add3A_521 : i32
      %get3A_523 = arith.index_cast %add3A_522 : i32 to index
      %get3A_524 = arith.constant 0 : index
      %get3A_525 = tpu.vector_load %arg7[%get3A_523, %get3A_524] {strides = array<i32>} : memref<3200x32xf32, #tpu.memory_space<vmem>>, vector<16xf32>,
      %get3A_526 = arith.index_cast %add3A_522 : i32 to index
      %get3A_527 = arith.constant 16 : index
      %get3A_528 = tpu.vector_load %arg7[%get3A_526, %get3A_527] {strides = array<i32>} : memref<3200x32xf32, #tpu.memory_space<vmem>>, vector<16xf32>,
      %mul3A_529 = vector.broadcast %squeeze3A_520 : f32 to vector<16xf32>
      %mul3A_530 = arith.mulf %mul3A_529, %get3A_525 : vector<16xf32>
      %add3A_531 = arith.addf %add3A_515, %mul3A_530 : vector<16xf32>
      %mul3A_532 = vector.broadcast %squeeze3A_520 : f32 to vector<16xf32>
      %mul3A_533 = arith.mulf %mul3A_532, %get3A_528 : vector<16xf32>
      %add3A_534 = arith.addf %add3A_518, %mul3A_533 : vector<16xf32>
      %slice3A_535 = vector.extract_strided_slice %mul3A_80 {offsets = [12], sizes = [1], strides = [1]} : vector<16xf32> to vector<1xf32>
      %squeeze3A_536 = vector.extract %slice3A_535[0] : f32 from vector<1xf32>
      %add3A_537 = arith.constant 28 : i32
      %add3A_538 = arith.addi %mul3A_84, %add3A_537 : i32
      %get3A_539 = arith.index_cast %add3A_538 : i32 to index
      %get3A_540 = arith.constant 0 : index
      %get3A_541 = tpu.vector_load %arg7[%get3A_539, %get3A_540] {strides = array<i32>} : memref<3200x32xf32, #tpu.memory_space<vmem>>, vector<16xf32>,
      %get3A_542 = arith.index_cast %add3A_538 : i32 to index
      %get3A_543 = arith.constant 16 : index
      %get3A_544 = tpu.vector_load %arg7[%get3A_542, %get3A_543] {strides = array<i32>} : memref<3200x32xf32, #tpu.memory_space<vmem>>, vector<16xf32>,
      %mul3A_545 = vector.broadcast %squeeze3A_536 : f32 to vector<16xf32>
      %mul3A_546 = arith.mulf %mul3A_545, %get3A_541 : vector<16xf32>
      %add3A_547 = arith.addf %add3A_531, %mul3A_546 : vector<16xf32>
      %mul3A_548 = vector.broadcast %squeeze3A_536 : f32 to vector<16xf32>
      %mul3A_549 = arith.mulf %mul3A_548, %get3A_544 : vector<16xf32>
      %add3A_550 = arith.addf %add3A_534, %mul3A_549 : vector<16xf32>
      %slice3A_551 = vector.extract_strided_slice %mul3A_80 {offsets = [13], sizes = [1], strides = [1]} : vector<16xf32> to vector<1xf32>
      %squeeze3A_552 = vector.extract %slice3A_551[0] : f32 from vector<1xf32>
      %add3A_553 = arith.constant 29 : i32
      %add3A_554 = arith.addi %mul3A_84, %add3A_553 : i32
      %get3A_555 = arith.index_cast %add3A_554 : i32 to index
      %get3A_556 = arith.constant 0 : index
      %get3A_557 = tpu.vector_load %arg7[%get3A_555, %get3A_556] {strides = array<i32>} : memref<3200x32xf32, #tpu.memory_space<vmem>>, vector<16xf32>,
      %get3A_558 = arith.index_cast %add3A_554 : i32 to index
      %get3A_559 = arith.constant 16 : index
      %get3A_560 = tpu.vector_load %arg7[%get3A_558, %get3A_559] {strides = array<i32>} : memref<3200x32xf32, #tpu.memory_space<vmem>>, vector<16xf32>,
      %mul3A_561 = vector.broadcast %squeeze3A_552 : f32 to vector<16xf32>
      %mul3A_562 = arith.mulf %mul3A_561, %get3A_557 : vector<16xf32>
      %add3A_563 = arith.addf %add3A_547, %mul3A_562 : vector<16xf32>
      %mul3A_564 = vector.broadcast %squeeze3A_552 : f32 to vector<16xf32>
      %mul3A_565 = arith.mulf %mul3A_564, %get3A_560 : vector<16xf32>
      %add3A_566 = arith.addf %add3A_550, %mul3A_565 : vector<16xf32>
      %slice3A_567 = vector.extract_strided_slice %mul3A_80 {offsets = [14], sizes = [1], strides = [1]} : vector<16xf32> to vector<1xf32>
      %squeeze3A_568 = vector.extract %slice3A_567[0] : f32 from vector<1xf32>
      %add3A_569 = arith.constant 30 : i32
      %add3A_570 = arith.addi %mul3A_84, %add3A_569 : i32
      %get3A_571 = arith.index_cast %add3A_570 : i32 to index
      %get3A_572 = arith.constant 0 : index
      %get3A_573 = tpu.vector_load %arg7[%get3A_571, %get3A_572] {strides = array<i32>} : memref<3200x32xf32, #tpu.memory_space<vmem>>, vector<16xf32>,
      %get3A_574 = arith.index_cast %add3A_570 : i32 to index
      %get3A_575 = arith.constant 16 : index
      %get3A_576 = tpu.vector_load %arg7[%get3A_574, %get3A_575] {strides = array<i32>} : memref<3200x32xf32, #tpu.memory_space<vmem>>, vector<16xf32>,
      %mul3A_577 = vector.broadcast %squeeze3A_568 : f32 to vector<16xf32>
      %mul3A_578 = arith.mulf %mul3A_577, %get3A_573 : vector<16xf32>
      %add3A_579 = arith.addf %add3A_563, %mul3A_578 : vector<16xf32>
      %mul3A_580 = vector.broadcast %squeeze3A_568 : f32 to vector<16xf32>
      %mul3A_581 = arith.mulf %mul3A_580, %get3A_576 : vector<16xf32>
      %add3A_582 = arith.addf %add3A_566, %mul3A_581 : vector<16xf32>
      %slice3A_583 = vector.extract_strided_slice %mul3A_80 {offsets = [15], sizes = [1], strides = [1]} : vector<16xf32> to vector<1xf32>
      %squeeze3A_584 = vector.extract %slice3A_583[0] : f32 from vector<1xf32>
      %add3A_585 = arith.constant 31 : i32
      %add3A_586 = arith.addi %mul3A_84, %add3A_585 : i32
      %get3A_587 = arith.index_cast %add3A_586 : i32 to index
      %get3A_588 = arith.constant 0 : index
      %get3A_589 = tpu.vector_load %arg7[%get3A_587, %get3A_588] {strides = array<i32>} : memref<3200x32xf32, #tpu.memory_space<vmem>>, vector<16xf32>,
      %get3A_590 = arith.index_cast %add3A_586 : i32 to index
      %get3A_591 = arith.constant 16 : index
      %get3A_592 = tpu.vector_load %arg7[%get3A_590, %get3A_591] {strides = array<i32>} : memref<3200x32xf32, #tpu.memory_space<vmem>>, vector<16xf32>,
      %mul3A_593 = vector.broadcast %squeeze3A_584 : f32 to vector<16xf32>
      %mul3A_594 = arith.mulf %mul3A_593, %get3A_589 : vector<16xf32>
      %add3A_595 = arith.addf %add3A_579, %mul3A_594 : vector<16xf32>
      %mul3A_596 = vector.broadcast %squeeze3A_584 : f32 to vector<16xf32>
      %mul3A_597 = arith.mulf %mul3A_596, %get3A_592 : vector<16xf32>
      %add3A_598 = arith.addf %add3A_582, %mul3A_597 : vector<16xf32>
      %slice3A_599 = vector.extract_strided_slice %mul3A_81 {offsets = [0], sizes = [1], strides = [1]} : vector<16xf32> to vector<1xf32>
      %squeeze3A_600 = vector.extract %slice3A_599[0] : f32 from vector<1xf32>
      %add3A_601 = arith.constant 32 : i32
      %add3A_602 = arith.addi %mul3A_84, %add3A_601 : i32
      %get3A_603 = arith.index_cast %add3A_602 : i32 to index
      %get3A_604 = arith.constant 0 : index
      %get3A_605 = tpu.vector_load %arg7[%get3A_603, %get3A_604] {strides = array<i32>} : memref<3200x32xf32, #tpu.memory_space<vmem>>, vector<16xf32>,
      %get3A_606 = arith.index_cast %add3A_602 : i32 to index
      %get3A_607 = arith.constant 16 : index
      %get3A_608 = tpu.vector_load %arg7[%get3A_606, %get3A_607] {strides = array<i32>} : memref<3200x32xf32, #tpu.memory_space<vmem>>, vector<16xf32>,
      %mul3A_609 = vector.broadcast %squeeze3A_600 : f32 to vector<16xf32>
      %mul3A_610 = arith.mulf %mul3A_609, %get3A_605 : vector<16xf32>
      %add3A_611 = arith.addf %add3A_595, %mul3A_610 : vector<16xf32>
      %mul3A_612 = vector.broadcast %squeeze3A_600 : f32 to vector<16xf32>
      %mul3A_613 = arith.mulf %mul3A_612, %get3A_608 : vector<16xf32>
      %add3A_614 = arith.addf %add3A_598, %mul3A_613 : vector<16xf32>
      %slice3A_615 = vector.extract_strided_slice %mul3A_81 {offsets = [1], sizes = [1], strides = [1]} : vector<16xf32> to vector<1xf32>
      %squeeze3A_616 = vector.extract %slice3A_615[0] : f32 from vector<1xf32>
      %add3A_617 = arith.constant 33 : i32
      %add3A_618 = arith.addi %mul3A_84, %add3A_617 : i32
      %get3A_619 = arith.index_cast %add3A_618 : i32 to index
      %get3A_620 = arith.constant 0 : index
      %get3A_621 = tpu.vector_load %arg7[%get3A_619, %get3A_620] {strides = array<i32>} : memref<3200x32xf32, #tpu.memory_space<vmem>>, vector<16xf32>,
      %get3A_622 = arith.index_cast %add3A_618 : i32 to index
      %get3A_623 = arith.constant 16 : index
      %get3A_624 = tpu.vector_load %arg7[%get3A_622, %get3A_623] {strides = array<i32>} : memref<3200x32xf32, #tpu.memory_space<vmem>>, vector<16xf32>,
      %mul3A_625 = vector.broadcast %squeeze3A_616 : f32 to vector<16xf32>
      %mul3A_626 = arith.mulf %mul3A_625, %get3A_621 : vector<16xf32>
      %add3A_627 = arith.addf %add3A_611, %mul3A_626 : vector<16xf32>
      %mul3A_628 = vector.broadcast %squeeze3A_616 : f32 to vector<16xf32>
      %mul3A_629 = arith.mulf %mul3A_628, %get3A_624 : vector<16xf32>
      %add3A_630 = arith.addf %add3A_614, %mul3A_629 : vector<16xf32>
      %slice3A_631 = vector.extract_strided_slice %mul3A_81 {offsets = [2], sizes = [1], strides = [1]} : vector<16xf32> to vector<1xf32>
      %squeeze3A_632 = vector.extract %slice3A_631[0] : f32 from vector<1xf32>
      %add3A_633 = arith.constant 34 : i32
      %add3A_634 = arith.addi %mul3A_84, %add3A_633 : i32
      %get3A_635 = arith.index_cast %add3A_634 : i32 to index
      %get3A_636 = arith.constant 0 : index
      %get3A_637 = tpu.vector_load %arg7[%get3A_635, %get3A_636] {strides = array<i32>} : memref<3200x32xf32, #tpu.memory_space<vmem>>, vector<16xf32>,
      %get3A_638 = arith.index_cast %add3A_634 : i32 to index
      %get3A_639 = arith.constant 16 : index
      %get3A_640 = tpu.vector_load %arg7[%get3A_638, %get3A_639] {strides = array<i32>} : memref<3200x32xf32, #tpu.memory_space<vmem>>, vector<16xf32>,
      %mul3A_641 = vector.broadcast %squeeze3A_632 : f32 to vector<16xf32>
      %mul3A_642 = arith.mulf %mul3A_641, %get3A_637 : vector<16xf32>
      %add3A_643 = arith.addf %add3A_627, %mul3A_642 : vector<16xf32>
      %mul3A_644 = vector.broadcast %squeeze3A_632 : f32 to vector<16xf32>
      %mul3A_645 = arith.mulf %mul3A_644, %get3A_640 : vector<16xf32>
      %add3A_646 = arith.addf %add3A_630, %mul3A_645 : vector<16xf32>
      %slice3A_647 = vector.extract_strided_slice %mul3A_81 {offsets = [3], sizes = [1], strides = [1]} : vector<16xf32> to vector<1xf32>
      %squeeze3A_648 = vector.extract %slice3A_647[0] : f32 from vector<1xf32>
      %add3A_649 = arith.constant 35 : i32
      %add3A_650 = arith.addi %mul3A_84, %add3A_649 : i32
      %get3A_651 = arith.index_cast %add3A_650 : i32 to index
      %get3A_652 = arith.constant 0 : index
      %get3A_653 = tpu.vector_load %arg7[%get3A_651, %get3A_652] {strides = array<i32>} : memref<3200x32xf32, #tpu.memory_space<vmem>>, vector<16xf32>,
      %get3A_654 = arith.index_cast %add3A_650 : i32 to index
      %get3A_655 = arith.constant 16 : index
      %get3A_656 = tpu.vector_load %arg7[%get3A_654, %get3A_655] {strides = array<i32>} : memref<3200x32xf32, #tpu.memory_space<vmem>>, vector<16xf32>,
      %mul3A_657 = vector.broadcast %squeeze3A_648 : f32 to vector<16xf32>
      %mul3A_658 = arith.mulf %mul3A_657, %get3A_653 : vector<16xf32>
      %add3A_659 = arith.addf %add3A_643, %mul3A_658 : vector<16xf32>
      %mul3A_660 = vector.broadcast %squeeze3A_648 : f32 to vector<16xf32>
      %mul3A_661 = arith.mulf %mul3A_660, %get3A_656 : vector<16xf32>
      %add3A_662 = arith.addf %add3A_646, %mul3A_661 : vector<16xf32>
      %slice3A_663 = vector.extract_strided_slice %mul3A_81 {offsets = [4], sizes = [1], strides = [1]} : vector<16xf32> to vector<1xf32>
      %squeeze3A_664 = vector.extract %slice3A_663[0] : f32 from vector<1xf32>
      %add3A_665 = arith.constant 36 : i32
      %add3A_666 = arith.addi %mul3A_84, %add3A_665 : i32
      %get3A_667 = arith.index_cast %add3A_666 : i32 to index
      %get3A_668 = arith.constant 0 : index
      %get3A_669 = tpu.vector_load %arg7[%get3A_667, %get3A_668] {strides = array<i32>} : memref<3200x32xf32, #tpu.memory_space<vmem>>, vector<16xf32>,
      %get3A_670 = arith.index_cast %add3A_666 : i32 to index
      %get3A_671 = arith.constant 16 : index
      %get3A_672 = tpu.vector_load %arg7[%get3A_670, %get3A_671] {strides = array<i32>} : memref<3200x32xf32, #tpu.memory_space<vmem>>, vector<16xf32>,
      %mul3A_673 = vector.broadcast %squeeze3A_664 : f32 to vector<16xf32>
      %mul3A_674 = arith.mulf %mul3A_673, %get3A_669 : vector<16xf32>
      %add3A_675 = arith.addf %add3A_659, %mul3A_674 : vector<16xf32>
      %mul3A_676 = vector.broadcast %squeeze3A_664 : f32 to vector<16xf32>
      %mul3A_677 = arith.mulf %mul3A_676, %get3A_672 : vector<16xf32>
      %add3A_678 = arith.addf %add3A_662, %mul3A_677 : vector<16xf32>
      %slice3A_679 = vector.extract_strided_slice %mul3A_81 {offsets = [5], sizes = [1], strides = [1]} : vector<16xf32> to vector<1xf32>
      %squeeze3A_680 = vector.extract %slice3A_679[0] : f32 from vector<1xf32>
      %add3A_681 = arith.constant 37 : i32
      %add3A_682 = arith.addi %mul3A_84, %add3A_681 : i32
      %get3A_683 = arith.index_cast %add3A_682 : i32 to index
      %get3A_684 = arith.constant 0 : index
      %get3A_685 = tpu.vector_load %arg7[%get3A_683, %get3A_684] {strides = array<i32>} : memref<3200x32xf32, #tpu.memory_space<vmem>>, vector<16xf32>,
      %get3A_686 = arith.index_cast %add3A_682 : i32 to index
      %get3A_687 = arith.constant 16 : index
      %get3A_688 = tpu.vector_load %arg7[%get3A_686, %get3A_687] {strides = array<i32>} : memref<3200x32xf32, #tpu.memory_space<vmem>>, vector<16xf32>,
      %mul3A_689 = vector.broadcast %squeeze3A_680 : f32 to vector<16xf32>
      %mul3A_690 = arith.mulf %mul3A_689, %get3A_685 : vector<16xf32>
      %add3A_691 = arith.addf %add3A_675, %mul3A_690 : vector<16xf32>
      %mul3A_692 = vector.broadcast %squeeze3A_680 : f32 to vector<16xf32>
      %mul3A_693 = arith.mulf %mul3A_692, %get3A_688 : vector<16xf32>
      %add3A_694 = arith.addf %add3A_678, %mul3A_693 : vector<16xf32>
      %slice3A_695 = vector.extract_strided_slice %mul3A_81 {offsets = [6], sizes = [1], strides = [1]} : vector<16xf32> to vector<1xf32>
      %squeeze3A_696 = vector.extract %slice3A_695[0] : f32 from vector<1xf32>
      %add3A_697 = arith.constant 38 : i32
      %add3A_698 = arith.addi %mul3A_84, %add3A_697 : i32
      %get3A_699 = arith.index_cast %add3A_698 : i32 to index
      %get3A_700 = arith.constant 0 : index
      %get3A_701 = tpu.vector_load %arg7[%get3A_699, %get3A_700] {strides = array<i32>} : memref<3200x32xf32, #tpu.memory_space<vmem>>, vector<16xf32>,
      %get3A_702 = arith.index_cast %add3A_698 : i32 to index
      %get3A_703 = arith.constant 16 : index
      %get3A_704 = tpu.vector_load %arg7[%get3A_702, %get3A_703] {strides = array<i32>} : memref<3200x32xf32, #tpu.memory_space<vmem>>, vector<16xf32>,
      %mul3A_705 = vector.broadcast %squeeze3A_696 : f32 to vector<16xf32>
      %mul3A_706 = arith.mulf %mul3A_705, %get3A_701 : vector<16xf32>
      %add3A_707 = arith.addf %add3A_691, %mul3A_706 : vector<16xf32>
      %mul3A_708 = vector.broadcast %squeeze3A_696 : f32 to vector<16xf32>
      %mul3A_709 = arith.mulf %mul3A_708, %get3A_704 : vector<16xf32>
      %add3A_710 = arith.addf %add3A_694, %mul3A_709 : vector<16xf32>
      %slice3A_711 = vector.extract_strided_slice %mul3A_81 {offsets = [7], sizes = [1], strides = [1]} : vector<16xf32> to vector<1xf32>
      %squeeze3A_712 = vector.extract %slice3A_711[0] : f32 from vector<1xf32>
      %add3A_713 = arith.constant 39 : i32
      %add3A_714 = arith.addi %mul3A_84, %add3A_713 : i32
      %get3A_715 = arith.index_cast %add3A_714 : i32 to index
      %get3A_716 = arith.constant 0 : index
      %get3A_717 = tpu.vector_load %arg7[%get3A_715, %get3A_716] {strides = array<i32>} : memref<3200x32xf32, #tpu.memory_space<vmem>>, vector<16xf32>,
      %get3A_718 = arith.index_cast %add3A_714 : i32 to index
      %get3A_719 = arith.constant 16 : index
      %get3A_720 = tpu.vector_load %arg7[%get3A_718, %get3A_719] {strides = array<i32>} : memref<3200x32xf32, #tpu.memory_space<vmem>>, vector<16xf32>,
      %mul3A_721 = vector.broadcast %squeeze3A_712 : f32 to vector<16xf32>
      %mul3A_722 = arith.mulf %mul3A_721, %get3A_717 : vector<16xf32>
      %add3A_723 = arith.addf %add3A_707, %mul3A_722 : vector<16xf32>
      %mul3A_724 = vector.broadcast %squeeze3A_712 : f32 to vector<16xf32>
      %mul3A_725 = arith.mulf %mul3A_724, %get3A_720 : vector<16xf32>
      %add3A_726 = arith.addf %add3A_710, %mul3A_725 : vector<16xf32>
      %slice3A_727 = vector.extract_strided_slice %mul3A_81 {offsets = [8], sizes = [1], strides = [1]} : vector<16xf32> to vector<1xf32>
      %squeeze3A_728 = vector.extract %slice3A_727[0] : f32 from vector<1xf32>
      %add3A_729 = arith.constant 40 : i32
      %add3A_730 = arith.addi %mul3A_84, %add3A_729 : i32
      %get3A_731 = arith.index_cast %add3A_730 : i32 to index
      %get3A_732 = arith.constant 0 : index
      %get3A_733 = tpu.vector_load %arg7[%get3A_731, %get3A_732] {strides = array<i32>} : memref<3200x32xf32, #tpu.memory_space<vmem>>, vector<16xf32>,
      %get3A_734 = arith.index_cast %add3A_730 : i32 to index
      %get3A_735 = arith.constant 16 : index
      %get3A_736 = tpu.vector_load %arg7[%get3A_734, %get3A_735] {strides = array<i32>} : memref<3200x32xf32, #tpu.memory_space<vmem>>, vector<16xf32>,
      %mul3A_737 = vector.broadcast %squeeze3A_728 : f32 to vector<16xf32>
      %mul3A_738 = arith.mulf %mul3A_737, %get3A_733 : vector<16xf32>
      %add3A_739 = arith.addf %add3A_723, %mul3A_738 : vector<16xf32>
      %mul3A_740 = vector.broadcast %squeeze3A_728 : f32 to vector<16xf32>
      %mul3A_741 = arith.mulf %mul3A_740, %get3A_736 : vector<16xf32>
      %add3A_742 = arith.addf %add3A_726, %mul3A_741 : vector<16xf32>
      %slice3A_743 = vector.extract_strided_slice %mul3A_81 {offsets = [9], sizes = [1], strides = [1]} : vector<16xf32> to vector<1xf32>
      %squeeze3A_744 = vector.extract %slice3A_743[0] : f32 from vector<1xf32>
      %add3A_745 = arith.constant 41 : i32
      %add3A_746 = arith.addi %mul3A_84, %add3A_745 : i32
      %get3A_747 = arith.index_cast %add3A_746 : i32 to index
      %get3A_748 = arith.constant 0 : index
      %get3A_749 = tpu.vector_load %arg7[%get3A_747, %get3A_748] {strides = array<i32>} : memref<3200x32xf32, #tpu.memory_space<vmem>>, vector<16xf32>,
      %get3A_750 = arith.index_cast %add3A_746 : i32 to index
      %get3A_751 = arith.constant 16 : index
      %get3A_752 = tpu.vector_load %arg7[%get3A_750, %get3A_751] {strides = array<i32>} : memref<3200x32xf32, #tpu.memory_space<vmem>>, vector<16xf32>,
      %mul3A_753 = vector.broadcast %squeeze3A_744 : f32 to vector<16xf32>
      %mul3A_754 = arith.mulf %mul3A_753, %get3A_749 : vector<16xf32>
      %add3A_755 = arith.addf %add3A_739, %mul3A_754 : vector<16xf32>
      %mul3A_756 = vector.broadcast %squeeze3A_744 : f32 to vector<16xf32>
      %mul3A_757 = arith.mulf %mul3A_756, %get3A_752 : vector<16xf32>
      %add3A_758 = arith.addf %add3A_742, %mul3A_757 : vector<16xf32>
      %slice3A_759 = vector.extract_strided_slice %mul3A_81 {offsets = [10], sizes = [1], strides = [1]} : vector<16xf32> to vector<1xf32>
      %squeeze3A_760 = vector.extract %slice3A_759[0] : f32 from vector<1xf32>
      %add3A_761 = arith.constant 42 : i32
      %add3A_762 = arith.addi %mul3A_84, %add3A_761 : i32
      %get3A_763 = arith.index_cast %add3A_762 : i32 to index
      %get3A_764 = arith.constant 0 : index
      %get3A_765 = tpu.vector_load %arg7[%get3A_763, %get3A_764] {strides = array<i32>} : memref<3200x32xf32, #tpu.memory_space<vmem>>, vector<16xf32>,
      %get3A_766 = arith.index_cast %add3A_762 : i32 to index
      %get3A_767 = arith.constant 16 : index
      %get3A_768 = tpu.vector_load %arg7[%get3A_766, %get3A_767] {strides = array<i32>} : memref<3200x32xf32, #tpu.memory_space<vmem>>, vector<16xf32>,
      %mul3A_769 = vector.broadcast %squeeze3A_760 : f32 to vector<16xf32>
      %mul3A_770 = arith.mulf %mul3A_769, %get3A_765 : vector<16xf32>
      %add3A_771 = arith.addf %add3A_755, %mul3A_770 : vector<16xf32>
      %mul3A_772 = vector.broadcast %squeeze3A_760 : f32 to vector<16xf32>
      %mul3A_773 = arith.mulf %mul3A_772, %get3A_768 : vector<16xf32>
      %add3A_774 = arith.addf %add3A_758, %mul3A_773 : vector<16xf32>
      %slice3A_775 = vector.extract_strided_slice %mul3A_81 {offsets = [11], sizes = [1], strides = [1]} : vector<16xf32> to vector<1xf32>
      %squeeze3A_776 = vector.extract %slice3A_775[0] : f32 from vector<1xf32>
      %add3A_777 = arith.constant 43 : i32
      %add3A_778 = arith.addi %mul3A_84, %add3A_777 : i32
      %get3A_779 = arith.index_cast %add3A_778 : i32 to index
      %get3A_780 = arith.constant 0 : index
      %get3A_781 = tpu.vector_load %arg7[%get3A_779, %get3A_780] {strides = array<i32>} : memref<3200x32xf32, #tpu.memory_space<vmem>>, vector<16xf32>,
      %get3A_782 = arith.index_cast %add3A_778 : i32 to index
      %get3A_783 = arith.constant 16 : index
      %get3A_784 = tpu.vector_load %arg7[%get3A_782, %get3A_783] {strides = array<i32>} : memref<3200x32xf32, #tpu.memory_space<vmem>>, vector<16xf32>,
      %mul3A_785 = vector.broadcast %squeeze3A_776 : f32 to vector<16xf32>
      %mul3A_786 = arith.mulf %mul3A_785, %get3A_781 : vector<16xf32>
      %add3A_787 = arith.addf %add3A_771, %mul3A_786 : vector<16xf32>
      %mul3A_788 = vector.broadcast %squeeze3A_776 : f32 to vector<16xf32>
      %mul3A_789 = arith.mulf %mul3A_788, %get3A_784 : vector<16xf32>
      %add3A_790 = arith.addf %add3A_774, %mul3A_789 : vector<16xf32>
      %slice3A_791 = vector.extract_strided_slice %mul3A_81 {offsets = [12], sizes = [1], strides = [1]} : vector<16xf32> to vector<1xf32>
      %squeeze3A_792 = vector.extract %slice3A_791[0] : f32 from vector<1xf32>
      %add3A_793 = arith.constant 44 : i32
      %add3A_794 = arith.addi %mul3A_84, %add3A_793 : i32
      %get3A_795 = arith.index_cast %add3A_794 : i32 to index
      %get3A_796 = arith.constant 0 : index
      %get3A_797 = tpu.vector_load %arg7[%get3A_795, %get3A_796] {strides = array<i32>} : memref<3200x32xf32, #tpu.memory_space<vmem>>, vector<16xf32>,
      %get3A_798 = arith.index_cast %add3A_794 : i32 to index
      %get3A_799 = arith.constant 16 : index
      %get3A_800 = tpu.vector_load %arg7[%get3A_798, %get3A_799] {strides = array<i32>} : memref<3200x32xf32, #tpu.memory_space<vmem>>, vector<16xf32>,
      %mul3A_801 = vector.broadcast %squeeze3A_792 : f32 to vector<16xf32>
      %mul3A_802 = arith.mulf %mul3A_801, %get3A_797 : vector<16xf32>
      %add3A_803 = arith.addf %add3A_787, %mul3A_802 : vector<16xf32>
      %mul3A_804 = vector.broadcast %squeeze3A_792 : f32 to vector<16xf32>
      %mul3A_805 = arith.mulf %mul3A_804, %get3A_800 : vector<16xf32>
      %add3A_806 = arith.addf %add3A_790, %mul3A_805 : vector<16xf32>
      %slice3A_807 = vector.extract_strided_slice %mul3A_81 {offsets = [13], sizes = [1], strides = [1]} : vector<16xf32> to vector<1xf32>
      %squeeze3A_808 = vector.extract %slice3A_807[0] : f32 from vector<1xf32>
      %add3A_809 = arith.constant 45 : i32
      %add3A_810 = arith.addi %mul3A_84, %add3A_809 : i32
      %get3A_811 = arith.index_cast %add3A_810 : i32 to index
      %get3A_812 = arith.constant 0 : index
      %get3A_813 = tpu.vector_load %arg7[%get3A_811, %get3A_812] {strides = array<i32>} : memref<3200x32xf32, #tpu.memory_space<vmem>>, vector<16xf32>,
      %get3A_814 = arith.index_cast %add3A_810 : i32 to index
      %get3A_815 = arith.constant 16 : index
      %get3A_816 = tpu.vector_load %arg7[%get3A_814, %get3A_815] {strides = array<i32>} : memref<3200x32xf32, #tpu.memory_space<vmem>>, vector<16xf32>,
      %mul3A_817 = vector.broadcast %squeeze3A_808 : f32 to vector<16xf32>
      %mul3A_818 = arith.mulf %mul3A_817, %get3A_813 : vector<16xf32>
      %add3A_819 = arith.addf %add3A_803, %mul3A_818 : vector<16xf32>
      %mul3A_820 = vector.broadcast %squeeze3A_808 : f32 to vector<16xf32>
      %mul3A_821 = arith.mulf %mul3A_820, %get3A_816 : vector<16xf32>
      %add3A_822 = arith.addf %add3A_806, %mul3A_821 : vector<16xf32>
      %slice3A_823 = vector.extract_strided_slice %mul3A_81 {offsets = [14], sizes = [1], strides = [1]} : vector<16xf32> to vector<1xf32>
      %squeeze3A_824 = vector.extract %slice3A_823[0] : f32 from vector<1xf32>
      %add3A_825 = arith.constant 46 : i32
      %add3A_826 = arith.addi %mul3A_84, %add3A_825 : i32
      %get3A_827 = arith.index_cast %add3A_826 : i32 to index
      %get3A_828 = arith.constant 0 : index
      %get3A_829 = tpu.vector_load %arg7[%get3A_827, %get3A_828] {strides = array<i32>} : memref<3200x32xf32, #tpu.memory_space<vmem>>, vector<16xf32>,
      %get3A_830 = arith.index_cast %add3A_826 : i32 to index
      %get3A_831 = arith.constant 16 : index
      %get3A_832 = tpu.vector_load %arg7[%get3A_830, %get3A_831] {strides = array<i32>} : memref<3200x32xf32, #tpu.memory_space<vmem>>, vector<16xf32>,
      %mul3A_833 = vector.broadcast %squeeze3A_824 : f32 to vector<16xf32>
      %mul3A_834 = arith.mulf %mul3A_833, %get3A_829 : vector<16xf32>
      %add3A_835 = arith.addf %add3A_819, %mul3A_834 : vector<16xf32>
      %mul3A_836 = vector.broadcast %squeeze3A_824 : f32 to vector<16xf32>
      %mul3A_837 = arith.mulf %mul3A_836, %get3A_832 : vector<16xf32>
      %add3A_838 = arith.addf %add3A_822, %mul3A_837 : vector<16xf32>
      %slice3A_839 = vector.extract_strided_slice %mul3A_81 {offsets = [15], sizes = [1], strides = [1]} : vector<16xf32> to vector<1xf32>
      %squeeze3A_840 = vector.extract %slice3A_839[0] : f32 from vector<1xf32>
      %add3A_841 = arith.constant 47 : i32
      %add3A_842 = arith.addi %mul3A_84, %add3A_841 : i32
      %get3A_843 = arith.index_cast %add3A_842 : i32 to index
      %get3A_844 = arith.constant 0 : index
      %get3A_845 = tpu.vector_load %arg7[%get3A_843, %get3A_844] {strides = array<i32>} : memref<3200x32xf32, #tpu.memory_space<vmem>>, vector<16xf32>,
      %get3A_846 = arith.index_cast %add3A_842 : i32 to index
      %get3A_847 = arith.constant 16 : index
      %get3A_848 = tpu.vector_load %arg7[%get3A_846, %get3A_847] {strides = array<i32>} : memref<3200x32xf32, #tpu.memory_space<vmem>>, vector<16xf32>,
      %mul3A_849 = vector.broadcast %squeeze3A_840 : f32 to vector<16xf32>
      %mul3A_850 = arith.mulf %mul3A_849, %get3A_845 : vector<16xf32>
      %add3A_851 = arith.addf %add3A_835, %mul3A_850 : vector<16xf32>
      %mul3A_852 = vector.broadcast %squeeze3A_840 : f32 to vector<16xf32>
      %mul3A_853 = arith.mulf %mul3A_852, %get3A_848 : vector<16xf32>
      %add3A_854 = arith.addf %add3A_838, %mul3A_853 : vector<16xf32>
      %slice3A_855 = vector.extract_strided_slice %mul3A_82 {offsets = [0], sizes = [1], strides = [1]} : vector<16xf32> to vector<1xf32>
      %squeeze3A_856 = vector.extract %slice3A_855[0] : f32 from vector<1xf32>
      %add3A_857 = arith.constant 48 : i32
      %add3A_858 = arith.addi %mul3A_84, %add3A_857 : i32
      %get3A_859 = arith.index_cast %add3A_858 : i32 to index
      %get3A_860 = arith.constant 0 : index
      %get3A_861 = tpu.vector_load %arg7[%get3A_859, %get3A_860] {strides = array<i32>} : memref<3200x32xf32, #tpu.memory_space<vmem>>, vector<16xf32>,
      %get3A_862 = arith.index_cast %add3A_858 : i32 to index
      %get3A_863 = arith.constant 16 : index
      %get3A_864 = tpu.vector_load %arg7[%get3A_862, %get3A_863] {strides = array<i32>} : memref<3200x32xf32, #tpu.memory_space<vmem>>, vector<16xf32>,
      %mul3A_865 = vector.broadcast %squeeze3A_856 : f32 to vector<16xf32>
      %mul3A_866 = arith.mulf %mul3A_865, %get3A_861 : vector<16xf32>
      %add3A_867 = arith.addf %add3A_851, %mul3A_866 : vector<16xf32>
      %mul3A_868 = vector.broadcast %squeeze3A_856 : f32 to vector<16xf32>
      %mul3A_869 = arith.mulf %mul3A_868, %get3A_864 : vector<16xf32>
      %add3A_870 = arith.addf %add3A_854, %mul3A_869 : vector<16xf32>
      %slice3A_871 = vector.extract_strided_slice %mul3A_82 {offsets = [1], sizes = [1], strides = [1]} : vector<16xf32> to vector<1xf32>
      %squeeze3A_872 = vector.extract %slice3A_871[0] : f32 from vector<1xf32>
      %add3A_873 = arith.constant 49 : i32
      %add3A_874 = arith.addi %mul3A_84, %add3A_873 : i32
      %get3A_875 = arith.index_cast %add3A_874 : i32 to index
      %get3A_876 = arith.constant 0 : index
      %get3A_877 = tpu.vector_load %arg7[%get3A_875, %get3A_876] {strides = array<i32>} : memref<3200x32xf32, #tpu.memory_space<vmem>>, vector<16xf32>,
      %get3A_878 = arith.index_cast %add3A_874 : i32 to index
      %get3A_879 = arith.constant 16 : index
      %get3A_880 = tpu.vector_load %arg7[%get3A_878, %get3A_879] {strides = array<i32>} : memref<3200x32xf32, #tpu.memory_space<vmem>>, vector<16xf32>,
      %mul3A_881 = vector.broadcast %squeeze3A_872 : f32 to vector<16xf32>
      %mul3A_882 = arith.mulf %mul3A_881, %get3A_877 : vector<16xf32>
      %add3A_883 = arith.addf %add3A_867, %mul3A_882 : vector<16xf32>
      %mul3A_884 = vector.broadcast %squeeze3A_872 : f32 to vector<16xf32>
      %mul3A_885 = arith.mulf %mul3A_884, %get3A_880 : vector<16xf32>
      %add3A_886 = arith.addf %add3A_870, %mul3A_885 : vector<16xf32>
      %swap3A = arith.index_cast %scan3A_40 : i32 to index
      %swap3A_887 = arith.constant 0 : index
      %swap3A_888 = tpu.vector_load %arg9[%swap3A, %swap3A_887] {strides = array<i32>} : memref<64x32xf32, #tpu.memory_space<vmem>>, vector<16xf32>,
      tpu.vector_store %arg9[%swap3A, %swap3A_887], %add3A_883 {strides = array<i32>} : memref<64x32xf32, #tpu.memory_space<vmem>>, vector<16xf32>,
      %swap3A_889 = arith.index_cast %scan3A_40 : i32 to index
      %swap3A_890 = arith.constant 16 : index
      %swap3A_891 = tpu.vector_load %arg9[%swap3A_889, %swap3A_890] {strides = array<i32>} : memref<64x32xf32, #tpu.memory_space<vmem>>, vector<16xf32>,
      tpu.vector_store %arg9[%swap3A_889, %swap3A_890], %add3A_886 {strides = array<i32>} : memref<64x32xf32, #tpu.memory_space<vmem>>, vector<16xf32>,
      %scan3A_892 = arith.constant 0 : i32
      scf.yield %scan3A_892 : i32
    }
    %scan3A_16 = arith.constant 64 : i32
    %mul3A_17 = arith.constant 64 : i32
    %mul3A_18 = arith.muli %add3A_4, %mul3A_17 : i32
    "tpu.region"() ({
      %run_scoped3A = tpu.sem_alloc : memref<!tpu.dma_semaphore, #tpu.memory_space<semaphore_mem>>
      %dma_start3A_40 = arith.constant 0 : i32
      %dma_start3A_41 = tpu.memref_slice %arg5[%mul3A_18, %dma_start3A_40] : memref<4096x32xf32, #tpu.memory_space<hbm>> -> memref<64x32xf32, #tpu.memory_space<hbm>>
      %dma_start3A_42 = arith.constant 0 : i32
      %dma_start3A_43 = tpu.memref_slice %arg5[%mul3A_18, %dma_start3A_42] : memref<4096x32xf32, #tpu.memory_space<hbm>> -> memref<64x32xf32, #tpu.memory_space<hbm>>
      tpu.enqueue_dma source(%arg9 : memref<64x32xf32, #tpu.memory_space<vmem>>) target(%dma_start3A_43 : memref<64x32xf32, #tpu.memory_space<hbm>>) target_semaphore(%run_scoped3A : memref<!tpu.dma_semaphore, #tpu.memory_space<semaphore_mem>>)
      %dma_wait3A_44 = arith.constant 0 : i32
      %dma_wait3A_45 = tpu.memref_slice %arg5[%mul3A_18, %dma_wait3A_44] : memref<4096x32xf32, #tpu.memory_space<hbm>> -> memref<64x32xf32, #tpu.memory_space<hbm>>
      %dma_wait3A_46 = arith.constant 0 : i32
      %dma_wait3A_47 = tpu.memref_slice %arg5[%mul3A_18, %dma_wait3A_46] : memref<4096x32xf32, #tpu.memory_space<hbm>> -> memref<64x32xf32, #tpu.memory_space<hbm>>
      tpu.wait_dma2 semaphore(%run_scoped3A : memref<!tpu.dma_semaphore, #tpu.memory_space<semaphore_mem>>) src(%arg9 : memref<64x32xf32, #tpu.memory_space<vmem>>) dst(%dma_wait3A_47 : memref<64x32xf32, #tpu.memory_space<hbm>>)
      tpu.yield
    }) : () -> ()
    %mul3A_19 = arith.constant 2 : i32
    %mul3A_20 = arith.muli %add3A, %mul3A_19 : i32
    %add3A_21 = arith.constant 1 : i32
    %add3A_22 = arith.addi %mul3A_20, %add3A_21 : i32
    "tpu.region"() ({
      %run_scoped3A = tpu.sem_alloc : memref<!tpu.dma_semaphore, #tpu.memory_space<semaphore_mem>>
      %dma_start3A_40 = arith.constant 0 : i32
      %dma_start3A_41 = tpu.memref_slice %arg2[%add3A_22, %dma_start3A_40] : memref<64x3200xi32, #tpu.memory_space<hbm>> -> memref<1x3200xi32, #tpu.memory_space<hbm>>
      %dma_start3A_42 = tpu.memref_squeeze %dma_start3A_41 : memref<1x3200xi32, #tpu.memory_space<hbm>> -> memref<3200xi32, #tpu.memory_space<hbm>>
      %dma_start3A_43 = arith.constant 0 : i32
      %dma_start3A_44 = tpu.memref_slice %arg2[%add3A_22, %dma_start3A_43] : memref<64x3200xi32, #tpu.memory_space<hbm>> -> memref<1x3200xi32, #tpu.memory_space<hbm>>
      %dma_start3A_45 = tpu.memref_squeeze %dma_start3A_44 : memref<1x3200xi32, #tpu.memory_space<hbm>> -> memref<3200xi32, #tpu.memory_space<hbm>>
      tpu.enqueue_dma source(%dma_start3A_45 : memref<3200xi32, #tpu.memory_space<hbm>>) target(%arg6 : memref<3200xi32, #tpu.memory_space<vmem>>) target_semaphore(%run_scoped3A : memref<!tpu.dma_semaphore, #tpu.memory_space<semaphore_mem>>)
      %dma_wait3A_46 = arith.constant 0 : i32
      %dma_wait3A_47 = tpu.memref_slice %arg2[%add3A_22, %dma_wait3A_46] : memref<64x3200xi32, #tpu.memory_space<hbm>> -> memref<1x3200xi32, #tpu.memory_space<hbm>>
      %dma_wait3A_48 = tpu.memref_squeeze %dma_wait3A_47 : memref<1x3200xi32, #tpu.memory_space<hbm>> -> memref<3200xi32, #tpu.memory_space<hbm>>
      %dma_wait3A_49 = arith.constant 0 : i32
      %dma_wait3A_50 = tpu.memref_slice %arg2[%add3A_22, %dma_wait3A_49] : memref<64x3200xi32, #tpu.memory_space<hbm>> -> memref<1x3200xi32, #tpu.memory_space<hbm>>
      %dma_wait3A_51 = tpu.memref_squeeze %dma_wait3A_50 : memref<1x3200xi32, #tpu.memory_space<hbm>> -> memref<3200xi32, #tpu.memory_space<hbm>>
      tpu.wait_dma2 semaphore(%run_scoped3A : memref<!tpu.dma_semaphore, #tpu.memory_space<semaphore_mem>>) src(%dma_wait3A_51 : memref<3200xi32, #tpu.memory_space<hbm>>) dst(%arg6 : memref<3200xi32, #tpu.memory_space<vmem>>)
      tpu.yield
    }) : () -> ()
    %mul3A_23 = arith.constant 64 : i32
    %mul3A_24 = arith.muli %add3A_22, %mul3A_23 : i32
    "tpu.region"() ({
      %run_scoped3A = tpu.sem_alloc : memref<!tpu.dma_semaphore, #tpu.memory_space<semaphore_mem>>
      %dma_start3A_40 = arith.constant 0 : i32
      %dma_start3A_41 = tpu.memref_slice %arg3[%mul3A_24, %dma_start3A_40] : memref<4096x64xf32, #tpu.memory_space<hbm>> -> memref<64x64xf32, #tpu.memory_space<hbm>>
      %dma_start3A_42 = arith.constant 0 : i32
      %dma_start3A_43 = tpu.memref_slice %arg3[%mul3A_24, %dma_start3A_42] : memref<4096x64xf32, #tpu.memory_space<hbm>> -> memref<64x64xf32, #tpu.memory_space<hbm>>
      tpu.enqueue_dma source(%dma_start3A_43 : memref<64x64xf32, #tpu.memory_space<hbm>>) target(%arg8 : memref<64x64xf32, #tpu.memory_space<vmem>>) target_semaphore(%run_scoped3A : memref<!tpu.dma_semaphore, #tpu.memory_space<semaphore_mem>>)
      %dma_wait3A_44 = arith.constant 0 : i32
      %dma_wait3A_45 = tpu.memref_slice %arg3[%mul3A_24, %dma_wait3A_44] : memref<4096x64xf32, #tpu.memory_space<hbm>> -> memref<64x64xf32, #tpu.memory_space<hbm>>
      %dma_wait3A_46 = arith.constant 0 : i32
      %dma_wait3A_47 = tpu.memref_slice %arg3[%mul3A_24, %dma_wait3A_46] : memref<4096x64xf32, #tpu.memory_space<hbm>> -> memref<64x64xf32, #tpu.memory_space<hbm>>
      tpu.wait_dma2 semaphore(%run_scoped3A : memref<!tpu.dma_semaphore, #tpu.memory_space<semaphore_mem>>) src(%dma_wait3A_47 : memref<64x64xf32, #tpu.memory_space<hbm>>) dst(%arg8 : memref<64x64xf32, #tpu.memory_space<vmem>>)
      tpu.yield
    }) : () -> ()
    %dma_start3A_25 = arith.constant 0 : i32
    %dma_start3A_26 = arith.constant 0 : i32
    %dma_start3A_27 = tpu.memref_slice %arg4[%dma_start3A_25, %dma_start3A_26] : memref<1000000x32xf32, #tpu.memory_space<hbm>> -> memref<1000000x32xf32, #tpu.memory_space<hbm>>
    tpu.enqueue_indirect_dma source(%dma_start3A_27 : memref<1000000x32xf32, #tpu.memory_space<hbm>>) target(%arg7 : memref<3200x32xf32, #tpu.memory_space<vmem>>) offsets(%arg6 : memref<3200xi32, #tpu.memory_space<vmem>>) semaphore(%arg10 : memref<!tpu.dma_semaphore, #tpu.memory_space<semaphore_mem>>)
    %dma_wait3A_28 = arith.constant 0 : i32
    %dma_wait3A_29 = arith.constant 0 : i32
    %dma_wait3A_30 = tpu.memref_slice %arg4[%dma_wait3A_28, %dma_wait3A_29] : memref<1000000x32xf32, #tpu.memory_space<hbm>> -> memref<1000000x32xf32, #tpu.memory_space<hbm>>
    tpu.wait_indirect_dma semaphore(%arg10 : memref<!tpu.dma_semaphore, #tpu.memory_space<semaphore_mem>>) src(%dma_wait3A_30 : memref<1000000x32xf32, #tpu.memory_space<hbm>>) dst(%arg7 : memref<3200x32xf32, #tpu.memory_space<vmem>>)
    %scan3A_31 = arith.constant 0 : i32
    %scan3A_32 = arith.constant 0 : i32
    %scan3A_33 = arith.constant 64 : i32
    %scan3A_34 = arith.addi %scan3A_32, %scan3A_33 : i32
    %scan3A_35 = arith.constant 1 : i32
    %scan3A_36 = scf.for %scan3A_40 = %scan3A_32 to %scan3A_34 step %scan3A_35 iter_args(%scan3A_41 = %scan3A_31) -> (i32)  : i32 {
      %get3A = arith.index_cast %scan3A_40 : i32 to index
      %get3A_42 = arith.constant 0 : index
      %get3A_43 = tpu.vector_load %arg8[%get3A, %get3A_42] {strides = array<i32>} : memref<64x64xf32, #tpu.memory_space<vmem>>, vector<16xf32>,
      %get3A_44 = arith.index_cast %scan3A_40 : i32 to index
      %get3A_45 = arith.constant 16 : index
      %get3A_46 = tpu.vector_load %arg8[%get3A_44, %get3A_45] {strides = array<i32>} : memref<64x64xf32, #tpu.memory_space<vmem>>, vector<16xf32>,
      %get3A_47 = arith.index_cast %scan3A_40 : i32 to index
      %get3A_48 = arith.constant 32 : index
      %get3A_49 = tpu.vector_load %arg8[%get3A_47, %get3A_48] {strides = array<i32>} : memref<64x64xf32, #tpu.memory_space<vmem>>, vector<16xf32>,
      %get3A_50 = arith.index_cast %scan3A_40 : i32 to index
      %get3A_51 = arith.constant 48 : index
      %get3A_52 = tpu.vector_load %arg8[%get3A_50, %get3A_51] {strides = array<i32>} : memref<64x64xf32, #tpu.memory_space<vmem>>, vector<16xf32>,
      %lt3A = arith.constant 2 : i32
      %lt3A_53 = vector.broadcast %lt3A : i32 to vector<16xi32>
      %lt3A_54 = arith.cmpi slt, %iota3A, %lt3A_53 : vector<16xi32>
      %jit3A = arith.constant 0xFF800000 : f32
      %broadcast_in_dim3A = vector.broadcast %jit3A : f32 to vector<16xf32>
      %select_n3A = arith.select %lt3A_54, %get3A_52, %broadcast_in_dim3A : vector<16xi1>, vector<16xf32>
      %max3A = arith.maximumf %get3A_43, %get3A_46 : vector<16xf32>
      %max3A_55 = arith.maximumf %get3A_49, %select_n3A : vector<16xf32>
      %max3A_56 = arith.maximumf %max3A, %max3A_55 : vector<16xf32>
      %reduce_max3A = arith.constant true
      %reduce_max3A_57 = vector.broadcast %reduce_max3A : i1 to vector<16xi1>
      %reduce_max3A_58 = tpu.scan <max>, %max3A_56 masked %reduce_max3A_57 : vector<16xf32>, vector<16xi1> -> vector<16xf32>
      %reduce_max3A_59 = vector.extract %reduce_max3A_58[15] : f32 from vector<16xf32>
      %sub3A = vector.broadcast %reduce_max3A_59 : f32 to vector<16xf32>
      %sub3A_60 = arith.subf %get3A_43, %sub3A : vector<16xf32>
      %exp3A = math.exp %sub3A_60 : vector<16xf32>
      %sub3A_61 = vector.broadcast %reduce_max3A_59 : f32 to vector<16xf32>
      %sub3A_62 = arith.subf %get3A_46, %sub3A_61 : vector<16xf32>
      %exp3A_63 = math.exp %sub3A_62 : vector<16xf32>
      %sub3A_64 = vector.broadcast %reduce_max3A_59 : f32 to vector<16xf32>
      %sub3A_65 = arith.subf %get3A_49, %sub3A_64 : vector<16xf32>
      %exp3A_66 = math.exp %sub3A_65 : vector<16xf32>
      %sub3A_67 = vector.broadcast %reduce_max3A_59 : f32 to vector<16xf32>
      %sub3A_68 = arith.subf %select_n3A, %sub3A_67 : vector<16xf32>
      %exp3A_69 = math.exp %sub3A_68 : vector<16xf32>
      %add3A_70 = arith.addf %exp3A, %exp3A_63 : vector<16xf32>
      %add3A_71 = arith.addf %add3A_70, %exp3A_66 : vector<16xf32>
      %add3A_72 = arith.addf %add3A_71, %exp3A_69 : vector<16xf32>
      %reduce_sum3A = arith.constant true
      %reduce_sum3A_73 = vector.broadcast %reduce_sum3A : i1 to vector<16xi1>
      %reduce_sum3A_74 = tpu.scan <sum>, %add3A_72 masked %reduce_sum3A_73 : vector<16xf32>, vector<16xi1> -> vector<16xf32>
      %reduce_sum3A_75 = vector.extract %reduce_sum3A_74[15] : f32 from vector<16xf32>
      %broadcast_in_dim3A_76 = vector.broadcast %reduce_sum3A_75 : f32 to vector<16xf32>
      %div3A = arith.constant 1.000000e+00 : f32
      %div3A_77 = vector.broadcast %div3A : f32 to vector<16xf32>
      %div3A_78 = arith.divf %div3A_77, %broadcast_in_dim3A_76 : vector<16xf32>
      %mul3A_79 = arith.mulf %exp3A, %div3A_78 : vector<16xf32>
      %mul3A_80 = arith.mulf %exp3A_63, %div3A_78 : vector<16xf32>
      %mul3A_81 = arith.mulf %exp3A_66, %div3A_78 : vector<16xf32>
      %mul3A_82 = arith.mulf %exp3A_69, %div3A_78 : vector<16xf32>
      %mul3A_83 = arith.constant 50 : i32
      %mul3A_84 = arith.muli %scan3A_40, %mul3A_83 : i32
      %broadcast_in_dim3A_85 = arith.constant 0.000000e+00 : f32
      %broadcast_in_dim3A_86 = vector.broadcast %broadcast_in_dim3A_85 : f32 to vector<16xf32>
      %broadcast_in_dim3A_87 = arith.constant 0.000000e+00 : f32
      %broadcast_in_dim3A_88 = vector.broadcast %broadcast_in_dim3A_87 : f32 to vector<16xf32>
      %slice3A = vector.extract_strided_slice %mul3A_79 {offsets = [0], sizes = [1], strides = [1]} : vector<16xf32> to vector<1xf32>
      %squeeze3A = vector.extract %slice3A[0] : f32 from vector<1xf32>
      %add3A_89 = arith.constant 0 : i32
      %add3A_90 = arith.addi %mul3A_84, %add3A_89 : i32
      %get3A_91 = arith.index_cast %add3A_90 : i32 to index
      %get3A_92 = arith.constant 0 : index
      %get3A_93 = tpu.vector_load %arg7[%get3A_91, %get3A_92] {strides = array<i32>} : memref<3200x32xf32, #tpu.memory_space<vmem>>, vector<16xf32>,
      %get3A_94 = arith.index_cast %add3A_90 : i32 to index
      %get3A_95 = arith.constant 16 : index
      %get3A_96 = tpu.vector_load %arg7[%get3A_94, %get3A_95] {strides = array<i32>} : memref<3200x32xf32, #tpu.memory_space<vmem>>, vector<16xf32>,
      %mul3A_97 = vector.broadcast %squeeze3A : f32 to vector<16xf32>
      %mul3A_98 = arith.mulf %mul3A_97, %get3A_93 : vector<16xf32>
      %add3A_99 = arith.addf %broadcast_in_dim3A_86, %mul3A_98 : vector<16xf32>
      %mul3A_100 = vector.broadcast %squeeze3A : f32 to vector<16xf32>
      %mul3A_101 = arith.mulf %mul3A_100, %get3A_96 : vector<16xf32>
      %add3A_102 = arith.addf %broadcast_in_dim3A_88, %mul3A_101 : vector<16xf32>
      %slice3A_103 = vector.extract_strided_slice %mul3A_79 {offsets = [1], sizes = [1], strides = [1]} : vector<16xf32> to vector<1xf32>
      %squeeze3A_104 = vector.extract %slice3A_103[0] : f32 from vector<1xf32>
      %add3A_105 = arith.constant 1 : i32
      %add3A_106 = arith.addi %mul3A_84, %add3A_105 : i32
      %get3A_107 = arith.index_cast %add3A_106 : i32 to index
      %get3A_108 = arith.constant 0 : index
      %get3A_109 = tpu.vector_load %arg7[%get3A_107, %get3A_108] {strides = array<i32>} : memref<3200x32xf32, #tpu.memory_space<vmem>>, vector<16xf32>,
      %get3A_110 = arith.index_cast %add3A_106 : i32 to index
      %get3A_111 = arith.constant 16 : index
      %get3A_112 = tpu.vector_load %arg7[%get3A_110, %get3A_111] {strides = array<i32>} : memref<3200x32xf32, #tpu.memory_space<vmem>>, vector<16xf32>,
      %mul3A_113 = vector.broadcast %squeeze3A_104 : f32 to vector<16xf32>
      %mul3A_114 = arith.mulf %mul3A_113, %get3A_109 : vector<16xf32>
      %add3A_115 = arith.addf %add3A_99, %mul3A_114 : vector<16xf32>
      %mul3A_116 = vector.broadcast %squeeze3A_104 : f32 to vector<16xf32>
      %mul3A_117 = arith.mulf %mul3A_116, %get3A_112 : vector<16xf32>
      %add3A_118 = arith.addf %add3A_102, %mul3A_117 : vector<16xf32>
      %slice3A_119 = vector.extract_strided_slice %mul3A_79 {offsets = [2], sizes = [1], strides = [1]} : vector<16xf32> to vector<1xf32>
      %squeeze3A_120 = vector.extract %slice3A_119[0] : f32 from vector<1xf32>
      %add3A_121 = arith.constant 2 : i32
      %add3A_122 = arith.addi %mul3A_84, %add3A_121 : i32
      %get3A_123 = arith.index_cast %add3A_122 : i32 to index
      %get3A_124 = arith.constant 0 : index
      %get3A_125 = tpu.vector_load %arg7[%get3A_123, %get3A_124] {strides = array<i32>} : memref<3200x32xf32, #tpu.memory_space<vmem>>, vector<16xf32>,
      %get3A_126 = arith.index_cast %add3A_122 : i32 to index
      %get3A_127 = arith.constant 16 : index
      %get3A_128 = tpu.vector_load %arg7[%get3A_126, %get3A_127] {strides = array<i32>} : memref<3200x32xf32, #tpu.memory_space<vmem>>, vector<16xf32>,
      %mul3A_129 = vector.broadcast %squeeze3A_120 : f32 to vector<16xf32>
      %mul3A_130 = arith.mulf %mul3A_129, %get3A_125 : vector<16xf32>
      %add3A_131 = arith.addf %add3A_115, %mul3A_130 : vector<16xf32>
      %mul3A_132 = vector.broadcast %squeeze3A_120 : f32 to vector<16xf32>
      %mul3A_133 = arith.mulf %mul3A_132, %get3A_128 : vector<16xf32>
      %add3A_134 = arith.addf %add3A_118, %mul3A_133 : vector<16xf32>
      %slice3A_135 = vector.extract_strided_slice %mul3A_79 {offsets = [3], sizes = [1], strides = [1]} : vector<16xf32> to vector<1xf32>
      %squeeze3A_136 = vector.extract %slice3A_135[0] : f32 from vector<1xf32>
      %add3A_137 = arith.constant 3 : i32
      %add3A_138 = arith.addi %mul3A_84, %add3A_137 : i32
      %get3A_139 = arith.index_cast %add3A_138 : i32 to index
      %get3A_140 = arith.constant 0 : index
      %get3A_141 = tpu.vector_load %arg7[%get3A_139, %get3A_140] {strides = array<i32>} : memref<3200x32xf32, #tpu.memory_space<vmem>>, vector<16xf32>,
      %get3A_142 = arith.index_cast %add3A_138 : i32 to index
      %get3A_143 = arith.constant 16 : index
      %get3A_144 = tpu.vector_load %arg7[%get3A_142, %get3A_143] {strides = array<i32>} : memref<3200x32xf32, #tpu.memory_space<vmem>>, vector<16xf32>,
      %mul3A_145 = vector.broadcast %squeeze3A_136 : f32 to vector<16xf32>
      %mul3A_146 = arith.mulf %mul3A_145, %get3A_141 : vector<16xf32>
      %add3A_147 = arith.addf %add3A_131, %mul3A_146 : vector<16xf32>
      %mul3A_148 = vector.broadcast %squeeze3A_136 : f32 to vector<16xf32>
      %mul3A_149 = arith.mulf %mul3A_148, %get3A_144 : vector<16xf32>
      %add3A_150 = arith.addf %add3A_134, %mul3A_149 : vector<16xf32>
      %slice3A_151 = vector.extract_strided_slice %mul3A_79 {offsets = [4], sizes = [1], strides = [1]} : vector<16xf32> to vector<1xf32>
      %squeeze3A_152 = vector.extract %slice3A_151[0] : f32 from vector<1xf32>
      %add3A_153 = arith.constant 4 : i32
      %add3A_154 = arith.addi %mul3A_84, %add3A_153 : i32
      %get3A_155 = arith.index_cast %add3A_154 : i32 to index
      %get3A_156 = arith.constant 0 : index
      %get3A_157 = tpu.vector_load %arg7[%get3A_155, %get3A_156] {strides = array<i32>} : memref<3200x32xf32, #tpu.memory_space<vmem>>, vector<16xf32>,
      %get3A_158 = arith.index_cast %add3A_154 : i32 to index
      %get3A_159 = arith.constant 16 : index
      %get3A_160 = tpu.vector_load %arg7[%get3A_158, %get3A_159] {strides = array<i32>} : memref<3200x32xf32, #tpu.memory_space<vmem>>, vector<16xf32>,
      %mul3A_161 = vector.broadcast %squeeze3A_152 : f32 to vector<16xf32>
      %mul3A_162 = arith.mulf %mul3A_161, %get3A_157 : vector<16xf32>
      %add3A_163 = arith.addf %add3A_147, %mul3A_162 : vector<16xf32>
      %mul3A_164 = vector.broadcast %squeeze3A_152 : f32 to vector<16xf32>
      %mul3A_165 = arith.mulf %mul3A_164, %get3A_160 : vector<16xf32>
      %add3A_166 = arith.addf %add3A_150, %mul3A_165 : vector<16xf32>
      %slice3A_167 = vector.extract_strided_slice %mul3A_79 {offsets = [5], sizes = [1], strides = [1]} : vector<16xf32> to vector<1xf32>
      %squeeze3A_168 = vector.extract %slice3A_167[0] : f32 from vector<1xf32>
      %add3A_169 = arith.constant 5 : i32
      %add3A_170 = arith.addi %mul3A_84, %add3A_169 : i32
      %get3A_171 = arith.index_cast %add3A_170 : i32 to index
      %get3A_172 = arith.constant 0 : index
      %get3A_173 = tpu.vector_load %arg7[%get3A_171, %get3A_172] {strides = array<i32>} : memref<3200x32xf32, #tpu.memory_space<vmem>>, vector<16xf32>,
      %get3A_174 = arith.index_cast %add3A_170 : i32 to index
      %get3A_175 = arith.constant 16 : index
      %get3A_176 = tpu.vector_load %arg7[%get3A_174, %get3A_175] {strides = array<i32>} : memref<3200x32xf32, #tpu.memory_space<vmem>>, vector<16xf32>,
      %mul3A_177 = vector.broadcast %squeeze3A_168 : f32 to vector<16xf32>
      %mul3A_178 = arith.mulf %mul3A_177, %get3A_173 : vector<16xf32>
      %add3A_179 = arith.addf %add3A_163, %mul3A_178 : vector<16xf32>
      %mul3A_180 = vector.broadcast %squeeze3A_168 : f32 to vector<16xf32>
      %mul3A_181 = arith.mulf %mul3A_180, %get3A_176 : vector<16xf32>
      %add3A_182 = arith.addf %add3A_166, %mul3A_181 : vector<16xf32>
      %slice3A_183 = vector.extract_strided_slice %mul3A_79 {offsets = [6], sizes = [1], strides = [1]} : vector<16xf32> to vector<1xf32>
      %squeeze3A_184 = vector.extract %slice3A_183[0] : f32 from vector<1xf32>
      %add3A_185 = arith.constant 6 : i32
      %add3A_186 = arith.addi %mul3A_84, %add3A_185 : i32
      %get3A_187 = arith.index_cast %add3A_186 : i32 to index
      %get3A_188 = arith.constant 0 : index
      %get3A_189 = tpu.vector_load %arg7[%get3A_187, %get3A_188] {strides = array<i32>} : memref<3200x32xf32, #tpu.memory_space<vmem>>, vector<16xf32>,
      %get3A_190 = arith.index_cast %add3A_186 : i32 to index
      %get3A_191 = arith.constant 16 : index
      %get3A_192 = tpu.vector_load %arg7[%get3A_190, %get3A_191] {strides = array<i32>} : memref<3200x32xf32, #tpu.memory_space<vmem>>, vector<16xf32>,
      %mul3A_193 = vector.broadcast %squeeze3A_184 : f32 to vector<16xf32>
      %mul3A_194 = arith.mulf %mul3A_193, %get3A_189 : vector<16xf32>
      %add3A_195 = arith.addf %add3A_179, %mul3A_194 : vector<16xf32>
      %mul3A_196 = vector.broadcast %squeeze3A_184 : f32 to vector<16xf32>
      %mul3A_197 = arith.mulf %mul3A_196, %get3A_192 : vector<16xf32>
      %add3A_198 = arith.addf %add3A_182, %mul3A_197 : vector<16xf32>
      %slice3A_199 = vector.extract_strided_slice %mul3A_79 {offsets = [7], sizes = [1], strides = [1]} : vector<16xf32> to vector<1xf32>
      %squeeze3A_200 = vector.extract %slice3A_199[0] : f32 from vector<1xf32>
      %add3A_201 = arith.constant 7 : i32
      %add3A_202 = arith.addi %mul3A_84, %add3A_201 : i32
      %get3A_203 = arith.index_cast %add3A_202 : i32 to index
      %get3A_204 = arith.constant 0 : index
      %get3A_205 = tpu.vector_load %arg7[%get3A_203, %get3A_204] {strides = array<i32>} : memref<3200x32xf32, #tpu.memory_space<vmem>>, vector<16xf32>,
      %get3A_206 = arith.index_cast %add3A_202 : i32 to index
      %get3A_207 = arith.constant 16 : index
      %get3A_208 = tpu.vector_load %arg7[%get3A_206, %get3A_207] {strides = array<i32>} : memref<3200x32xf32, #tpu.memory_space<vmem>>, vector<16xf32>,
      %mul3A_209 = vector.broadcast %squeeze3A_200 : f32 to vector<16xf32>
      %mul3A_210 = arith.mulf %mul3A_209, %get3A_205 : vector<16xf32>
      %add3A_211 = arith.addf %add3A_195, %mul3A_210 : vector<16xf32>
      %mul3A_212 = vector.broadcast %squeeze3A_200 : f32 to vector<16xf32>
      %mul3A_213 = arith.mulf %mul3A_212, %get3A_208 : vector<16xf32>
      %add3A_214 = arith.addf %add3A_198, %mul3A_213 : vector<16xf32>
      %slice3A_215 = vector.extract_strided_slice %mul3A_79 {offsets = [8], sizes = [1], strides = [1]} : vector<16xf32> to vector<1xf32>
      %squeeze3A_216 = vector.extract %slice3A_215[0] : f32 from vector<1xf32>
      %add3A_217 = arith.constant 8 : i32
      %add3A_218 = arith.addi %mul3A_84, %add3A_217 : i32
      %get3A_219 = arith.index_cast %add3A_218 : i32 to index
      %get3A_220 = arith.constant 0 : index
      %get3A_221 = tpu.vector_load %arg7[%get3A_219, %get3A_220] {strides = array<i32>} : memref<3200x32xf32, #tpu.memory_space<vmem>>, vector<16xf32>,
      %get3A_222 = arith.index_cast %add3A_218 : i32 to index
      %get3A_223 = arith.constant 16 : index
      %get3A_224 = tpu.vector_load %arg7[%get3A_222, %get3A_223] {strides = array<i32>} : memref<3200x32xf32, #tpu.memory_space<vmem>>, vector<16xf32>,
      %mul3A_225 = vector.broadcast %squeeze3A_216 : f32 to vector<16xf32>
      %mul3A_226 = arith.mulf %mul3A_225, %get3A_221 : vector<16xf32>
      %add3A_227 = arith.addf %add3A_211, %mul3A_226 : vector<16xf32>
      %mul3A_228 = vector.broadcast %squeeze3A_216 : f32 to vector<16xf32>
      %mul3A_229 = arith.mulf %mul3A_228, %get3A_224 : vector<16xf32>
      %add3A_230 = arith.addf %add3A_214, %mul3A_229 : vector<16xf32>
      %slice3A_231 = vector.extract_strided_slice %mul3A_79 {offsets = [9], sizes = [1], strides = [1]} : vector<16xf32> to vector<1xf32>
      %squeeze3A_232 = vector.extract %slice3A_231[0] : f32 from vector<1xf32>
      %add3A_233 = arith.constant 9 : i32
      %add3A_234 = arith.addi %mul3A_84, %add3A_233 : i32
      %get3A_235 = arith.index_cast %add3A_234 : i32 to index
      %get3A_236 = arith.constant 0 : index
      %get3A_237 = tpu.vector_load %arg7[%get3A_235, %get3A_236] {strides = array<i32>} : memref<3200x32xf32, #tpu.memory_space<vmem>>, vector<16xf32>,
      %get3A_238 = arith.index_cast %add3A_234 : i32 to index
      %get3A_239 = arith.constant 16 : index
      %get3A_240 = tpu.vector_load %arg7[%get3A_238, %get3A_239] {strides = array<i32>} : memref<3200x32xf32, #tpu.memory_space<vmem>>, vector<16xf32>,
      %mul3A_241 = vector.broadcast %squeeze3A_232 : f32 to vector<16xf32>
      %mul3A_242 = arith.mulf %mul3A_241, %get3A_237 : vector<16xf32>
      %add3A_243 = arith.addf %add3A_227, %mul3A_242 : vector<16xf32>
      %mul3A_244 = vector.broadcast %squeeze3A_232 : f32 to vector<16xf32>
      %mul3A_245 = arith.mulf %mul3A_244, %get3A_240 : vector<16xf32>
      %add3A_246 = arith.addf %add3A_230, %mul3A_245 : vector<16xf32>
      %slice3A_247 = vector.extract_strided_slice %mul3A_79 {offsets = [10], sizes = [1], strides = [1]} : vector<16xf32> to vector<1xf32>
      %squeeze3A_248 = vector.extract %slice3A_247[0] : f32 from vector<1xf32>
      %add3A_249 = arith.constant 10 : i32
      %add3A_250 = arith.addi %mul3A_84, %add3A_249 : i32
      %get3A_251 = arith.index_cast %add3A_250 : i32 to index
      %get3A_252 = arith.constant 0 : index
      %get3A_253 = tpu.vector_load %arg7[%get3A_251, %get3A_252] {strides = array<i32>} : memref<3200x32xf32, #tpu.memory_space<vmem>>, vector<16xf32>,
      %get3A_254 = arith.index_cast %add3A_250 : i32 to index
      %get3A_255 = arith.constant 16 : index
      %get3A_256 = tpu.vector_load %arg7[%get3A_254, %get3A_255] {strides = array<i32>} : memref<3200x32xf32, #tpu.memory_space<vmem>>, vector<16xf32>,
      %mul3A_257 = vector.broadcast %squeeze3A_248 : f32 to vector<16xf32>
      %mul3A_258 = arith.mulf %mul3A_257, %get3A_253 : vector<16xf32>
      %add3A_259 = arith.addf %add3A_243, %mul3A_258 : vector<16xf32>
      %mul3A_260 = vector.broadcast %squeeze3A_248 : f32 to vector<16xf32>
      %mul3A_261 = arith.mulf %mul3A_260, %get3A_256 : vector<16xf32>
      %add3A_262 = arith.addf %add3A_246, %mul3A_261 : vector<16xf32>
      %slice3A_263 = vector.extract_strided_slice %mul3A_79 {offsets = [11], sizes = [1], strides = [1]} : vector<16xf32> to vector<1xf32>
      %squeeze3A_264 = vector.extract %slice3A_263[0] : f32 from vector<1xf32>
      %add3A_265 = arith.constant 11 : i32
      %add3A_266 = arith.addi %mul3A_84, %add3A_265 : i32
      %get3A_267 = arith.index_cast %add3A_266 : i32 to index
      %get3A_268 = arith.constant 0 : index
      %get3A_269 = tpu.vector_load %arg7[%get3A_267, %get3A_268] {strides = array<i32>} : memref<3200x32xf32, #tpu.memory_space<vmem>>, vector<16xf32>,
      %get3A_270 = arith.index_cast %add3A_266 : i32 to index
      %get3A_271 = arith.constant 16 : index
      %get3A_272 = tpu.vector_load %arg7[%get3A_270, %get3A_271] {strides = array<i32>} : memref<3200x32xf32, #tpu.memory_space<vmem>>, vector<16xf32>,
      %mul3A_273 = vector.broadcast %squeeze3A_264 : f32 to vector<16xf32>
      %mul3A_274 = arith.mulf %mul3A_273, %get3A_269 : vector<16xf32>
      %add3A_275 = arith.addf %add3A_259, %mul3A_274 : vector<16xf32>
      %mul3A_276 = vector.broadcast %squeeze3A_264 : f32 to vector<16xf32>
      %mul3A_277 = arith.mulf %mul3A_276, %get3A_272 : vector<16xf32>
      %add3A_278 = arith.addf %add3A_262, %mul3A_277 : vector<16xf32>
      %slice3A_279 = vector.extract_strided_slice %mul3A_79 {offsets = [12], sizes = [1], strides = [1]} : vector<16xf32> to vector<1xf32>
      %squeeze3A_280 = vector.extract %slice3A_279[0] : f32 from vector<1xf32>
      %add3A_281 = arith.constant 12 : i32
      %add3A_282 = arith.addi %mul3A_84, %add3A_281 : i32
      %get3A_283 = arith.index_cast %add3A_282 : i32 to index
      %get3A_284 = arith.constant 0 : index
      %get3A_285 = tpu.vector_load %arg7[%get3A_283, %get3A_284] {strides = array<i32>} : memref<3200x32xf32, #tpu.memory_space<vmem>>, vector<16xf32>,
      %get3A_286 = arith.index_cast %add3A_282 : i32 to index
      %get3A_287 = arith.constant 16 : index
      %get3A_288 = tpu.vector_load %arg7[%get3A_286, %get3A_287] {strides = array<i32>} : memref<3200x32xf32, #tpu.memory_space<vmem>>, vector<16xf32>,
      %mul3A_289 = vector.broadcast %squeeze3A_280 : f32 to vector<16xf32>
      %mul3A_290 = arith.mulf %mul3A_289, %get3A_285 : vector<16xf32>
      %add3A_291 = arith.addf %add3A_275, %mul3A_290 : vector<16xf32>
      %mul3A_292 = vector.broadcast %squeeze3A_280 : f32 to vector<16xf32>
      %mul3A_293 = arith.mulf %mul3A_292, %get3A_288 : vector<16xf32>
      %add3A_294 = arith.addf %add3A_278, %mul3A_293 : vector<16xf32>
      %slice3A_295 = vector.extract_strided_slice %mul3A_79 {offsets = [13], sizes = [1], strides = [1]} : vector<16xf32> to vector<1xf32>
      %squeeze3A_296 = vector.extract %slice3A_295[0] : f32 from vector<1xf32>
      %add3A_297 = arith.constant 13 : i32
      %add3A_298 = arith.addi %mul3A_84, %add3A_297 : i32
      %get3A_299 = arith.index_cast %add3A_298 : i32 to index
      %get3A_300 = arith.constant 0 : index
      %get3A_301 = tpu.vector_load %arg7[%get3A_299, %get3A_300] {strides = array<i32>} : memref<3200x32xf32, #tpu.memory_space<vmem>>, vector<16xf32>,
      %get3A_302 = arith.index_cast %add3A_298 : i32 to index
      %get3A_303 = arith.constant 16 : index
      %get3A_304 = tpu.vector_load %arg7[%get3A_302, %get3A_303] {strides = array<i32>} : memref<3200x32xf32, #tpu.memory_space<vmem>>, vector<16xf32>,
      %mul3A_305 = vector.broadcast %squeeze3A_296 : f32 to vector<16xf32>
      %mul3A_306 = arith.mulf %mul3A_305, %get3A_301 : vector<16xf32>
      %add3A_307 = arith.addf %add3A_291, %mul3A_306 : vector<16xf32>
      %mul3A_308 = vector.broadcast %squeeze3A_296 : f32 to vector<16xf32>
      %mul3A_309 = arith.mulf %mul3A_308, %get3A_304 : vector<16xf32>
      %add3A_310 = arith.addf %add3A_294, %mul3A_309 : vector<16xf32>
      %slice3A_311 = vector.extract_strided_slice %mul3A_79 {offsets = [14], sizes = [1], strides = [1]} : vector<16xf32> to vector<1xf32>
      %squeeze3A_312 = vector.extract %slice3A_311[0] : f32 from vector<1xf32>
      %add3A_313 = arith.constant 14 : i32
      %add3A_314 = arith.addi %mul3A_84, %add3A_313 : i32
      %get3A_315 = arith.index_cast %add3A_314 : i32 to index
      %get3A_316 = arith.constant 0 : index
      %get3A_317 = tpu.vector_load %arg7[%get3A_315, %get3A_316] {strides = array<i32>} : memref<3200x32xf32, #tpu.memory_space<vmem>>, vector<16xf32>,
      %get3A_318 = arith.index_cast %add3A_314 : i32 to index
      %get3A_319 = arith.constant 16 : index
      %get3A_320 = tpu.vector_load %arg7[%get3A_318, %get3A_319] {strides = array<i32>} : memref<3200x32xf32, #tpu.memory_space<vmem>>, vector<16xf32>,
      %mul3A_321 = vector.broadcast %squeeze3A_312 : f32 to vector<16xf32>
      %mul3A_322 = arith.mulf %mul3A_321, %get3A_317 : vector<16xf32>
      %add3A_323 = arith.addf %add3A_307, %mul3A_322 : vector<16xf32>
      %mul3A_324 = vector.broadcast %squeeze3A_312 : f32 to vector<16xf32>
      %mul3A_325 = arith.mulf %mul3A_324, %get3A_320 : vector<16xf32>
      %add3A_326 = arith.addf %add3A_310, %mul3A_325 : vector<16xf32>
      %slice3A_327 = vector.extract_strided_slice %mul3A_79 {offsets = [15], sizes = [1], strides = [1]} : vector<16xf32> to vector<1xf32>
      %squeeze3A_328 = vector.extract %slice3A_327[0] : f32 from vector<1xf32>
      %add3A_329 = arith.constant 15 : i32
      %add3A_330 = arith.addi %mul3A_84, %add3A_329 : i32
      %get3A_331 = arith.index_cast %add3A_330 : i32 to index
      %get3A_332 = arith.constant 0 : index
      %get3A_333 = tpu.vector_load %arg7[%get3A_331, %get3A_332] {strides = array<i32>} : memref<3200x32xf32, #tpu.memory_space<vmem>>, vector<16xf32>,
      %get3A_334 = arith.index_cast %add3A_330 : i32 to index
      %get3A_335 = arith.constant 16 : index
      %get3A_336 = tpu.vector_load %arg7[%get3A_334, %get3A_335] {strides = array<i32>} : memref<3200x32xf32, #tpu.memory_space<vmem>>, vector<16xf32>,
      %mul3A_337 = vector.broadcast %squeeze3A_328 : f32 to vector<16xf32>
      %mul3A_338 = arith.mulf %mul3A_337, %get3A_333 : vector<16xf32>
      %add3A_339 = arith.addf %add3A_323, %mul3A_338 : vector<16xf32>
      %mul3A_340 = vector.broadcast %squeeze3A_328 : f32 to vector<16xf32>
      %mul3A_341 = arith.mulf %mul3A_340, %get3A_336 : vector<16xf32>
      %add3A_342 = arith.addf %add3A_326, %mul3A_341 : vector<16xf32>
      %slice3A_343 = vector.extract_strided_slice %mul3A_80 {offsets = [0], sizes = [1], strides = [1]} : vector<16xf32> to vector<1xf32>
      %squeeze3A_344 = vector.extract %slice3A_343[0] : f32 from vector<1xf32>
      %add3A_345 = arith.constant 16 : i32
      %add3A_346 = arith.addi %mul3A_84, %add3A_345 : i32
      %get3A_347 = arith.index_cast %add3A_346 : i32 to index
      %get3A_348 = arith.constant 0 : index
      %get3A_349 = tpu.vector_load %arg7[%get3A_347, %get3A_348] {strides = array<i32>} : memref<3200x32xf32, #tpu.memory_space<vmem>>, vector<16xf32>,
      %get3A_350 = arith.index_cast %add3A_346 : i32 to index
      %get3A_351 = arith.constant 16 : index
      %get3A_352 = tpu.vector_load %arg7[%get3A_350, %get3A_351] {strides = array<i32>} : memref<3200x32xf32, #tpu.memory_space<vmem>>, vector<16xf32>,
      %mul3A_353 = vector.broadcast %squeeze3A_344 : f32 to vector<16xf32>
      %mul3A_354 = arith.mulf %mul3A_353, %get3A_349 : vector<16xf32>
      %add3A_355 = arith.addf %add3A_339, %mul3A_354 : vector<16xf32>
      %mul3A_356 = vector.broadcast %squeeze3A_344 : f32 to vector<16xf32>
      %mul3A_357 = arith.mulf %mul3A_356, %get3A_352 : vector<16xf32>
      %add3A_358 = arith.addf %add3A_342, %mul3A_357 : vector<16xf32>
      %slice3A_359 = vector.extract_strided_slice %mul3A_80 {offsets = [1], sizes = [1], strides = [1]} : vector<16xf32> to vector<1xf32>
      %squeeze3A_360 = vector.extract %slice3A_359[0] : f32 from vector<1xf32>
      %add3A_361 = arith.constant 17 : i32
      %add3A_362 = arith.addi %mul3A_84, %add3A_361 : i32
      %get3A_363 = arith.index_cast %add3A_362 : i32 to index
      %get3A_364 = arith.constant 0 : index
      %get3A_365 = tpu.vector_load %arg7[%get3A_363, %get3A_364] {strides = array<i32>} : memref<3200x32xf32, #tpu.memory_space<vmem>>, vector<16xf32>,
      %get3A_366 = arith.index_cast %add3A_362 : i32 to index
      %get3A_367 = arith.constant 16 : index
      %get3A_368 = tpu.vector_load %arg7[%get3A_366, %get3A_367] {strides = array<i32>} : memref<3200x32xf32, #tpu.memory_space<vmem>>, vector<16xf32>,
      %mul3A_369 = vector.broadcast %squeeze3A_360 : f32 to vector<16xf32>
      %mul3A_370 = arith.mulf %mul3A_369, %get3A_365 : vector<16xf32>
      %add3A_371 = arith.addf %add3A_355, %mul3A_370 : vector<16xf32>
      %mul3A_372 = vector.broadcast %squeeze3A_360 : f32 to vector<16xf32>
      %mul3A_373 = arith.mulf %mul3A_372, %get3A_368 : vector<16xf32>
      %add3A_374 = arith.addf %add3A_358, %mul3A_373 : vector<16xf32>
      %slice3A_375 = vector.extract_strided_slice %mul3A_80 {offsets = [2], sizes = [1], strides = [1]} : vector<16xf32> to vector<1xf32>
      %squeeze3A_376 = vector.extract %slice3A_375[0] : f32 from vector<1xf32>
      %add3A_377 = arith.constant 18 : i32
      %add3A_378 = arith.addi %mul3A_84, %add3A_377 : i32
      %get3A_379 = arith.index_cast %add3A_378 : i32 to index
      %get3A_380 = arith.constant 0 : index
      %get3A_381 = tpu.vector_load %arg7[%get3A_379, %get3A_380] {strides = array<i32>} : memref<3200x32xf32, #tpu.memory_space<vmem>>, vector<16xf32>,
      %get3A_382 = arith.index_cast %add3A_378 : i32 to index
      %get3A_383 = arith.constant 16 : index
      %get3A_384 = tpu.vector_load %arg7[%get3A_382, %get3A_383] {strides = array<i32>} : memref<3200x32xf32, #tpu.memory_space<vmem>>, vector<16xf32>,
      %mul3A_385 = vector.broadcast %squeeze3A_376 : f32 to vector<16xf32>
      %mul3A_386 = arith.mulf %mul3A_385, %get3A_381 : vector<16xf32>
      %add3A_387 = arith.addf %add3A_371, %mul3A_386 : vector<16xf32>
      %mul3A_388 = vector.broadcast %squeeze3A_376 : f32 to vector<16xf32>
      %mul3A_389 = arith.mulf %mul3A_388, %get3A_384 : vector<16xf32>
      %add3A_390 = arith.addf %add3A_374, %mul3A_389 : vector<16xf32>
      %slice3A_391 = vector.extract_strided_slice %mul3A_80 {offsets = [3], sizes = [1], strides = [1]} : vector<16xf32> to vector<1xf32>
      %squeeze3A_392 = vector.extract %slice3A_391[0] : f32 from vector<1xf32>
      %add3A_393 = arith.constant 19 : i32
      %add3A_394 = arith.addi %mul3A_84, %add3A_393 : i32
      %get3A_395 = arith.index_cast %add3A_394 : i32 to index
      %get3A_396 = arith.constant 0 : index
      %get3A_397 = tpu.vector_load %arg7[%get3A_395, %get3A_396] {strides = array<i32>} : memref<3200x32xf32, #tpu.memory_space<vmem>>, vector<16xf32>,
      %get3A_398 = arith.index_cast %add3A_394 : i32 to index
      %get3A_399 = arith.constant 16 : index
      %get3A_400 = tpu.vector_load %arg7[%get3A_398, %get3A_399] {strides = array<i32>} : memref<3200x32xf32, #tpu.memory_space<vmem>>, vector<16xf32>,
      %mul3A_401 = vector.broadcast %squeeze3A_392 : f32 to vector<16xf32>
      %mul3A_402 = arith.mulf %mul3A_401, %get3A_397 : vector<16xf32>
      %add3A_403 = arith.addf %add3A_387, %mul3A_402 : vector<16xf32>
      %mul3A_404 = vector.broadcast %squeeze3A_392 : f32 to vector<16xf32>
      %mul3A_405 = arith.mulf %mul3A_404, %get3A_400 : vector<16xf32>
      %add3A_406 = arith.addf %add3A_390, %mul3A_405 : vector<16xf32>
      %slice3A_407 = vector.extract_strided_slice %mul3A_80 {offsets = [4], sizes = [1], strides = [1]} : vector<16xf32> to vector<1xf32>
      %squeeze3A_408 = vector.extract %slice3A_407[0] : f32 from vector<1xf32>
      %add3A_409 = arith.constant 20 : i32
      %add3A_410 = arith.addi %mul3A_84, %add3A_409 : i32
      %get3A_411 = arith.index_cast %add3A_410 : i32 to index
      %get3A_412 = arith.constant 0 : index
      %get3A_413 = tpu.vector_load %arg7[%get3A_411, %get3A_412] {strides = array<i32>} : memref<3200x32xf32, #tpu.memory_space<vmem>>, vector<16xf32>,
      %get3A_414 = arith.index_cast %add3A_410 : i32 to index
      %get3A_415 = arith.constant 16 : index
      %get3A_416 = tpu.vector_load %arg7[%get3A_414, %get3A_415] {strides = array<i32>} : memref<3200x32xf32, #tpu.memory_space<vmem>>, vector<16xf32>,
      %mul3A_417 = vector.broadcast %squeeze3A_408 : f32 to vector<16xf32>
      %mul3A_418 = arith.mulf %mul3A_417, %get3A_413 : vector<16xf32>
      %add3A_419 = arith.addf %add3A_403, %mul3A_418 : vector<16xf32>
      %mul3A_420 = vector.broadcast %squeeze3A_408 : f32 to vector<16xf32>
      %mul3A_421 = arith.mulf %mul3A_420, %get3A_416 : vector<16xf32>
      %add3A_422 = arith.addf %add3A_406, %mul3A_421 : vector<16xf32>
      %slice3A_423 = vector.extract_strided_slice %mul3A_80 {offsets = [5], sizes = [1], strides = [1]} : vector<16xf32> to vector<1xf32>
      %squeeze3A_424 = vector.extract %slice3A_423[0] : f32 from vector<1xf32>
      %add3A_425 = arith.constant 21 : i32
      %add3A_426 = arith.addi %mul3A_84, %add3A_425 : i32
      %get3A_427 = arith.index_cast %add3A_426 : i32 to index
      %get3A_428 = arith.constant 0 : index
      %get3A_429 = tpu.vector_load %arg7[%get3A_427, %get3A_428] {strides = array<i32>} : memref<3200x32xf32, #tpu.memory_space<vmem>>, vector<16xf32>,
      %get3A_430 = arith.index_cast %add3A_426 : i32 to index
      %get3A_431 = arith.constant 16 : index
      %get3A_432 = tpu.vector_load %arg7[%get3A_430, %get3A_431] {strides = array<i32>} : memref<3200x32xf32, #tpu.memory_space<vmem>>, vector<16xf32>,
      %mul3A_433 = vector.broadcast %squeeze3A_424 : f32 to vector<16xf32>
      %mul3A_434 = arith.mulf %mul3A_433, %get3A_429 : vector<16xf32>
      %add3A_435 = arith.addf %add3A_419, %mul3A_434 : vector<16xf32>
      %mul3A_436 = vector.broadcast %squeeze3A_424 : f32 to vector<16xf32>
      %mul3A_437 = arith.mulf %mul3A_436, %get3A_432 : vector<16xf32>
      %add3A_438 = arith.addf %add3A_422, %mul3A_437 : vector<16xf32>
      %slice3A_439 = vector.extract_strided_slice %mul3A_80 {offsets = [6], sizes = [1], strides = [1]} : vector<16xf32> to vector<1xf32>
      %squeeze3A_440 = vector.extract %slice3A_439[0] : f32 from vector<1xf32>
      %add3A_441 = arith.constant 22 : i32
      %add3A_442 = arith.addi %mul3A_84, %add3A_441 : i32
      %get3A_443 = arith.index_cast %add3A_442 : i32 to index
      %get3A_444 = arith.constant 0 : index
      %get3A_445 = tpu.vector_load %arg7[%get3A_443, %get3A_444] {strides = array<i32>} : memref<3200x32xf32, #tpu.memory_space<vmem>>, vector<16xf32>,
      %get3A_446 = arith.index_cast %add3A_442 : i32 to index
      %get3A_447 = arith.constant 16 : index
      %get3A_448 = tpu.vector_load %arg7[%get3A_446, %get3A_447] {strides = array<i32>} : memref<3200x32xf32, #tpu.memory_space<vmem>>, vector<16xf32>,
      %mul3A_449 = vector.broadcast %squeeze3A_440 : f32 to vector<16xf32>
      %mul3A_450 = arith.mulf %mul3A_449, %get3A_445 : vector<16xf32>
      %add3A_451 = arith.addf %add3A_435, %mul3A_450 : vector<16xf32>
      %mul3A_452 = vector.broadcast %squeeze3A_440 : f32 to vector<16xf32>
      %mul3A_453 = arith.mulf %mul3A_452, %get3A_448 : vector<16xf32>
      %add3A_454 = arith.addf %add3A_438, %mul3A_453 : vector<16xf32>
      %slice3A_455 = vector.extract_strided_slice %mul3A_80 {offsets = [7], sizes = [1], strides = [1]} : vector<16xf32> to vector<1xf32>
      %squeeze3A_456 = vector.extract %slice3A_455[0] : f32 from vector<1xf32>
      %add3A_457 = arith.constant 23 : i32
      %add3A_458 = arith.addi %mul3A_84, %add3A_457 : i32
      %get3A_459 = arith.index_cast %add3A_458 : i32 to index
      %get3A_460 = arith.constant 0 : index
      %get3A_461 = tpu.vector_load %arg7[%get3A_459, %get3A_460] {strides = array<i32>} : memref<3200x32xf32, #tpu.memory_space<vmem>>, vector<16xf32>,
      %get3A_462 = arith.index_cast %add3A_458 : i32 to index
      %get3A_463 = arith.constant 16 : index
      %get3A_464 = tpu.vector_load %arg7[%get3A_462, %get3A_463] {strides = array<i32>} : memref<3200x32xf32, #tpu.memory_space<vmem>>, vector<16xf32>,
      %mul3A_465 = vector.broadcast %squeeze3A_456 : f32 to vector<16xf32>
      %mul3A_466 = arith.mulf %mul3A_465, %get3A_461 : vector<16xf32>
      %add3A_467 = arith.addf %add3A_451, %mul3A_466 : vector<16xf32>
      %mul3A_468 = vector.broadcast %squeeze3A_456 : f32 to vector<16xf32>
      %mul3A_469 = arith.mulf %mul3A_468, %get3A_464 : vector<16xf32>
      %add3A_470 = arith.addf %add3A_454, %mul3A_469 : vector<16xf32>
      %slice3A_471 = vector.extract_strided_slice %mul3A_80 {offsets = [8], sizes = [1], strides = [1]} : vector<16xf32> to vector<1xf32>
      %squeeze3A_472 = vector.extract %slice3A_471[0] : f32 from vector<1xf32>
      %add3A_473 = arith.constant 24 : i32
      %add3A_474 = arith.addi %mul3A_84, %add3A_473 : i32
      %get3A_475 = arith.index_cast %add3A_474 : i32 to index
      %get3A_476 = arith.constant 0 : index
      %get3A_477 = tpu.vector_load %arg7[%get3A_475, %get3A_476] {strides = array<i32>} : memref<3200x32xf32, #tpu.memory_space<vmem>>, vector<16xf32>,
      %get3A_478 = arith.index_cast %add3A_474 : i32 to index
      %get3A_479 = arith.constant 16 : index
      %get3A_480 = tpu.vector_load %arg7[%get3A_478, %get3A_479] {strides = array<i32>} : memref<3200x32xf32, #tpu.memory_space<vmem>>, vector<16xf32>,
      %mul3A_481 = vector.broadcast %squeeze3A_472 : f32 to vector<16xf32>
      %mul3A_482 = arith.mulf %mul3A_481, %get3A_477 : vector<16xf32>
      %add3A_483 = arith.addf %add3A_467, %mul3A_482 : vector<16xf32>
      %mul3A_484 = vector.broadcast %squeeze3A_472 : f32 to vector<16xf32>
      %mul3A_485 = arith.mulf %mul3A_484, %get3A_480 : vector<16xf32>
      %add3A_486 = arith.addf %add3A_470, %mul3A_485 : vector<16xf32>
      %slice3A_487 = vector.extract_strided_slice %mul3A_80 {offsets = [9], sizes = [1], strides = [1]} : vector<16xf32> to vector<1xf32>
      %squeeze3A_488 = vector.extract %slice3A_487[0] : f32 from vector<1xf32>
      %add3A_489 = arith.constant 25 : i32
      %add3A_490 = arith.addi %mul3A_84, %add3A_489 : i32
      %get3A_491 = arith.index_cast %add3A_490 : i32 to index
      %get3A_492 = arith.constant 0 : index
      %get3A_493 = tpu.vector_load %arg7[%get3A_491, %get3A_492] {strides = array<i32>} : memref<3200x32xf32, #tpu.memory_space<vmem>>, vector<16xf32>,
      %get3A_494 = arith.index_cast %add3A_490 : i32 to index
      %get3A_495 = arith.constant 16 : index
      %get3A_496 = tpu.vector_load %arg7[%get3A_494, %get3A_495] {strides = array<i32>} : memref<3200x32xf32, #tpu.memory_space<vmem>>, vector<16xf32>,
      %mul3A_497 = vector.broadcast %squeeze3A_488 : f32 to vector<16xf32>
      %mul3A_498 = arith.mulf %mul3A_497, %get3A_493 : vector<16xf32>
      %add3A_499 = arith.addf %add3A_483, %mul3A_498 : vector<16xf32>
      %mul3A_500 = vector.broadcast %squeeze3A_488 : f32 to vector<16xf32>
      %mul3A_501 = arith.mulf %mul3A_500, %get3A_496 : vector<16xf32>
      %add3A_502 = arith.addf %add3A_486, %mul3A_501 : vector<16xf32>
      %slice3A_503 = vector.extract_strided_slice %mul3A_80 {offsets = [10], sizes = [1], strides = [1]} : vector<16xf32> to vector<1xf32>
      %squeeze3A_504 = vector.extract %slice3A_503[0] : f32 from vector<1xf32>
      %add3A_505 = arith.constant 26 : i32
      %add3A_506 = arith.addi %mul3A_84, %add3A_505 : i32
      %get3A_507 = arith.index_cast %add3A_506 : i32 to index
      %get3A_508 = arith.constant 0 : index
      %get3A_509 = tpu.vector_load %arg7[%get3A_507, %get3A_508] {strides = array<i32>} : memref<3200x32xf32, #tpu.memory_space<vmem>>, vector<16xf32>,
      %get3A_510 = arith.index_cast %add3A_506 : i32 to index
      %get3A_511 = arith.constant 16 : index
      %get3A_512 = tpu.vector_load %arg7[%get3A_510, %get3A_511] {strides = array<i32>} : memref<3200x32xf32, #tpu.memory_space<vmem>>, vector<16xf32>,
      %mul3A_513 = vector.broadcast %squeeze3A_504 : f32 to vector<16xf32>
      %mul3A_514 = arith.mulf %mul3A_513, %get3A_509 : vector<16xf32>
      %add3A_515 = arith.addf %add3A_499, %mul3A_514 : vector<16xf32>
      %mul3A_516 = vector.broadcast %squeeze3A_504 : f32 to vector<16xf32>
      %mul3A_517 = arith.mulf %mul3A_516, %get3A_512 : vector<16xf32>
      %add3A_518 = arith.addf %add3A_502, %mul3A_517 : vector<16xf32>
      %slice3A_519 = vector.extract_strided_slice %mul3A_80 {offsets = [11], sizes = [1], strides = [1]} : vector<16xf32> to vector<1xf32>
      %squeeze3A_520 = vector.extract %slice3A_519[0] : f32 from vector<1xf32>
      %add3A_521 = arith.constant 27 : i32
      %add3A_522 = arith.addi %mul3A_84, %add3A_521 : i32
      %get3A_523 = arith.index_cast %add3A_522 : i32 to index
      %get3A_524 = arith.constant 0 : index
      %get3A_525 = tpu.vector_load %arg7[%get3A_523, %get3A_524] {strides = array<i32>} : memref<3200x32xf32, #tpu.memory_space<vmem>>, vector<16xf32>,
      %get3A_526 = arith.index_cast %add3A_522 : i32 to index
      %get3A_527 = arith.constant 16 : index
      %get3A_528 = tpu.vector_load %arg7[%get3A_526, %get3A_527] {strides = array<i32>} : memref<3200x32xf32, #tpu.memory_space<vmem>>, vector<16xf32>,
      %mul3A_529 = vector.broadcast %squeeze3A_520 : f32 to vector<16xf32>
      %mul3A_530 = arith.mulf %mul3A_529, %get3A_525 : vector<16xf32>
      %add3A_531 = arith.addf %add3A_515, %mul3A_530 : vector<16xf32>
      %mul3A_532 = vector.broadcast %squeeze3A_520 : f32 to vector<16xf32>
      %mul3A_533 = arith.mulf %mul3A_532, %get3A_528 : vector<16xf32>
      %add3A_534 = arith.addf %add3A_518, %mul3A_533 : vector<16xf32>
      %slice3A_535 = vector.extract_strided_slice %mul3A_80 {offsets = [12], sizes = [1], strides = [1]} : vector<16xf32> to vector<1xf32>
      %squeeze3A_536 = vector.extract %slice3A_535[0] : f32 from vector<1xf32>
      %add3A_537 = arith.constant 28 : i32
      %add3A_538 = arith.addi %mul3A_84, %add3A_537 : i32
      %get3A_539 = arith.index_cast %add3A_538 : i32 to index
      %get3A_540 = arith.constant 0 : index
      %get3A_541 = tpu.vector_load %arg7[%get3A_539, %get3A_540] {strides = array<i32>} : memref<3200x32xf32, #tpu.memory_space<vmem>>, vector<16xf32>,
      %get3A_542 = arith.index_cast %add3A_538 : i32 to index
      %get3A_543 = arith.constant 16 : index
      %get3A_544 = tpu.vector_load %arg7[%get3A_542, %get3A_543] {strides = array<i32>} : memref<3200x32xf32, #tpu.memory_space<vmem>>, vector<16xf32>,
      %mul3A_545 = vector.broadcast %squeeze3A_536 : f32 to vector<16xf32>
      %mul3A_546 = arith.mulf %mul3A_545, %get3A_541 : vector<16xf32>
      %add3A_547 = arith.addf %add3A_531, %mul3A_546 : vector<16xf32>
      %mul3A_548 = vector.broadcast %squeeze3A_536 : f32 to vector<16xf32>
      %mul3A_549 = arith.mulf %mul3A_548, %get3A_544 : vector<16xf32>
      %add3A_550 = arith.addf %add3A_534, %mul3A_549 : vector<16xf32>
      %slice3A_551 = vector.extract_strided_slice %mul3A_80 {offsets = [13], sizes = [1], strides = [1]} : vector<16xf32> to vector<1xf32>
      %squeeze3A_552 = vector.extract %slice3A_551[0] : f32 from vector<1xf32>
      %add3A_553 = arith.constant 29 : i32
      %add3A_554 = arith.addi %mul3A_84, %add3A_553 : i32
      %get3A_555 = arith.index_cast %add3A_554 : i32 to index
      %get3A_556 = arith.constant 0 : index
      %get3A_557 = tpu.vector_load %arg7[%get3A_555, %get3A_556] {strides = array<i32>} : memref<3200x32xf32, #tpu.memory_space<vmem>>, vector<16xf32>,
      %get3A_558 = arith.index_cast %add3A_554 : i32 to index
      %get3A_559 = arith.constant 16 : index
      %get3A_560 = tpu.vector_load %arg7[%get3A_558, %get3A_559] {strides = array<i32>} : memref<3200x32xf32, #tpu.memory_space<vmem>>, vector<16xf32>,
      %mul3A_561 = vector.broadcast %squeeze3A_552 : f32 to vector<16xf32>
      %mul3A_562 = arith.mulf %mul3A_561, %get3A_557 : vector<16xf32>
      %add3A_563 = arith.addf %add3A_547, %mul3A_562 : vector<16xf32>
      %mul3A_564 = vector.broadcast %squeeze3A_552 : f32 to vector<16xf32>
      %mul3A_565 = arith.mulf %mul3A_564, %get3A_560 : vector<16xf32>
      %add3A_566 = arith.addf %add3A_550, %mul3A_565 : vector<16xf32>
      %slice3A_567 = vector.extract_strided_slice %mul3A_80 {offsets = [14], sizes = [1], strides = [1]} : vector<16xf32> to vector<1xf32>
      %squeeze3A_568 = vector.extract %slice3A_567[0] : f32 from vector<1xf32>
      %add3A_569 = arith.constant 30 : i32
      %add3A_570 = arith.addi %mul3A_84, %add3A_569 : i32
      %get3A_571 = arith.index_cast %add3A_570 : i32 to index
      %get3A_572 = arith.constant 0 : index
      %get3A_573 = tpu.vector_load %arg7[%get3A_571, %get3A_572] {strides = array<i32>} : memref<3200x32xf32, #tpu.memory_space<vmem>>, vector<16xf32>,
      %get3A_574 = arith.index_cast %add3A_570 : i32 to index
      %get3A_575 = arith.constant 16 : index
      %get3A_576 = tpu.vector_load %arg7[%get3A_574, %get3A_575] {strides = array<i32>} : memref<3200x32xf32, #tpu.memory_space<vmem>>, vector<16xf32>,
      %mul3A_577 = vector.broadcast %squeeze3A_568 : f32 to vector<16xf32>
      %mul3A_578 = arith.mulf %mul3A_577, %get3A_573 : vector<16xf32>
      %add3A_579 = arith.addf %add3A_563, %mul3A_578 : vector<16xf32>
      %mul3A_580 = vector.broadcast %squeeze3A_568 : f32 to vector<16xf32>
      %mul3A_581 = arith.mulf %mul3A_580, %get3A_576 : vector<16xf32>
      %add3A_582 = arith.addf %add3A_566, %mul3A_581 : vector<16xf32>
      %slice3A_583 = vector.extract_strided_slice %mul3A_80 {offsets = [15], sizes = [1], strides = [1]} : vector<16xf32> to vector<1xf32>
      %squeeze3A_584 = vector.extract %slice3A_583[0] : f32 from vector<1xf32>
      %add3A_585 = arith.constant 31 : i32
      %add3A_586 = arith.addi %mul3A_84, %add3A_585 : i32
      %get3A_587 = arith.index_cast %add3A_586 : i32 to index
      %get3A_588 = arith.constant 0 : index
      %get3A_589 = tpu.vector_load %arg7[%get3A_587, %get3A_588] {strides = array<i32>} : memref<3200x32xf32, #tpu.memory_space<vmem>>, vector<16xf32>,
      %get3A_590 = arith.index_cast %add3A_586 : i32 to index
      %get3A_591 = arith.constant 16 : index
      %get3A_592 = tpu.vector_load %arg7[%get3A_590, %get3A_591] {strides = array<i32>} : memref<3200x32xf32, #tpu.memory_space<vmem>>, vector<16xf32>,
      %mul3A_593 = vector.broadcast %squeeze3A_584 : f32 to vector<16xf32>
      %mul3A_594 = arith.mulf %mul3A_593, %get3A_589 : vector<16xf32>
      %add3A_595 = arith.addf %add3A_579, %mul3A_594 : vector<16xf32>
      %mul3A_596 = vector.broadcast %squeeze3A_584 : f32 to vector<16xf32>
      %mul3A_597 = arith.mulf %mul3A_596, %get3A_592 : vector<16xf32>
      %add3A_598 = arith.addf %add3A_582, %mul3A_597 : vector<16xf32>
      %slice3A_599 = vector.extract_strided_slice %mul3A_81 {offsets = [0], sizes = [1], strides = [1]} : vector<16xf32> to vector<1xf32>
      %squeeze3A_600 = vector.extract %slice3A_599[0] : f32 from vector<1xf32>
      %add3A_601 = arith.constant 32 : i32
      %add3A_602 = arith.addi %mul3A_84, %add3A_601 : i32
      %get3A_603 = arith.index_cast %add3A_602 : i32 to index
      %get3A_604 = arith.constant 0 : index
      %get3A_605 = tpu.vector_load %arg7[%get3A_603, %get3A_604] {strides = array<i32>} : memref<3200x32xf32, #tpu.memory_space<vmem>>, vector<16xf32>,
      %get3A_606 = arith.index_cast %add3A_602 : i32 to index
      %get3A_607 = arith.constant 16 : index
      %get3A_608 = tpu.vector_load %arg7[%get3A_606, %get3A_607] {strides = array<i32>} : memref<3200x32xf32, #tpu.memory_space<vmem>>, vector<16xf32>,
      %mul3A_609 = vector.broadcast %squeeze3A_600 : f32 to vector<16xf32>
      %mul3A_610 = arith.mulf %mul3A_609, %get3A_605 : vector<16xf32>
      %add3A_611 = arith.addf %add3A_595, %mul3A_610 : vector<16xf32>
      %mul3A_612 = vector.broadcast %squeeze3A_600 : f32 to vector<16xf32>
      %mul3A_613 = arith.mulf %mul3A_612, %get3A_608 : vector<16xf32>
      %add3A_614 = arith.addf %add3A_598, %mul3A_613 : vector<16xf32>
      %slice3A_615 = vector.extract_strided_slice %mul3A_81 {offsets = [1], sizes = [1], strides = [1]} : vector<16xf32> to vector<1xf32>
      %squeeze3A_616 = vector.extract %slice3A_615[0] : f32 from vector<1xf32>
      %add3A_617 = arith.constant 33 : i32
      %add3A_618 = arith.addi %mul3A_84, %add3A_617 : i32
      %get3A_619 = arith.index_cast %add3A_618 : i32 to index
      %get3A_620 = arith.constant 0 : index
      %get3A_621 = tpu.vector_load %arg7[%get3A_619, %get3A_620] {strides = array<i32>} : memref<3200x32xf32, #tpu.memory_space<vmem>>, vector<16xf32>,
      %get3A_622 = arith.index_cast %add3A_618 : i32 to index
      %get3A_623 = arith.constant 16 : index
      %get3A_624 = tpu.vector_load %arg7[%get3A_622, %get3A_623] {strides = array<i32>} : memref<3200x32xf32, #tpu.memory_space<vmem>>, vector<16xf32>,
      %mul3A_625 = vector.broadcast %squeeze3A_616 : f32 to vector<16xf32>
      %mul3A_626 = arith.mulf %mul3A_625, %get3A_621 : vector<16xf32>
      %add3A_627 = arith.addf %add3A_611, %mul3A_626 : vector<16xf32>
      %mul3A_628 = vector.broadcast %squeeze3A_616 : f32 to vector<16xf32>
      %mul3A_629 = arith.mulf %mul3A_628, %get3A_624 : vector<16xf32>
      %add3A_630 = arith.addf %add3A_614, %mul3A_629 : vector<16xf32>
      %slice3A_631 = vector.extract_strided_slice %mul3A_81 {offsets = [2], sizes = [1], strides = [1]} : vector<16xf32> to vector<1xf32>
      %squeeze3A_632 = vector.extract %slice3A_631[0] : f32 from vector<1xf32>
      %add3A_633 = arith.constant 34 : i32
      %add3A_634 = arith.addi %mul3A_84, %add3A_633 : i32
      %get3A_635 = arith.index_cast %add3A_634 : i32 to index
      %get3A_636 = arith.constant 0 : index
      %get3A_637 = tpu.vector_load %arg7[%get3A_635, %get3A_636] {strides = array<i32>} : memref<3200x32xf32, #tpu.memory_space<vmem>>, vector<16xf32>,
      %get3A_638 = arith.index_cast %add3A_634 : i32 to index
      %get3A_639 = arith.constant 16 : index
      %get3A_640 = tpu.vector_load %arg7[%get3A_638, %get3A_639] {strides = array<i32>} : memref<3200x32xf32, #tpu.memory_space<vmem>>, vector<16xf32>,
      %mul3A_641 = vector.broadcast %squeeze3A_632 : f32 to vector<16xf32>
      %mul3A_642 = arith.mulf %mul3A_641, %get3A_637 : vector<16xf32>
      %add3A_643 = arith.addf %add3A_627, %mul3A_642 : vector<16xf32>
      %mul3A_644 = vector.broadcast %squeeze3A_632 : f32 to vector<16xf32>
      %mul3A_645 = arith.mulf %mul3A_644, %get3A_640 : vector<16xf32>
      %add3A_646 = arith.addf %add3A_630, %mul3A_645 : vector<16xf32>
      %slice3A_647 = vector.extract_strided_slice %mul3A_81 {offsets = [3], sizes = [1], strides = [1]} : vector<16xf32> to vector<1xf32>
      %squeeze3A_648 = vector.extract %slice3A_647[0] : f32 from vector<1xf32>
      %add3A_649 = arith.constant 35 : i32
      %add3A_650 = arith.addi %mul3A_84, %add3A_649 : i32
      %get3A_651 = arith.index_cast %add3A_650 : i32 to index
      %get3A_652 = arith.constant 0 : index
      %get3A_653 = tpu.vector_load %arg7[%get3A_651, %get3A_652] {strides = array<i32>} : memref<3200x32xf32, #tpu.memory_space<vmem>>, vector<16xf32>,
      %get3A_654 = arith.index_cast %add3A_650 : i32 to index
      %get3A_655 = arith.constant 16 : index
      %get3A_656 = tpu.vector_load %arg7[%get3A_654, %get3A_655] {strides = array<i32>} : memref<3200x32xf32, #tpu.memory_space<vmem>>, vector<16xf32>,
      %mul3A_657 = vector.broadcast %squeeze3A_648 : f32 to vector<16xf32>
      %mul3A_658 = arith.mulf %mul3A_657, %get3A_653 : vector<16xf32>
      %add3A_659 = arith.addf %add3A_643, %mul3A_658 : vector<16xf32>
      %mul3A_660 = vector.broadcast %squeeze3A_648 : f32 to vector<16xf32>
      %mul3A_661 = arith.mulf %mul3A_660, %get3A_656 : vector<16xf32>
      %add3A_662 = arith.addf %add3A_646, %mul3A_661 : vector<16xf32>
      %slice3A_663 = vector.extract_strided_slice %mul3A_81 {offsets = [4], sizes = [1], strides = [1]} : vector<16xf32> to vector<1xf32>
      %squeeze3A_664 = vector.extract %slice3A_663[0] : f32 from vector<1xf32>
      %add3A_665 = arith.constant 36 : i32
      %add3A_666 = arith.addi %mul3A_84, %add3A_665 : i32
      %get3A_667 = arith.index_cast %add3A_666 : i32 to index
      %get3A_668 = arith.constant 0 : index
      %get3A_669 = tpu.vector_load %arg7[%get3A_667, %get3A_668] {strides = array<i32>} : memref<3200x32xf32, #tpu.memory_space<vmem>>, vector<16xf32>,
      %get3A_670 = arith.index_cast %add3A_666 : i32 to index
      %get3A_671 = arith.constant 16 : index
      %get3A_672 = tpu.vector_load %arg7[%get3A_670, %get3A_671] {strides = array<i32>} : memref<3200x32xf32, #tpu.memory_space<vmem>>, vector<16xf32>,
      %mul3A_673 = vector.broadcast %squeeze3A_664 : f32 to vector<16xf32>
      %mul3A_674 = arith.mulf %mul3A_673, %get3A_669 : vector<16xf32>
      %add3A_675 = arith.addf %add3A_659, %mul3A_674 : vector<16xf32>
      %mul3A_676 = vector.broadcast %squeeze3A_664 : f32 to vector<16xf32>
      %mul3A_677 = arith.mulf %mul3A_676, %get3A_672 : vector<16xf32>
      %add3A_678 = arith.addf %add3A_662, %mul3A_677 : vector<16xf32>
      %slice3A_679 = vector.extract_strided_slice %mul3A_81 {offsets = [5], sizes = [1], strides = [1]} : vector<16xf32> to vector<1xf32>
      %squeeze3A_680 = vector.extract %slice3A_679[0] : f32 from vector<1xf32>
      %add3A_681 = arith.constant 37 : i32
      %add3A_682 = arith.addi %mul3A_84, %add3A_681 : i32
      %get3A_683 = arith.index_cast %add3A_682 : i32 to index
      %get3A_684 = arith.constant 0 : index
      %get3A_685 = tpu.vector_load %arg7[%get3A_683, %get3A_684] {strides = array<i32>} : memref<3200x32xf32, #tpu.memory_space<vmem>>, vector<16xf32>,
      %get3A_686 = arith.index_cast %add3A_682 : i32 to index
      %get3A_687 = arith.constant 16 : index
      %get3A_688 = tpu.vector_load %arg7[%get3A_686, %get3A_687] {strides = array<i32>} : memref<3200x32xf32, #tpu.memory_space<vmem>>, vector<16xf32>,
      %mul3A_689 = vector.broadcast %squeeze3A_680 : f32 to vector<16xf32>
      %mul3A_690 = arith.mulf %mul3A_689, %get3A_685 : vector<16xf32>
      %add3A_691 = arith.addf %add3A_675, %mul3A_690 : vector<16xf32>
      %mul3A_692 = vector.broadcast %squeeze3A_680 : f32 to vector<16xf32>
      %mul3A_693 = arith.mulf %mul3A_692, %get3A_688 : vector<16xf32>
      %add3A_694 = arith.addf %add3A_678, %mul3A_693 : vector<16xf32>
      %slice3A_695 = vector.extract_strided_slice %mul3A_81 {offsets = [6], sizes = [1], strides = [1]} : vector<16xf32> to vector<1xf32>
      %squeeze3A_696 = vector.extract %slice3A_695[0] : f32 from vector<1xf32>
      %add3A_697 = arith.constant 38 : i32
      %add3A_698 = arith.addi %mul3A_84, %add3A_697 : i32
      %get3A_699 = arith.index_cast %add3A_698 : i32 to index
      %get3A_700 = arith.constant 0 : index
      %get3A_701 = tpu.vector_load %arg7[%get3A_699, %get3A_700] {strides = array<i32>} : memref<3200x32xf32, #tpu.memory_space<vmem>>, vector<16xf32>,
      %get3A_702 = arith.index_cast %add3A_698 : i32 to index
      %get3A_703 = arith.constant 16 : index
      %get3A_704 = tpu.vector_load %arg7[%get3A_702, %get3A_703] {strides = array<i32>} : memref<3200x32xf32, #tpu.memory_space<vmem>>, vector<16xf32>,
      %mul3A_705 = vector.broadcast %squeeze3A_696 : f32 to vector<16xf32>
      %mul3A_706 = arith.mulf %mul3A_705, %get3A_701 : vector<16xf32>
      %add3A_707 = arith.addf %add3A_691, %mul3A_706 : vector<16xf32>
      %mul3A_708 = vector.broadcast %squeeze3A_696 : f32 to vector<16xf32>
      %mul3A_709 = arith.mulf %mul3A_708, %get3A_704 : vector<16xf32>
      %add3A_710 = arith.addf %add3A_694, %mul3A_709 : vector<16xf32>
      %slice3A_711 = vector.extract_strided_slice %mul3A_81 {offsets = [7], sizes = [1], strides = [1]} : vector<16xf32> to vector<1xf32>
      %squeeze3A_712 = vector.extract %slice3A_711[0] : f32 from vector<1xf32>
      %add3A_713 = arith.constant 39 : i32
      %add3A_714 = arith.addi %mul3A_84, %add3A_713 : i32
      %get3A_715 = arith.index_cast %add3A_714 : i32 to index
      %get3A_716 = arith.constant 0 : index
      %get3A_717 = tpu.vector_load %arg7[%get3A_715, %get3A_716] {strides = array<i32>} : memref<3200x32xf32, #tpu.memory_space<vmem>>, vector<16xf32>,
      %get3A_718 = arith.index_cast %add3A_714 : i32 to index
      %get3A_719 = arith.constant 16 : index
      %get3A_720 = tpu.vector_load %arg7[%get3A_718, %get3A_719] {strides = array<i32>} : memref<3200x32xf32, #tpu.memory_space<vmem>>, vector<16xf32>,
      %mul3A_721 = vector.broadcast %squeeze3A_712 : f32 to vector<16xf32>
      %mul3A_722 = arith.mulf %mul3A_721, %get3A_717 : vector<16xf32>
      %add3A_723 = arith.addf %add3A_707, %mul3A_722 : vector<16xf32>
      %mul3A_724 = vector.broadcast %squeeze3A_712 : f32 to vector<16xf32>
      %mul3A_725 = arith.mulf %mul3A_724, %get3A_720 : vector<16xf32>
      %add3A_726 = arith.addf %add3A_710, %mul3A_725 : vector<16xf32>
      %slice3A_727 = vector.extract_strided_slice %mul3A_81 {offsets = [8], sizes = [1], strides = [1]} : vector<16xf32> to vector<1xf32>
      %squeeze3A_728 = vector.extract %slice3A_727[0] : f32 from vector<1xf32>
      %add3A_729 = arith.constant 40 : i32
      %add3A_730 = arith.addi %mul3A_84, %add3A_729 : i32
      %get3A_731 = arith.index_cast %add3A_730 : i32 to index
      %get3A_732 = arith.constant 0 : index
      %get3A_733 = tpu.vector_load %arg7[%get3A_731, %get3A_732] {strides = array<i32>} : memref<3200x32xf32, #tpu.memory_space<vmem>>, vector<16xf32>,
      %get3A_734 = arith.index_cast %add3A_730 : i32 to index
      %get3A_735 = arith.constant 16 : index
      %get3A_736 = tpu.vector_load %arg7[%get3A_734, %get3A_735] {strides = array<i32>} : memref<3200x32xf32, #tpu.memory_space<vmem>>, vector<16xf32>,
      %mul3A_737 = vector.broadcast %squeeze3A_728 : f32 to vector<16xf32>
      %mul3A_738 = arith.mulf %mul3A_737, %get3A_733 : vector<16xf32>
      %add3A_739 = arith.addf %add3A_723, %mul3A_738 : vector<16xf32>
      %mul3A_740 = vector.broadcast %squeeze3A_728 : f32 to vector<16xf32>
      %mul3A_741 = arith.mulf %mul3A_740, %get3A_736 : vector<16xf32>
      %add3A_742 = arith.addf %add3A_726, %mul3A_741 : vector<16xf32>
      %slice3A_743 = vector.extract_strided_slice %mul3A_81 {offsets = [9], sizes = [1], strides = [1]} : vector<16xf32> to vector<1xf32>
      %squeeze3A_744 = vector.extract %slice3A_743[0] : f32 from vector<1xf32>
      %add3A_745 = arith.constant 41 : i32
      %add3A_746 = arith.addi %mul3A_84, %add3A_745 : i32
      %get3A_747 = arith.index_cast %add3A_746 : i32 to index
      %get3A_748 = arith.constant 0 : index
      %get3A_749 = tpu.vector_load %arg7[%get3A_747, %get3A_748] {strides = array<i32>} : memref<3200x32xf32, #tpu.memory_space<vmem>>, vector<16xf32>,
      %get3A_750 = arith.index_cast %add3A_746 : i32 to index
      %get3A_751 = arith.constant 16 : index
      %get3A_752 = tpu.vector_load %arg7[%get3A_750, %get3A_751] {strides = array<i32>} : memref<3200x32xf32, #tpu.memory_space<vmem>>, vector<16xf32>,
      %mul3A_753 = vector.broadcast %squeeze3A_744 : f32 to vector<16xf32>
      %mul3A_754 = arith.mulf %mul3A_753, %get3A_749 : vector<16xf32>
      %add3A_755 = arith.addf %add3A_739, %mul3A_754 : vector<16xf32>
      %mul3A_756 = vector.broadcast %squeeze3A_744 : f32 to vector<16xf32>
      %mul3A_757 = arith.mulf %mul3A_756, %get3A_752 : vector<16xf32>
      %add3A_758 = arith.addf %add3A_742, %mul3A_757 : vector<16xf32>
      %slice3A_759 = vector.extract_strided_slice %mul3A_81 {offsets = [10], sizes = [1], strides = [1]} : vector<16xf32> to vector<1xf32>
      %squeeze3A_760 = vector.extract %slice3A_759[0] : f32 from vector<1xf32>
      %add3A_761 = arith.constant 42 : i32
      %add3A_762 = arith.addi %mul3A_84, %add3A_761 : i32
      %get3A_763 = arith.index_cast %add3A_762 : i32 to index
      %get3A_764 = arith.constant 0 : index
      %get3A_765 = tpu.vector_load %arg7[%get3A_763, %get3A_764] {strides = array<i32>} : memref<3200x32xf32, #tpu.memory_space<vmem>>, vector<16xf32>,
      %get3A_766 = arith.index_cast %add3A_762 : i32 to index
      %get3A_767 = arith.constant 16 : index
      %get3A_768 = tpu.vector_load %arg7[%get3A_766, %get3A_767] {strides = array<i32>} : memref<3200x32xf32, #tpu.memory_space<vmem>>, vector<16xf32>,
      %mul3A_769 = vector.broadcast %squeeze3A_760 : f32 to vector<16xf32>
      %mul3A_770 = arith.mulf %mul3A_769, %get3A_765 : vector<16xf32>
      %add3A_771 = arith.addf %add3A_755, %mul3A_770 : vector<16xf32>
      %mul3A_772 = vector.broadcast %squeeze3A_760 : f32 to vector<16xf32>
      %mul3A_773 = arith.mulf %mul3A_772, %get3A_768 : vector<16xf32>
      %add3A_774 = arith.addf %add3A_758, %mul3A_773 : vector<16xf32>
      %slice3A_775 = vector.extract_strided_slice %mul3A_81 {offsets = [11], sizes = [1], strides = [1]} : vector<16xf32> to vector<1xf32>
      %squeeze3A_776 = vector.extract %slice3A_775[0] : f32 from vector<1xf32>
      %add3A_777 = arith.constant 43 : i32
      %add3A_778 = arith.addi %mul3A_84, %add3A_777 : i32
      %get3A_779 = arith.index_cast %add3A_778 : i32 to index
      %get3A_780 = arith.constant 0 : index
      %get3A_781 = tpu.vector_load %arg7[%get3A_779, %get3A_780] {strides = array<i32>} : memref<3200x32xf32, #tpu.memory_space<vmem>>, vector<16xf32>,
      %get3A_782 = arith.index_cast %add3A_778 : i32 to index
      %get3A_783 = arith.constant 16 : index
      %get3A_784 = tpu.vector_load %arg7[%get3A_782, %get3A_783] {strides = array<i32>} : memref<3200x32xf32, #tpu.memory_space<vmem>>, vector<16xf32>,
      %mul3A_785 = vector.broadcast %squeeze3A_776 : f32 to vector<16xf32>
      %mul3A_786 = arith.mulf %mul3A_785, %get3A_781 : vector<16xf32>
      %add3A_787 = arith.addf %add3A_771, %mul3A_786 : vector<16xf32>
      %mul3A_788 = vector.broadcast %squeeze3A_776 : f32 to vector<16xf32>
      %mul3A_789 = arith.mulf %mul3A_788, %get3A_784 : vector<16xf32>
      %add3A_790 = arith.addf %add3A_774, %mul3A_789 : vector<16xf32>
      %slice3A_791 = vector.extract_strided_slice %mul3A_81 {offsets = [12], sizes = [1], strides = [1]} : vector<16xf32> to vector<1xf32>
      %squeeze3A_792 = vector.extract %slice3A_791[0] : f32 from vector<1xf32>
      %add3A_793 = arith.constant 44 : i32
      %add3A_794 = arith.addi %mul3A_84, %add3A_793 : i32
      %get3A_795 = arith.index_cast %add3A_794 : i32 to index
      %get3A_796 = arith.constant 0 : index
      %get3A_797 = tpu.vector_load %arg7[%get3A_795, %get3A_796] {strides = array<i32>} : memref<3200x32xf32, #tpu.memory_space<vmem>>, vector<16xf32>,
      %get3A_798 = arith.index_cast %add3A_794 : i32 to index
      %get3A_799 = arith.constant 16 : index
      %get3A_800 = tpu.vector_load %arg7[%get3A_798, %get3A_799] {strides = array<i32>} : memref<3200x32xf32, #tpu.memory_space<vmem>>, vector<16xf32>,
      %mul3A_801 = vector.broadcast %squeeze3A_792 : f32 to vector<16xf32>
      %mul3A_802 = arith.mulf %mul3A_801, %get3A_797 : vector<16xf32>
      %add3A_803 = arith.addf %add3A_787, %mul3A_802 : vector<16xf32>
      %mul3A_804 = vector.broadcast %squeeze3A_792 : f32 to vector<16xf32>
      %mul3A_805 = arith.mulf %mul3A_804, %get3A_800 : vector<16xf32>
      %add3A_806 = arith.addf %add3A_790, %mul3A_805 : vector<16xf32>
      %slice3A_807 = vector.extract_strided_slice %mul3A_81 {offsets = [13], sizes = [1], strides = [1]} : vector<16xf32> to vector<1xf32>
      %squeeze3A_808 = vector.extract %slice3A_807[0] : f32 from vector<1xf32>
      %add3A_809 = arith.constant 45 : i32
      %add3A_810 = arith.addi %mul3A_84, %add3A_809 : i32
      %get3A_811 = arith.index_cast %add3A_810 : i32 to index
      %get3A_812 = arith.constant 0 : index
      %get3A_813 = tpu.vector_load %arg7[%get3A_811, %get3A_812] {strides = array<i32>} : memref<3200x32xf32, #tpu.memory_space<vmem>>, vector<16xf32>,
      %get3A_814 = arith.index_cast %add3A_810 : i32 to index
      %get3A_815 = arith.constant 16 : index
      %get3A_816 = tpu.vector_load %arg7[%get3A_814, %get3A_815] {strides = array<i32>} : memref<3200x32xf32, #tpu.memory_space<vmem>>, vector<16xf32>,
      %mul3A_817 = vector.broadcast %squeeze3A_808 : f32 to vector<16xf32>
      %mul3A_818 = arith.mulf %mul3A_817, %get3A_813 : vector<16xf32>
      %add3A_819 = arith.addf %add3A_803, %mul3A_818 : vector<16xf32>
      %mul3A_820 = vector.broadcast %squeeze3A_808 : f32 to vector<16xf32>
      %mul3A_821 = arith.mulf %mul3A_820, %get3A_816 : vector<16xf32>
      %add3A_822 = arith.addf %add3A_806, %mul3A_821 : vector<16xf32>
      %slice3A_823 = vector.extract_strided_slice %mul3A_81 {offsets = [14], sizes = [1], strides = [1]} : vector<16xf32> to vector<1xf32>
      %squeeze3A_824 = vector.extract %slice3A_823[0] : f32 from vector<1xf32>
      %add3A_825 = arith.constant 46 : i32
      %add3A_826 = arith.addi %mul3A_84, %add3A_825 : i32
      %get3A_827 = arith.index_cast %add3A_826 : i32 to index
      %get3A_828 = arith.constant 0 : index
      %get3A_829 = tpu.vector_load %arg7[%get3A_827, %get3A_828] {strides = array<i32>} : memref<3200x32xf32, #tpu.memory_space<vmem>>, vector<16xf32>,
      %get3A_830 = arith.index_cast %add3A_826 : i32 to index
      %get3A_831 = arith.constant 16 : index
      %get3A_832 = tpu.vector_load %arg7[%get3A_830, %get3A_831] {strides = array<i32>} : memref<3200x32xf32, #tpu.memory_space<vmem>>, vector<16xf32>,
      %mul3A_833 = vector.broadcast %squeeze3A_824 : f32 to vector<16xf32>
      %mul3A_834 = arith.mulf %mul3A_833, %get3A_829 : vector<16xf32>
      %add3A_835 = arith.addf %add3A_819, %mul3A_834 : vector<16xf32>
      %mul3A_836 = vector.broadcast %squeeze3A_824 : f32 to vector<16xf32>
      %mul3A_837 = arith.mulf %mul3A_836, %get3A_832 : vector<16xf32>
      %add3A_838 = arith.addf %add3A_822, %mul3A_837 : vector<16xf32>
      %slice3A_839 = vector.extract_strided_slice %mul3A_81 {offsets = [15], sizes = [1], strides = [1]} : vector<16xf32> to vector<1xf32>
      %squeeze3A_840 = vector.extract %slice3A_839[0] : f32 from vector<1xf32>
      %add3A_841 = arith.constant 47 : i32
      %add3A_842 = arith.addi %mul3A_84, %add3A_841 : i32
      %get3A_843 = arith.index_cast %add3A_842 : i32 to index
      %get3A_844 = arith.constant 0 : index
      %get3A_845 = tpu.vector_load %arg7[%get3A_843, %get3A_844] {strides = array<i32>} : memref<3200x32xf32, #tpu.memory_space<vmem>>, vector<16xf32>,
      %get3A_846 = arith.index_cast %add3A_842 : i32 to index
      %get3A_847 = arith.constant 16 : index
      %get3A_848 = tpu.vector_load %arg7[%get3A_846, %get3A_847] {strides = array<i32>} : memref<3200x32xf32, #tpu.memory_space<vmem>>, vector<16xf32>,
      %mul3A_849 = vector.broadcast %squeeze3A_840 : f32 to vector<16xf32>
      %mul3A_850 = arith.mulf %mul3A_849, %get3A_845 : vector<16xf32>
      %add3A_851 = arith.addf %add3A_835, %mul3A_850 : vector<16xf32>
      %mul3A_852 = vector.broadcast %squeeze3A_840 : f32 to vector<16xf32>
      %mul3A_853 = arith.mulf %mul3A_852, %get3A_848 : vector<16xf32>
      %add3A_854 = arith.addf %add3A_838, %mul3A_853 : vector<16xf32>
      %slice3A_855 = vector.extract_strided_slice %mul3A_82 {offsets = [0], sizes = [1], strides = [1]} : vector<16xf32> to vector<1xf32>
      %squeeze3A_856 = vector.extract %slice3A_855[0] : f32 from vector<1xf32>
      %add3A_857 = arith.constant 48 : i32
      %add3A_858 = arith.addi %mul3A_84, %add3A_857 : i32
      %get3A_859 = arith.index_cast %add3A_858 : i32 to index
      %get3A_860 = arith.constant 0 : index
      %get3A_861 = tpu.vector_load %arg7[%get3A_859, %get3A_860] {strides = array<i32>} : memref<3200x32xf32, #tpu.memory_space<vmem>>, vector<16xf32>,
      %get3A_862 = arith.index_cast %add3A_858 : i32 to index
      %get3A_863 = arith.constant 16 : index
      %get3A_864 = tpu.vector_load %arg7[%get3A_862, %get3A_863] {strides = array<i32>} : memref<3200x32xf32, #tpu.memory_space<vmem>>, vector<16xf32>,
      %mul3A_865 = vector.broadcast %squeeze3A_856 : f32 to vector<16xf32>
      %mul3A_866 = arith.mulf %mul3A_865, %get3A_861 : vector<16xf32>
      %add3A_867 = arith.addf %add3A_851, %mul3A_866 : vector<16xf32>
      %mul3A_868 = vector.broadcast %squeeze3A_856 : f32 to vector<16xf32>
      %mul3A_869 = arith.mulf %mul3A_868, %get3A_864 : vector<16xf32>
      %add3A_870 = arith.addf %add3A_854, %mul3A_869 : vector<16xf32>
      %slice3A_871 = vector.extract_strided_slice %mul3A_82 {offsets = [1], sizes = [1], strides = [1]} : vector<16xf32> to vector<1xf32>
      %squeeze3A_872 = vector.extract %slice3A_871[0] : f32 from vector<1xf32>
      %add3A_873 = arith.constant 49 : i32
      %add3A_874 = arith.addi %mul3A_84, %add3A_873 : i32
      %get3A_875 = arith.index_cast %add3A_874 : i32 to index
      %get3A_876 = arith.constant 0 : index
      %get3A_877 = tpu.vector_load %arg7[%get3A_875, %get3A_876] {strides = array<i32>} : memref<3200x32xf32, #tpu.memory_space<vmem>>, vector<16xf32>,
      %get3A_878 = arith.index_cast %add3A_874 : i32 to index
      %get3A_879 = arith.constant 16 : index
      %get3A_880 = tpu.vector_load %arg7[%get3A_878, %get3A_879] {strides = array<i32>} : memref<3200x32xf32, #tpu.memory_space<vmem>>, vector<16xf32>,
      %mul3A_881 = vector.broadcast %squeeze3A_872 : f32 to vector<16xf32>
      %mul3A_882 = arith.mulf %mul3A_881, %get3A_877 : vector<16xf32>
      %add3A_883 = arith.addf %add3A_867, %mul3A_882 : vector<16xf32>
      %mul3A_884 = vector.broadcast %squeeze3A_872 : f32 to vector<16xf32>
      %mul3A_885 = arith.mulf %mul3A_884, %get3A_880 : vector<16xf32>
      %add3A_886 = arith.addf %add3A_870, %mul3A_885 : vector<16xf32>
      %swap3A = arith.index_cast %scan3A_40 : i32 to index
      %swap3A_887 = arith.constant 0 : index
      %swap3A_888 = tpu.vector_load %arg9[%swap3A, %swap3A_887] {strides = array<i32>} : memref<64x32xf32, #tpu.memory_space<vmem>>, vector<16xf32>,
      tpu.vector_store %arg9[%swap3A, %swap3A_887], %add3A_883 {strides = array<i32>} : memref<64x32xf32, #tpu.memory_space<vmem>>, vector<16xf32>,
      %swap3A_889 = arith.index_cast %scan3A_40 : i32 to index
      %swap3A_890 = arith.constant 16 : index
      %swap3A_891 = tpu.vector_load %arg9[%swap3A_889, %swap3A_890] {strides = array<i32>} : memref<64x32xf32, #tpu.memory_space<vmem>>, vector<16xf32>,
      tpu.vector_store %arg9[%swap3A_889, %swap3A_890], %add3A_886 {strides = array<i32>} : memref<64x32xf32, #tpu.memory_space<vmem>>, vector<16xf32>,
      %scan3A_892 = arith.constant 0 : i32
      scf.yield %scan3A_892 : i32
    }
    %scan3A_37 = arith.constant 64 : i32
    %mul3A_38 = arith.constant 64 : i32
    %mul3A_39 = arith.muli %add3A_22, %mul3A_38 : i32
    "tpu.region"() ({
      %run_scoped3A = tpu.sem_alloc : memref<!tpu.dma_semaphore, #tpu.memory_space<semaphore_mem>>
      %dma_start3A_40 = arith.constant 0 : i32
      %dma_start3A_41 = tpu.memref_slice %arg5[%mul3A_39, %dma_start3A_40] : memref<4096x32xf32, #tpu.memory_space<hbm>> -> memref<64x32xf32, #tpu.memory_space<hbm>>
      %dma_start3A_42 = arith.constant 0 : i32
      %dma_start3A_43 = tpu.memref_slice %arg5[%mul3A_39, %dma_start3A_42] : memref<4096x32xf32, #tpu.memory_space<hbm>> -> memref<64x32xf32, #tpu.memory_space<hbm>>
      tpu.enqueue_dma source(%arg9 : memref<64x32xf32, #tpu.memory_space<vmem>>) target(%dma_start3A_43 : memref<64x32xf32, #tpu.memory_space<hbm>>) target_semaphore(%run_scoped3A : memref<!tpu.dma_semaphore, #tpu.memory_space<semaphore_mem>>)
      %dma_wait3A_44 = arith.constant 0 : i32
      %dma_wait3A_45 = tpu.memref_slice %arg5[%mul3A_39, %dma_wait3A_44] : memref<4096x32xf32, #tpu.memory_space<hbm>> -> memref<64x32xf32, #tpu.memory_space<hbm>>
      %dma_wait3A_46 = arith.constant 0 : i32
      %dma_wait3A_47 = tpu.memref_slice %arg5[%mul3A_39, %dma_wait3A_46] : memref<4096x32xf32, #tpu.memory_space<hbm>> -> memref<64x32xf32, #tpu.memory_space<hbm>>
      tpu.wait_dma2 semaphore(%run_scoped3A : memref<!tpu.dma_semaphore, #tpu.memory_space<semaphore_mem>>) src(%arg9 : memref<64x32xf32, #tpu.memory_space<vmem>>) dst(%dma_wait3A_47 : memref<64x32xf32, #tpu.memory_space<hbm>>)
      tpu.yield
    }) : () -> ()
    return
  }
}

#map = affine_map<(d0, d1) -> (0, 0)>
module attributes {stable_mosaic.version = 14 : i64} {
  func.func @_wbody(%arg0: i32, %arg1: i32, %arg2: memref<128x1600xi32, #tpu.memory_space<hbm>>, %arg3: memref<31250x32xf32, #tpu.memory_space<hbm>>, %arg4: memref<4096x64xf32, #tpu.memory_space<hbm>>, %arg5: memref<1600xi32, #tpu.memory_space<vmem>>, %arg6: memref<1600xi32, #tpu.memory_space<vmem>>, %arg7: memref<1600x32xf32, #tpu.memory_space<vmem>>, %arg8: memref<32x64xf32, #tpu.memory_space<vmem>>, %arg9: memref<!tpu.dma_semaphore, #tpu.memory_space<semaphore_mem>>) attributes {dimension_semantics = [#tpu.dimension_semantics<core_parallel>, #tpu.dimension_semantics<subcore_parallel>], iteration_bounds = array<i64: 2, 16>, scalar_prefetch = 0 : i64, scratch_operands = 5 : i64, tpu.core_type = #tpu.core_type<sc_vector_subcore>, window_params = [{transform_indices = #map}, {transform_indices = #map}, {transform_indices = #map}]} {
    %mul3A = arith.constant 2 : i32
    %mul3A_0 = arith.muli %arg1, %mul3A : i32
    %add3A = arith.addi %mul3A_0, %arg0 : i32
    %iota3A = tpu.iota {dimensions = array<i32: 0>} : vector<16xi32>
    %mul3A_1 = arith.constant 4 : i32
    %mul3A_2 = arith.muli %add3A, %mul3A_1 : i32
    %add3A_3 = arith.constant 0 : i32
    %add3A_4 = arith.addi %mul3A_2, %add3A_3 : i32
    "tpu.region"() ({
      %run_scoped3A = tpu.sem_alloc : memref<!tpu.dma_semaphore, #tpu.memory_space<semaphore_mem>>
      %dma_start3A_102 = arith.constant 0 : i32
      %dma_start3A_103 = tpu.memref_slice %arg2[%add3A_4, %dma_start3A_102] : memref<128x1600xi32, #tpu.memory_space<hbm>> -> memref<1x1600xi32, #tpu.memory_space<hbm>>
      %dma_start3A_104 = tpu.memref_squeeze %dma_start3A_103 : memref<1x1600xi32, #tpu.memory_space<hbm>> -> memref<1600xi32, #tpu.memory_space<hbm>>
      %dma_start3A_105 = arith.constant 0 : i32
      %dma_start3A_106 = tpu.memref_slice %arg2[%add3A_4, %dma_start3A_105] : memref<128x1600xi32, #tpu.memory_space<hbm>> -> memref<1x1600xi32, #tpu.memory_space<hbm>>
      %dma_start3A_107 = tpu.memref_squeeze %dma_start3A_106 : memref<1x1600xi32, #tpu.memory_space<hbm>> -> memref<1600xi32, #tpu.memory_space<hbm>>
      tpu.enqueue_dma source(%dma_start3A_107 : memref<1600xi32, #tpu.memory_space<hbm>>) target(%arg5 : memref<1600xi32, #tpu.memory_space<vmem>>) target_semaphore(%run_scoped3A : memref<!tpu.dma_semaphore, #tpu.memory_space<semaphore_mem>>)
      %dma_wait3A_108 = arith.constant 0 : i32
      %dma_wait3A_109 = tpu.memref_slice %arg2[%add3A_4, %dma_wait3A_108] : memref<128x1600xi32, #tpu.memory_space<hbm>> -> memref<1x1600xi32, #tpu.memory_space<hbm>>
      %dma_wait3A_110 = tpu.memref_squeeze %dma_wait3A_109 : memref<1x1600xi32, #tpu.memory_space<hbm>> -> memref<1600xi32, #tpu.memory_space<hbm>>
      %dma_wait3A_111 = arith.constant 0 : i32
      %dma_wait3A_112 = tpu.memref_slice %arg2[%add3A_4, %dma_wait3A_111] : memref<128x1600xi32, #tpu.memory_space<hbm>> -> memref<1x1600xi32, #tpu.memory_space<hbm>>
      %dma_wait3A_113 = tpu.memref_squeeze %dma_wait3A_112 : memref<1x1600xi32, #tpu.memory_space<hbm>> -> memref<1600xi32, #tpu.memory_space<hbm>>
      tpu.wait_dma2 semaphore(%run_scoped3A : memref<!tpu.dma_semaphore, #tpu.memory_space<semaphore_mem>>) src(%dma_wait3A_113 : memref<1600xi32, #tpu.memory_space<hbm>>) dst(%arg5 : memref<1600xi32, #tpu.memory_space<vmem>>)
      tpu.yield
    }) : () -> ()
    %scan3A = arith.constant 0 : i32
    %scan3A_5 = arith.constant 0 : i32
    %scan3A_6 = arith.constant 100 : i32
    %scan3A_7 = arith.addi %scan3A_5, %scan3A_6 : i32
    %scan3A_8 = arith.constant 1 : i32
    %scan3A_9 = scf.for %scan3A_102 = %scan3A_5 to %scan3A_7 step %scan3A_8 iter_args(%scan3A_103 = %scan3A) -> (i32)  : i32 {
      %mul3A_104 = arith.constant 16 : i32
      %mul3A_105 = arith.muli %scan3A_102, %mul3A_104 : i32
      %multiple_of3A = tpu.assume_multiple %mul3A_105, 16 : i32
      %get3A = arith.index_cast %multiple_of3A : i32 to index
      %get3A_106 = tpu.vector_load %arg5[%get3A] {strides = array<i32>} : memref<1600xi32, #tpu.memory_space<vmem>>, vector<16xi32>,
      %shift_right_arithmetic3A = arith.constant 5 : i32
      %shift_right_arithmetic3A_107 = vector.broadcast %shift_right_arithmetic3A : i32 to vector<16xi32>
      %shift_right_arithmetic3A_108 = arith.shrsi %get3A_106, %shift_right_arithmetic3A_107 : vector<16xi32>
      %swap3A = arith.index_cast %multiple_of3A : i32 to index
      %swap3A_109 = tpu.vector_load %arg6[%swap3A] {strides = array<i32>} : memref<1600xi32, #tpu.memory_space<vmem>>, vector<16xi32>,
      tpu.vector_store %arg6[%swap3A], %shift_right_arithmetic3A_108 {strides = array<i32>} : memref<1600xi32, #tpu.memory_space<vmem>>, vector<16xi32>,
      %scan3A_110 = arith.constant 0 : i32
      scf.yield %scan3A_110 : i32
    }
    %scan3A_10 = arith.constant 100 : i32
    %dma_start3A = arith.constant 0 : i32
    %dma_start3A_11 = arith.constant 0 : i32
    %dma_start3A_12 = tpu.memref_slice %arg3[%dma_start3A, %dma_start3A_11] : memref<31250x32xf32, #tpu.memory_space<hbm>> -> memref<31250x32xf32, #tpu.memory_space<hbm>>
    tpu.enqueue_indirect_dma source(%dma_start3A_12 : memref<31250x32xf32, #tpu.memory_space<hbm>>) target(%arg7 : memref<1600x32xf32, #tpu.memory_space<vmem>>) offsets(%arg6 : memref<1600xi32, #tpu.memory_space<vmem>>) semaphore(%arg9 : memref<!tpu.dma_semaphore, #tpu.memory_space<semaphore_mem>>)
    %dma_wait3A = arith.constant 0 : i32
    %dma_wait3A_13 = arith.constant 0 : i32
    %dma_wait3A_14 = tpu.memref_slice %arg3[%dma_wait3A, %dma_wait3A_13] : memref<31250x32xf32, #tpu.memory_space<hbm>> -> memref<31250x32xf32, #tpu.memory_space<hbm>>
    tpu.wait_indirect_dma semaphore(%arg9 : memref<!tpu.dma_semaphore, #tpu.memory_space<semaphore_mem>>) src(%dma_wait3A_14 : memref<31250x32xf32, #tpu.memory_space<hbm>>) dst(%arg7 : memref<1600x32xf32, #tpu.memory_space<vmem>>)
    %scan3A_15 = arith.constant 0 : i32
    %scan3A_16 = arith.constant 0 : i32
    %scan3A_17 = arith.constant 32 : i32
    %scan3A_18 = arith.addi %scan3A_16, %scan3A_17 : i32
    %scan3A_19 = arith.constant 1 : i32
    %scan3A_20 = scf.for %scan3A_102 = %scan3A_16 to %scan3A_18 step %scan3A_19 iter_args(%scan3A_103 = %scan3A_15) -> (i32)  : i32 {
      %mul3A_104 = arith.constant 50 : i32
      %mul3A_105 = arith.muli %scan3A_102, %mul3A_104 : i32
      %add3A_106 = arith.constant 0 : i32
      %add3A_107 = arith.addi %mul3A_105, %add3A_106 : i32
      %add3A_108 = vector.broadcast %add3A_107 : i32 to vector<16xi32>
      %add3A_109 = arith.addi %add3A_108, %iota3A : vector<16xi32>
      %min3A = arith.constant 1599 : i32
      %min3A_110 = vector.broadcast %min3A : i32 to vector<16xi32>
      %min3A_111 = arith.minsi %add3A_109, %min3A_110 : vector<16xi32>
      %gather3A = tpu.vector_load_idx %arg5[%min3A_111] : memref<1600xi32, #tpu.memory_space<vmem>>[vector<16xi32>], vector<16xi32>,
      %and3A = arith.constant 31 : i32
      %and3A_112 = vector.broadcast %and3A : i32 to vector<16xi32>
      %and3A_113 = arith.andi %gather3A, %and3A_112 : vector<16xi32>
      %gather3A_114 = tpu.vector_load_idx %arg7[%min3A_111, %and3A_113] : memref<1600x32xf32, #tpu.memory_space<vmem>>[vector<16xi32>, vector<16xi32>], vector<16xf32>,
      %swap3A = arith.index_cast %scan3A_102 : i32 to index
      %swap3A_115 = arith.constant 0 : index
      %swap3A_116 = tpu.vector_load %arg8[%swap3A, %swap3A_115] {strides = array<i32>} : memref<32x64xf32, #tpu.memory_space<vmem>>, vector<16xf32>,
      tpu.vector_store %arg8[%swap3A, %swap3A_115], %gather3A_114 {strides = array<i32>} : memref<32x64xf32, #tpu.memory_space<vmem>>, vector<16xf32>,
      %mul3A_117 = arith.constant 50 : i32
      %mul3A_118 = arith.muli %scan3A_102, %mul3A_117 : i32
      %add3A_119 = arith.constant 16 : i32
      %add3A_120 = arith.addi %mul3A_118, %add3A_119 : i32
      %add3A_121 = vector.broadcast %add3A_120 : i32 to vector<16xi32>
      %add3A_122 = arith.addi %add3A_121, %iota3A : vector<16xi32>
      %min3A_123 = arith.constant 1599 : i32
      %min3A_124 = vector.broadcast %min3A_123 : i32 to vector<16xi32>
      %min3A_125 = arith.minsi %add3A_122, %min3A_124 : vector<16xi32>
      %gather3A_126 = tpu.vector_load_idx %arg5[%min3A_125] : memref<1600xi32, #tpu.memory_space<vmem>>[vector<16xi32>], vector<16xi32>,
      %and3A_127 = arith.constant 31 : i32
      %and3A_128 = vector.broadcast %and3A_127 : i32 to vector<16xi32>
      %and3A_129 = arith.andi %gather3A_126, %and3A_128 : vector<16xi32>
      %gather3A_130 = tpu.vector_load_idx %arg7[%min3A_125, %and3A_129] : memref<1600x32xf32, #tpu.memory_space<vmem>>[vector<16xi32>, vector<16xi32>], vector<16xf32>,
      %swap3A_131 = arith.index_cast %scan3A_102 : i32 to index
      %swap3A_132 = arith.constant 16 : index
      %swap3A_133 = tpu.vector_load %arg8[%swap3A_131, %swap3A_132] {strides = array<i32>} : memref<32x64xf32, #tpu.memory_space<vmem>>, vector<16xf32>,
      tpu.vector_store %arg8[%swap3A_131, %swap3A_132], %gather3A_130 {strides = array<i32>} : memref<32x64xf32, #tpu.memory_space<vmem>>, vector<16xf32>,
      %mul3A_134 = arith.constant 50 : i32
      %mul3A_135 = arith.muli %scan3A_102, %mul3A_134 : i32
      %add3A_136 = arith.constant 32 : i32
      %add3A_137 = arith.addi %mul3A_135, %add3A_136 : i32
      %add3A_138 = vector.broadcast %add3A_137 : i32 to vector<16xi32>
      %add3A_139 = arith.addi %add3A_138, %iota3A : vector<16xi32>
      %min3A_140 = arith.constant 1599 : i32
      %min3A_141 = vector.broadcast %min3A_140 : i32 to vector<16xi32>
      %min3A_142 = arith.minsi %add3A_139, %min3A_141 : vector<16xi32>
      %gather3A_143 = tpu.vector_load_idx %arg5[%min3A_142] : memref<1600xi32, #tpu.memory_space<vmem>>[vector<16xi32>], vector<16xi32>,
      %and3A_144 = arith.constant 31 : i32
      %and3A_145 = vector.broadcast %and3A_144 : i32 to vector<16xi32>
      %and3A_146 = arith.andi %gather3A_143, %and3A_145 : vector<16xi32>
      %gather3A_147 = tpu.vector_load_idx %arg7[%min3A_142, %and3A_146] : memref<1600x32xf32, #tpu.memory_space<vmem>>[vector<16xi32>, vector<16xi32>], vector<16xf32>,
      %swap3A_148 = arith.index_cast %scan3A_102 : i32 to index
      %swap3A_149 = arith.constant 32 : index
      %swap3A_150 = tpu.vector_load %arg8[%swap3A_148, %swap3A_149] {strides = array<i32>} : memref<32x64xf32, #tpu.memory_space<vmem>>, vector<16xf32>,
      tpu.vector_store %arg8[%swap3A_148, %swap3A_149], %gather3A_147 {strides = array<i32>} : memref<32x64xf32, #tpu.memory_space<vmem>>, vector<16xf32>,
      %mul3A_151 = arith.constant 50 : i32
      %mul3A_152 = arith.muli %scan3A_102, %mul3A_151 : i32
      %add3A_153 = arith.constant 48 : i32
      %add3A_154 = arith.addi %mul3A_152, %add3A_153 : i32
      %add3A_155 = vector.broadcast %add3A_154 : i32 to vector<16xi32>
      %add3A_156 = arith.addi %add3A_155, %iota3A : vector<16xi32>
      %min3A_157 = arith.constant 1599 : i32
      %min3A_158 = vector.broadcast %min3A_157 : i32 to vector<16xi32>
      %min3A_159 = arith.minsi %add3A_156, %min3A_158 : vector<16xi32>
      %gather3A_160 = tpu.vector_load_idx %arg5[%min3A_159] : memref<1600xi32, #tpu.memory_space<vmem>>[vector<16xi32>], vector<16xi32>,
      %and3A_161 = arith.constant 31 : i32
      %and3A_162 = vector.broadcast %and3A_161 : i32 to vector<16xi32>
      %and3A_163 = arith.andi %gather3A_160, %and3A_162 : vector<16xi32>
      %gather3A_164 = tpu.vector_load_idx %arg7[%min3A_159, %and3A_163] : memref<1600x32xf32, #tpu.memory_space<vmem>>[vector<16xi32>, vector<16xi32>], vector<16xf32>,
      %swap3A_165 = arith.index_cast %scan3A_102 : i32 to index
      %swap3A_166 = arith.constant 48 : index
      %swap3A_167 = tpu.vector_load %arg8[%swap3A_165, %swap3A_166] {strides = array<i32>} : memref<32x64xf32, #tpu.memory_space<vmem>>, vector<16xf32>,
      tpu.vector_store %arg8[%swap3A_165, %swap3A_166], %gather3A_164 {strides = array<i32>} : memref<32x64xf32, #tpu.memory_space<vmem>>, vector<16xf32>,
      %scan3A_168 = arith.constant 0 : i32
      scf.yield %scan3A_168 : i32
    }
    %scan3A_21 = arith.constant 32 : i32
    %mul3A_22 = arith.constant 32 : i32
    %mul3A_23 = arith.muli %add3A_4, %mul3A_22 : i32
    "tpu.region"() ({
      %run_scoped3A = tpu.sem_alloc : memref<!tpu.dma_semaphore, #tpu.memory_space<semaphore_mem>>
      %dma_start3A_102 = arith.constant 0 : i32
      %dma_start3A_103 = tpu.memref_slice %arg4[%mul3A_23, %dma_start3A_102] : memref<4096x64xf32, #tpu.memory_space<hbm>> -> memref<32x64xf32, #tpu.memory_space<hbm>>
      %dma_start3A_104 = arith.constant 0 : i32
      %dma_start3A_105 = tpu.memref_slice %arg4[%mul3A_23, %dma_start3A_104] : memref<4096x64xf32, #tpu.memory_space<hbm>> -> memref<32x64xf32, #tpu.memory_space<hbm>>
      tpu.enqueue_dma source(%arg8 : memref<32x64xf32, #tpu.memory_space<vmem>>) target(%dma_start3A_105 : memref<32x64xf32, #tpu.memory_space<hbm>>) target_semaphore(%run_scoped3A : memref<!tpu.dma_semaphore, #tpu.memory_space<semaphore_mem>>)
      %dma_wait3A_106 = arith.constant 0 : i32
      %dma_wait3A_107 = tpu.memref_slice %arg4[%mul3A_23, %dma_wait3A_106] : memref<4096x64xf32, #tpu.memory_space<hbm>> -> memref<32x64xf32, #tpu.memory_space<hbm>>
      %dma_wait3A_108 = arith.constant 0 : i32
      %dma_wait3A_109 = tpu.memref_slice %arg4[%mul3A_23, %dma_wait3A_108] : memref<4096x64xf32, #tpu.memory_space<hbm>> -> memref<32x64xf32, #tpu.memory_space<hbm>>
      tpu.wait_dma2 semaphore(%run_scoped3A : memref<!tpu.dma_semaphore, #tpu.memory_space<semaphore_mem>>) src(%arg8 : memref<32x64xf32, #tpu.memory_space<vmem>>) dst(%dma_wait3A_109 : memref<32x64xf32, #tpu.memory_space<hbm>>)
      tpu.yield
    }) : () -> ()
    %mul3A_24 = arith.constant 4 : i32
    %mul3A_25 = arith.muli %add3A, %mul3A_24 : i32
    %add3A_26 = arith.constant 1 : i32
    %add3A_27 = arith.addi %mul3A_25, %add3A_26 : i32
    "tpu.region"() ({
      %run_scoped3A = tpu.sem_alloc : memref<!tpu.dma_semaphore, #tpu.memory_space<semaphore_mem>>
      %dma_start3A_102 = arith.constant 0 : i32
      %dma_start3A_103 = tpu.memref_slice %arg2[%add3A_27, %dma_start3A_102] : memref<128x1600xi32, #tpu.memory_space<hbm>> -> memref<1x1600xi32, #tpu.memory_space<hbm>>
      %dma_start3A_104 = tpu.memref_squeeze %dma_start3A_103 : memref<1x1600xi32, #tpu.memory_space<hbm>> -> memref<1600xi32, #tpu.memory_space<hbm>>
      %dma_start3A_105 = arith.constant 0 : i32
      %dma_start3A_106 = tpu.memref_slice %arg2[%add3A_27, %dma_start3A_105] : memref<128x1600xi32, #tpu.memory_space<hbm>> -> memref<1x1600xi32, #tpu.memory_space<hbm>>
      %dma_start3A_107 = tpu.memref_squeeze %dma_start3A_106 : memref<1x1600xi32, #tpu.memory_space<hbm>> -> memref<1600xi32, #tpu.memory_space<hbm>>
      tpu.enqueue_dma source(%dma_start3A_107 : memref<1600xi32, #tpu.memory_space<hbm>>) target(%arg5 : memref<1600xi32, #tpu.memory_space<vmem>>) target_semaphore(%run_scoped3A : memref<!tpu.dma_semaphore, #tpu.memory_space<semaphore_mem>>)
      %dma_wait3A_108 = arith.constant 0 : i32
      %dma_wait3A_109 = tpu.memref_slice %arg2[%add3A_27, %dma_wait3A_108] : memref<128x1600xi32, #tpu.memory_space<hbm>> -> memref<1x1600xi32, #tpu.memory_space<hbm>>
      %dma_wait3A_110 = tpu.memref_squeeze %dma_wait3A_109 : memref<1x1600xi32, #tpu.memory_space<hbm>> -> memref<1600xi32, #tpu.memory_space<hbm>>
      %dma_wait3A_111 = arith.constant 0 : i32
      %dma_wait3A_112 = tpu.memref_slice %arg2[%add3A_27, %dma_wait3A_111] : memref<128x1600xi32, #tpu.memory_space<hbm>> -> memref<1x1600xi32, #tpu.memory_space<hbm>>
      %dma_wait3A_113 = tpu.memref_squeeze %dma_wait3A_112 : memref<1x1600xi32, #tpu.memory_space<hbm>> -> memref<1600xi32, #tpu.memory_space<hbm>>
      tpu.wait_dma2 semaphore(%run_scoped3A : memref<!tpu.dma_semaphore, #tpu.memory_space<semaphore_mem>>) src(%dma_wait3A_113 : memref<1600xi32, #tpu.memory_space<hbm>>) dst(%arg5 : memref<1600xi32, #tpu.memory_space<vmem>>)
      tpu.yield
    }) : () -> ()
    %scan3A_28 = arith.constant 0 : i32
    %scan3A_29 = arith.constant 0 : i32
    %scan3A_30 = arith.constant 100 : i32
    %scan3A_31 = arith.addi %scan3A_29, %scan3A_30 : i32
    %scan3A_32 = arith.constant 1 : i32
    %scan3A_33 = scf.for %scan3A_102 = %scan3A_29 to %scan3A_31 step %scan3A_32 iter_args(%scan3A_103 = %scan3A_28) -> (i32)  : i32 {
      %mul3A_104 = arith.constant 16 : i32
      %mul3A_105 = arith.muli %scan3A_102, %mul3A_104 : i32
      %multiple_of3A = tpu.assume_multiple %mul3A_105, 16 : i32
      %get3A = arith.index_cast %multiple_of3A : i32 to index
      %get3A_106 = tpu.vector_load %arg5[%get3A] {strides = array<i32>} : memref<1600xi32, #tpu.memory_space<vmem>>, vector<16xi32>,
      %shift_right_arithmetic3A = arith.constant 5 : i32
      %shift_right_arithmetic3A_107 = vector.broadcast %shift_right_arithmetic3A : i32 to vector<16xi32>
      %shift_right_arithmetic3A_108 = arith.shrsi %get3A_106, %shift_right_arithmetic3A_107 : vector<16xi32>
      %swap3A = arith.index_cast %multiple_of3A : i32 to index
      %swap3A_109 = tpu.vector_load %arg6[%swap3A] {strides = array<i32>} : memref<1600xi32, #tpu.memory_space<vmem>>, vector<16xi32>,
      tpu.vector_store %arg6[%swap3A], %shift_right_arithmetic3A_108 {strides = array<i32>} : memref<1600xi32, #tpu.memory_space<vmem>>, vector<16xi32>,
      %scan3A_110 = arith.constant 0 : i32
      scf.yield %scan3A_110 : i32
    }
    %scan3A_34 = arith.constant 100 : i32
    %dma_start3A_35 = arith.constant 0 : i32
    %dma_start3A_36 = arith.constant 0 : i32
    %dma_start3A_37 = tpu.memref_slice %arg3[%dma_start3A_35, %dma_start3A_36] : memref<31250x32xf32, #tpu.memory_space<hbm>> -> memref<31250x32xf32, #tpu.memory_space<hbm>>
    tpu.enqueue_indirect_dma source(%dma_start3A_37 : memref<31250x32xf32, #tpu.memory_space<hbm>>) target(%arg7 : memref<1600x32xf32, #tpu.memory_space<vmem>>) offsets(%arg6 : memref<1600xi32, #tpu.memory_space<vmem>>) semaphore(%arg9 : memref<!tpu.dma_semaphore, #tpu.memory_space<semaphore_mem>>)
    %dma_wait3A_38 = arith.constant 0 : i32
    %dma_wait3A_39 = arith.constant 0 : i32
    %dma_wait3A_40 = tpu.memref_slice %arg3[%dma_wait3A_38, %dma_wait3A_39] : memref<31250x32xf32, #tpu.memory_space<hbm>> -> memref<31250x32xf32, #tpu.memory_space<hbm>>
    tpu.wait_indirect_dma semaphore(%arg9 : memref<!tpu.dma_semaphore, #tpu.memory_space<semaphore_mem>>) src(%dma_wait3A_40 : memref<31250x32xf32, #tpu.memory_space<hbm>>) dst(%arg7 : memref<1600x32xf32, #tpu.memory_space<vmem>>)
    %scan3A_41 = arith.constant 0 : i32
    %scan3A_42 = arith.constant 0 : i32
    %scan3A_43 = arith.constant 32 : i32
    %scan3A_44 = arith.addi %scan3A_42, %scan3A_43 : i32
    %scan3A_45 = arith.constant 1 : i32
    %scan3A_46 = scf.for %scan3A_102 = %scan3A_42 to %scan3A_44 step %scan3A_45 iter_args(%scan3A_103 = %scan3A_41) -> (i32)  : i32 {
      %mul3A_104 = arith.constant 50 : i32
      %mul3A_105 = arith.muli %scan3A_102, %mul3A_104 : i32
      %add3A_106 = arith.constant 0 : i32
      %add3A_107 = arith.addi %mul3A_105, %add3A_106 : i32
      %add3A_108 = vector.broadcast %add3A_107 : i32 to vector<16xi32>
      %add3A_109 = arith.addi %add3A_108, %iota3A : vector<16xi32>
      %min3A = arith.constant 1599 : i32
      %min3A_110 = vector.broadcast %min3A : i32 to vector<16xi32>
      %min3A_111 = arith.minsi %add3A_109, %min3A_110 : vector<16xi32>
      %gather3A = tpu.vector_load_idx %arg5[%min3A_111] : memref<1600xi32, #tpu.memory_space<vmem>>[vector<16xi32>], vector<16xi32>,
      %and3A = arith.constant 31 : i32
      %and3A_112 = vector.broadcast %and3A : i32 to vector<16xi32>
      %and3A_113 = arith.andi %gather3A, %and3A_112 : vector<16xi32>
      %gather3A_114 = tpu.vector_load_idx %arg7[%min3A_111, %and3A_113] : memref<1600x32xf32, #tpu.memory_space<vmem>>[vector<16xi32>, vector<16xi32>], vector<16xf32>,
      %swap3A = arith.index_cast %scan3A_102 : i32 to index
      %swap3A_115 = arith.constant 0 : index
      %swap3A_116 = tpu.vector_load %arg8[%swap3A, %swap3A_115] {strides = array<i32>} : memref<32x64xf32, #tpu.memory_space<vmem>>, vector<16xf32>,
      tpu.vector_store %arg8[%swap3A, %swap3A_115], %gather3A_114 {strides = array<i32>} : memref<32x64xf32, #tpu.memory_space<vmem>>, vector<16xf32>,
      %mul3A_117 = arith.constant 50 : i32
      %mul3A_118 = arith.muli %scan3A_102, %mul3A_117 : i32
      %add3A_119 = arith.constant 16 : i32
      %add3A_120 = arith.addi %mul3A_118, %add3A_119 : i32
      %add3A_121 = vector.broadcast %add3A_120 : i32 to vector<16xi32>
      %add3A_122 = arith.addi %add3A_121, %iota3A : vector<16xi32>
      %min3A_123 = arith.constant 1599 : i32
      %min3A_124 = vector.broadcast %min3A_123 : i32 to vector<16xi32>
      %min3A_125 = arith.minsi %add3A_122, %min3A_124 : vector<16xi32>
      %gather3A_126 = tpu.vector_load_idx %arg5[%min3A_125] : memref<1600xi32, #tpu.memory_space<vmem>>[vector<16xi32>], vector<16xi32>,
      %and3A_127 = arith.constant 31 : i32
      %and3A_128 = vector.broadcast %and3A_127 : i32 to vector<16xi32>
      %and3A_129 = arith.andi %gather3A_126, %and3A_128 : vector<16xi32>
      %gather3A_130 = tpu.vector_load_idx %arg7[%min3A_125, %and3A_129] : memref<1600x32xf32, #tpu.memory_space<vmem>>[vector<16xi32>, vector<16xi32>], vector<16xf32>,
      %swap3A_131 = arith.index_cast %scan3A_102 : i32 to index
      %swap3A_132 = arith.constant 16 : index
      %swap3A_133 = tpu.vector_load %arg8[%swap3A_131, %swap3A_132] {strides = array<i32>} : memref<32x64xf32, #tpu.memory_space<vmem>>, vector<16xf32>,
      tpu.vector_store %arg8[%swap3A_131, %swap3A_132], %gather3A_130 {strides = array<i32>} : memref<32x64xf32, #tpu.memory_space<vmem>>, vector<16xf32>,
      %mul3A_134 = arith.constant 50 : i32
      %mul3A_135 = arith.muli %scan3A_102, %mul3A_134 : i32
      %add3A_136 = arith.constant 32 : i32
      %add3A_137 = arith.addi %mul3A_135, %add3A_136 : i32
      %add3A_138 = vector.broadcast %add3A_137 : i32 to vector<16xi32>
      %add3A_139 = arith.addi %add3A_138, %iota3A : vector<16xi32>
      %min3A_140 = arith.constant 1599 : i32
      %min3A_141 = vector.broadcast %min3A_140 : i32 to vector<16xi32>
      %min3A_142 = arith.minsi %add3A_139, %min3A_141 : vector<16xi32>
      %gather3A_143 = tpu.vector_load_idx %arg5[%min3A_142] : memref<1600xi32, #tpu.memory_space<vmem>>[vector<16xi32>], vector<16xi32>,
      %and3A_144 = arith.constant 31 : i32
      %and3A_145 = vector.broadcast %and3A_144 : i32 to vector<16xi32>
      %and3A_146 = arith.andi %gather3A_143, %and3A_145 : vector<16xi32>
      %gather3A_147 = tpu.vector_load_idx %arg7[%min3A_142, %and3A_146] : memref<1600x32xf32, #tpu.memory_space<vmem>>[vector<16xi32>, vector<16xi32>], vector<16xf32>,
      %swap3A_148 = arith.index_cast %scan3A_102 : i32 to index
      %swap3A_149 = arith.constant 32 : index
      %swap3A_150 = tpu.vector_load %arg8[%swap3A_148, %swap3A_149] {strides = array<i32>} : memref<32x64xf32, #tpu.memory_space<vmem>>, vector<16xf32>,
      tpu.vector_store %arg8[%swap3A_148, %swap3A_149], %gather3A_147 {strides = array<i32>} : memref<32x64xf32, #tpu.memory_space<vmem>>, vector<16xf32>,
      %mul3A_151 = arith.constant 50 : i32
      %mul3A_152 = arith.muli %scan3A_102, %mul3A_151 : i32
      %add3A_153 = arith.constant 48 : i32
      %add3A_154 = arith.addi %mul3A_152, %add3A_153 : i32
      %add3A_155 = vector.broadcast %add3A_154 : i32 to vector<16xi32>
      %add3A_156 = arith.addi %add3A_155, %iota3A : vector<16xi32>
      %min3A_157 = arith.constant 1599 : i32
      %min3A_158 = vector.broadcast %min3A_157 : i32 to vector<16xi32>
      %min3A_159 = arith.minsi %add3A_156, %min3A_158 : vector<16xi32>
      %gather3A_160 = tpu.vector_load_idx %arg5[%min3A_159] : memref<1600xi32, #tpu.memory_space<vmem>>[vector<16xi32>], vector<16xi32>,
      %and3A_161 = arith.constant 31 : i32
      %and3A_162 = vector.broadcast %and3A_161 : i32 to vector<16xi32>
      %and3A_163 = arith.andi %gather3A_160, %and3A_162 : vector<16xi32>
      %gather3A_164 = tpu.vector_load_idx %arg7[%min3A_159, %and3A_163] : memref<1600x32xf32, #tpu.memory_space<vmem>>[vector<16xi32>, vector<16xi32>], vector<16xf32>,
      %swap3A_165 = arith.index_cast %scan3A_102 : i32 to index
      %swap3A_166 = arith.constant 48 : index
      %swap3A_167 = tpu.vector_load %arg8[%swap3A_165, %swap3A_166] {strides = array<i32>} : memref<32x64xf32, #tpu.memory_space<vmem>>, vector<16xf32>,
      tpu.vector_store %arg8[%swap3A_165, %swap3A_166], %gather3A_164 {strides = array<i32>} : memref<32x64xf32, #tpu.memory_space<vmem>>, vector<16xf32>,
      %scan3A_168 = arith.constant 0 : i32
      scf.yield %scan3A_168 : i32
    }
    %scan3A_47 = arith.constant 32 : i32
    %mul3A_48 = arith.constant 32 : i32
    %mul3A_49 = arith.muli %add3A_27, %mul3A_48 : i32
    "tpu.region"() ({
      %run_scoped3A = tpu.sem_alloc : memref<!tpu.dma_semaphore, #tpu.memory_space<semaphore_mem>>
      %dma_start3A_102 = arith.constant 0 : i32
      %dma_start3A_103 = tpu.memref_slice %arg4[%mul3A_49, %dma_start3A_102] : memref<4096x64xf32, #tpu.memory_space<hbm>> -> memref<32x64xf32, #tpu.memory_space<hbm>>
      %dma_start3A_104 = arith.constant 0 : i32
      %dma_start3A_105 = tpu.memref_slice %arg4[%mul3A_49, %dma_start3A_104] : memref<4096x64xf32, #tpu.memory_space<hbm>> -> memref<32x64xf32, #tpu.memory_space<hbm>>
      tpu.enqueue_dma source(%arg8 : memref<32x64xf32, #tpu.memory_space<vmem>>) target(%dma_start3A_105 : memref<32x64xf32, #tpu.memory_space<hbm>>) target_semaphore(%run_scoped3A : memref<!tpu.dma_semaphore, #tpu.memory_space<semaphore_mem>>)
      %dma_wait3A_106 = arith.constant 0 : i32
      %dma_wait3A_107 = tpu.memref_slice %arg4[%mul3A_49, %dma_wait3A_106] : memref<4096x64xf32, #tpu.memory_space<hbm>> -> memref<32x64xf32, #tpu.memory_space<hbm>>
      %dma_wait3A_108 = arith.constant 0 : i32
      %dma_wait3A_109 = tpu.memref_slice %arg4[%mul3A_49, %dma_wait3A_108] : memref<4096x64xf32, #tpu.memory_space<hbm>> -> memref<32x64xf32, #tpu.memory_space<hbm>>
      tpu.wait_dma2 semaphore(%run_scoped3A : memref<!tpu.dma_semaphore, #tpu.memory_space<semaphore_mem>>) src(%arg8 : memref<32x64xf32, #tpu.memory_space<vmem>>) dst(%dma_wait3A_109 : memref<32x64xf32, #tpu.memory_space<hbm>>)
      tpu.yield
    }) : () -> ()
    %mul3A_50 = arith.constant 4 : i32
    %mul3A_51 = arith.muli %add3A, %mul3A_50 : i32
    %add3A_52 = arith.constant 2 : i32
    %add3A_53 = arith.addi %mul3A_51, %add3A_52 : i32
    "tpu.region"() ({
      %run_scoped3A = tpu.sem_alloc : memref<!tpu.dma_semaphore, #tpu.memory_space<semaphore_mem>>
      %dma_start3A_102 = arith.constant 0 : i32
      %dma_start3A_103 = tpu.memref_slice %arg2[%add3A_53, %dma_start3A_102] : memref<128x1600xi32, #tpu.memory_space<hbm>> -> memref<1x1600xi32, #tpu.memory_space<hbm>>
      %dma_start3A_104 = tpu.memref_squeeze %dma_start3A_103 : memref<1x1600xi32, #tpu.memory_space<hbm>> -> memref<1600xi32, #tpu.memory_space<hbm>>
      %dma_start3A_105 = arith.constant 0 : i32
      %dma_start3A_106 = tpu.memref_slice %arg2[%add3A_53, %dma_start3A_105] : memref<128x1600xi32, #tpu.memory_space<hbm>> -> memref<1x1600xi32, #tpu.memory_space<hbm>>
      %dma_start3A_107 = tpu.memref_squeeze %dma_start3A_106 : memref<1x1600xi32, #tpu.memory_space<hbm>> -> memref<1600xi32, #tpu.memory_space<hbm>>
      tpu.enqueue_dma source(%dma_start3A_107 : memref<1600xi32, #tpu.memory_space<hbm>>) target(%arg5 : memref<1600xi32, #tpu.memory_space<vmem>>) target_semaphore(%run_scoped3A : memref<!tpu.dma_semaphore, #tpu.memory_space<semaphore_mem>>)
      %dma_wait3A_108 = arith.constant 0 : i32
      %dma_wait3A_109 = tpu.memref_slice %arg2[%add3A_53, %dma_wait3A_108] : memref<128x1600xi32, #tpu.memory_space<hbm>> -> memref<1x1600xi32, #tpu.memory_space<hbm>>
      %dma_wait3A_110 = tpu.memref_squeeze %dma_wait3A_109 : memref<1x1600xi32, #tpu.memory_space<hbm>> -> memref<1600xi32, #tpu.memory_space<hbm>>
      %dma_wait3A_111 = arith.constant 0 : i32
      %dma_wait3A_112 = tpu.memref_slice %arg2[%add3A_53, %dma_wait3A_111] : memref<128x1600xi32, #tpu.memory_space<hbm>> -> memref<1x1600xi32, #tpu.memory_space<hbm>>
      %dma_wait3A_113 = tpu.memref_squeeze %dma_wait3A_112 : memref<1x1600xi32, #tpu.memory_space<hbm>> -> memref<1600xi32, #tpu.memory_space<hbm>>
      tpu.wait_dma2 semaphore(%run_scoped3A : memref<!tpu.dma_semaphore, #tpu.memory_space<semaphore_mem>>) src(%dma_wait3A_113 : memref<1600xi32, #tpu.memory_space<hbm>>) dst(%arg5 : memref<1600xi32, #tpu.memory_space<vmem>>)
      tpu.yield
    }) : () -> ()
    %scan3A_54 = arith.constant 0 : i32
    %scan3A_55 = arith.constant 0 : i32
    %scan3A_56 = arith.constant 100 : i32
    %scan3A_57 = arith.addi %scan3A_55, %scan3A_56 : i32
    %scan3A_58 = arith.constant 1 : i32
    %scan3A_59 = scf.for %scan3A_102 = %scan3A_55 to %scan3A_57 step %scan3A_58 iter_args(%scan3A_103 = %scan3A_54) -> (i32)  : i32 {
      %mul3A_104 = arith.constant 16 : i32
      %mul3A_105 = arith.muli %scan3A_102, %mul3A_104 : i32
      %multiple_of3A = tpu.assume_multiple %mul3A_105, 16 : i32
      %get3A = arith.index_cast %multiple_of3A : i32 to index
      %get3A_106 = tpu.vector_load %arg5[%get3A] {strides = array<i32>} : memref<1600xi32, #tpu.memory_space<vmem>>, vector<16xi32>,
      %shift_right_arithmetic3A = arith.constant 5 : i32
      %shift_right_arithmetic3A_107 = vector.broadcast %shift_right_arithmetic3A : i32 to vector<16xi32>
      %shift_right_arithmetic3A_108 = arith.shrsi %get3A_106, %shift_right_arithmetic3A_107 : vector<16xi32>
      %swap3A = arith.index_cast %multiple_of3A : i32 to index
      %swap3A_109 = tpu.vector_load %arg6[%swap3A] {strides = array<i32>} : memref<1600xi32, #tpu.memory_space<vmem>>, vector<16xi32>,
      tpu.vector_store %arg6[%swap3A], %shift_right_arithmetic3A_108 {strides = array<i32>} : memref<1600xi32, #tpu.memory_space<vmem>>, vector<16xi32>,
      %scan3A_110 = arith.constant 0 : i32
      scf.yield %scan3A_110 : i32
    }
    %scan3A_60 = arith.constant 100 : i32
    %dma_start3A_61 = arith.constant 0 : i32
    %dma_start3A_62 = arith.constant 0 : i32
    %dma_start3A_63 = tpu.memref_slice %arg3[%dma_start3A_61, %dma_start3A_62] : memref<31250x32xf32, #tpu.memory_space<hbm>> -> memref<31250x32xf32, #tpu.memory_space<hbm>>
    tpu.enqueue_indirect_dma source(%dma_start3A_63 : memref<31250x32xf32, #tpu.memory_space<hbm>>) target(%arg7 : memref<1600x32xf32, #tpu.memory_space<vmem>>) offsets(%arg6 : memref<1600xi32, #tpu.memory_space<vmem>>) semaphore(%arg9 : memref<!tpu.dma_semaphore, #tpu.memory_space<semaphore_mem>>)
    %dma_wait3A_64 = arith.constant 0 : i32
    %dma_wait3A_65 = arith.constant 0 : i32
    %dma_wait3A_66 = tpu.memref_slice %arg3[%dma_wait3A_64, %dma_wait3A_65] : memref<31250x32xf32, #tpu.memory_space<hbm>> -> memref<31250x32xf32, #tpu.memory_space<hbm>>
    tpu.wait_indirect_dma semaphore(%arg9 : memref<!tpu.dma_semaphore, #tpu.memory_space<semaphore_mem>>) src(%dma_wait3A_66 : memref<31250x32xf32, #tpu.memory_space<hbm>>) dst(%arg7 : memref<1600x32xf32, #tpu.memory_space<vmem>>)
    %scan3A_67 = arith.constant 0 : i32
    %scan3A_68 = arith.constant 0 : i32
    %scan3A_69 = arith.constant 32 : i32
    %scan3A_70 = arith.addi %scan3A_68, %scan3A_69 : i32
    %scan3A_71 = arith.constant 1 : i32
    %scan3A_72 = scf.for %scan3A_102 = %scan3A_68 to %scan3A_70 step %scan3A_71 iter_args(%scan3A_103 = %scan3A_67) -> (i32)  : i32 {
      %mul3A_104 = arith.constant 50 : i32
      %mul3A_105 = arith.muli %scan3A_102, %mul3A_104 : i32
      %add3A_106 = arith.constant 0 : i32
      %add3A_107 = arith.addi %mul3A_105, %add3A_106 : i32
      %add3A_108 = vector.broadcast %add3A_107 : i32 to vector<16xi32>
      %add3A_109 = arith.addi %add3A_108, %iota3A : vector<16xi32>
      %min3A = arith.constant 1599 : i32
      %min3A_110 = vector.broadcast %min3A : i32 to vector<16xi32>
      %min3A_111 = arith.minsi %add3A_109, %min3A_110 : vector<16xi32>
      %gather3A = tpu.vector_load_idx %arg5[%min3A_111] : memref<1600xi32, #tpu.memory_space<vmem>>[vector<16xi32>], vector<16xi32>,
      %and3A = arith.constant 31 : i32
      %and3A_112 = vector.broadcast %and3A : i32 to vector<16xi32>
      %and3A_113 = arith.andi %gather3A, %and3A_112 : vector<16xi32>
      %gather3A_114 = tpu.vector_load_idx %arg7[%min3A_111, %and3A_113] : memref<1600x32xf32, #tpu.memory_space<vmem>>[vector<16xi32>, vector<16xi32>], vector<16xf32>,
      %swap3A = arith.index_cast %scan3A_102 : i32 to index
      %swap3A_115 = arith.constant 0 : index
      %swap3A_116 = tpu.vector_load %arg8[%swap3A, %swap3A_115] {strides = array<i32>} : memref<32x64xf32, #tpu.memory_space<vmem>>, vector<16xf32>,
      tpu.vector_store %arg8[%swap3A, %swap3A_115], %gather3A_114 {strides = array<i32>} : memref<32x64xf32, #tpu.memory_space<vmem>>, vector<16xf32>,
      %mul3A_117 = arith.constant 50 : i32
      %mul3A_118 = arith.muli %scan3A_102, %mul3A_117 : i32
      %add3A_119 = arith.constant 16 : i32
      %add3A_120 = arith.addi %mul3A_118, %add3A_119 : i32
      %add3A_121 = vector.broadcast %add3A_120 : i32 to vector<16xi32>
      %add3A_122 = arith.addi %add3A_121, %iota3A : vector<16xi32>
      %min3A_123 = arith.constant 1599 : i32
      %min3A_124 = vector.broadcast %min3A_123 : i32 to vector<16xi32>
      %min3A_125 = arith.minsi %add3A_122, %min3A_124 : vector<16xi32>
      %gather3A_126 = tpu.vector_load_idx %arg5[%min3A_125] : memref<1600xi32, #tpu.memory_space<vmem>>[vector<16xi32>], vector<16xi32>,
      %and3A_127 = arith.constant 31 : i32
      %and3A_128 = vector.broadcast %and3A_127 : i32 to vector<16xi32>
      %and3A_129 = arith.andi %gather3A_126, %and3A_128 : vector<16xi32>
      %gather3A_130 = tpu.vector_load_idx %arg7[%min3A_125, %and3A_129] : memref<1600x32xf32, #tpu.memory_space<vmem>>[vector<16xi32>, vector<16xi32>], vector<16xf32>,
      %swap3A_131 = arith.index_cast %scan3A_102 : i32 to index
      %swap3A_132 = arith.constant 16 : index
      %swap3A_133 = tpu.vector_load %arg8[%swap3A_131, %swap3A_132] {strides = array<i32>} : memref<32x64xf32, #tpu.memory_space<vmem>>, vector<16xf32>,
      tpu.vector_store %arg8[%swap3A_131, %swap3A_132], %gather3A_130 {strides = array<i32>} : memref<32x64xf32, #tpu.memory_space<vmem>>, vector<16xf32>,
      %mul3A_134 = arith.constant 50 : i32
      %mul3A_135 = arith.muli %scan3A_102, %mul3A_134 : i32
      %add3A_136 = arith.constant 32 : i32
      %add3A_137 = arith.addi %mul3A_135, %add3A_136 : i32
      %add3A_138 = vector.broadcast %add3A_137 : i32 to vector<16xi32>
      %add3A_139 = arith.addi %add3A_138, %iota3A : vector<16xi32>
      %min3A_140 = arith.constant 1599 : i32
      %min3A_141 = vector.broadcast %min3A_140 : i32 to vector<16xi32>
      %min3A_142 = arith.minsi %add3A_139, %min3A_141 : vector<16xi32>
      %gather3A_143 = tpu.vector_load_idx %arg5[%min3A_142] : memref<1600xi32, #tpu.memory_space<vmem>>[vector<16xi32>], vector<16xi32>,
      %and3A_144 = arith.constant 31 : i32
      %and3A_145 = vector.broadcast %and3A_144 : i32 to vector<16xi32>
      %and3A_146 = arith.andi %gather3A_143, %and3A_145 : vector<16xi32>
      %gather3A_147 = tpu.vector_load_idx %arg7[%min3A_142, %and3A_146] : memref<1600x32xf32, #tpu.memory_space<vmem>>[vector<16xi32>, vector<16xi32>], vector<16xf32>,
      %swap3A_148 = arith.index_cast %scan3A_102 : i32 to index
      %swap3A_149 = arith.constant 32 : index
      %swap3A_150 = tpu.vector_load %arg8[%swap3A_148, %swap3A_149] {strides = array<i32>} : memref<32x64xf32, #tpu.memory_space<vmem>>, vector<16xf32>,
      tpu.vector_store %arg8[%swap3A_148, %swap3A_149], %gather3A_147 {strides = array<i32>} : memref<32x64xf32, #tpu.memory_space<vmem>>, vector<16xf32>,
      %mul3A_151 = arith.constant 50 : i32
      %mul3A_152 = arith.muli %scan3A_102, %mul3A_151 : i32
      %add3A_153 = arith.constant 48 : i32
      %add3A_154 = arith.addi %mul3A_152, %add3A_153 : i32
      %add3A_155 = vector.broadcast %add3A_154 : i32 to vector<16xi32>
      %add3A_156 = arith.addi %add3A_155, %iota3A : vector<16xi32>
      %min3A_157 = arith.constant 1599 : i32
      %min3A_158 = vector.broadcast %min3A_157 : i32 to vector<16xi32>
      %min3A_159 = arith.minsi %add3A_156, %min3A_158 : vector<16xi32>
      %gather3A_160 = tpu.vector_load_idx %arg5[%min3A_159] : memref<1600xi32, #tpu.memory_space<vmem>>[vector<16xi32>], vector<16xi32>,
      %and3A_161 = arith.constant 31 : i32
      %and3A_162 = vector.broadcast %and3A_161 : i32 to vector<16xi32>
      %and3A_163 = arith.andi %gather3A_160, %and3A_162 : vector<16xi32>
      %gather3A_164 = tpu.vector_load_idx %arg7[%min3A_159, %and3A_163] : memref<1600x32xf32, #tpu.memory_space<vmem>>[vector<16xi32>, vector<16xi32>], vector<16xf32>,
      %swap3A_165 = arith.index_cast %scan3A_102 : i32 to index
      %swap3A_166 = arith.constant 48 : index
      %swap3A_167 = tpu.vector_load %arg8[%swap3A_165, %swap3A_166] {strides = array<i32>} : memref<32x64xf32, #tpu.memory_space<vmem>>, vector<16xf32>,
      tpu.vector_store %arg8[%swap3A_165, %swap3A_166], %gather3A_164 {strides = array<i32>} : memref<32x64xf32, #tpu.memory_space<vmem>>, vector<16xf32>,
      %scan3A_168 = arith.constant 0 : i32
      scf.yield %scan3A_168 : i32
    }
    %scan3A_73 = arith.constant 32 : i32
    %mul3A_74 = arith.constant 32 : i32
    %mul3A_75 = arith.muli %add3A_53, %mul3A_74 : i32
    "tpu.region"() ({
      %run_scoped3A = tpu.sem_alloc : memref<!tpu.dma_semaphore, #tpu.memory_space<semaphore_mem>>
      %dma_start3A_102 = arith.constant 0 : i32
      %dma_start3A_103 = tpu.memref_slice %arg4[%mul3A_75, %dma_start3A_102] : memref<4096x64xf32, #tpu.memory_space<hbm>> -> memref<32x64xf32, #tpu.memory_space<hbm>>
      %dma_start3A_104 = arith.constant 0 : i32
      %dma_start3A_105 = tpu.memref_slice %arg4[%mul3A_75, %dma_start3A_104] : memref<4096x64xf32, #tpu.memory_space<hbm>> -> memref<32x64xf32, #tpu.memory_space<hbm>>
      tpu.enqueue_dma source(%arg8 : memref<32x64xf32, #tpu.memory_space<vmem>>) target(%dma_start3A_105 : memref<32x64xf32, #tpu.memory_space<hbm>>) target_semaphore(%run_scoped3A : memref<!tpu.dma_semaphore, #tpu.memory_space<semaphore_mem>>)
      %dma_wait3A_106 = arith.constant 0 : i32
      %dma_wait3A_107 = tpu.memref_slice %arg4[%mul3A_75, %dma_wait3A_106] : memref<4096x64xf32, #tpu.memory_space<hbm>> -> memref<32x64xf32, #tpu.memory_space<hbm>>
      %dma_wait3A_108 = arith.constant 0 : i32
      %dma_wait3A_109 = tpu.memref_slice %arg4[%mul3A_75, %dma_wait3A_108] : memref<4096x64xf32, #tpu.memory_space<hbm>> -> memref<32x64xf32, #tpu.memory_space<hbm>>
      tpu.wait_dma2 semaphore(%run_scoped3A : memref<!tpu.dma_semaphore, #tpu.memory_space<semaphore_mem>>) src(%arg8 : memref<32x64xf32, #tpu.memory_space<vmem>>) dst(%dma_wait3A_109 : memref<32x64xf32, #tpu.memory_space<hbm>>)
      tpu.yield
    }) : () -> ()
    %mul3A_76 = arith.constant 4 : i32
    %mul3A_77 = arith.muli %add3A, %mul3A_76 : i32
    %add3A_78 = arith.constant 3 : i32
    %add3A_79 = arith.addi %mul3A_77, %add3A_78 : i32
    "tpu.region"() ({
      %run_scoped3A = tpu.sem_alloc : memref<!tpu.dma_semaphore, #tpu.memory_space<semaphore_mem>>
      %dma_start3A_102 = arith.constant 0 : i32
      %dma_start3A_103 = tpu.memref_slice %arg2[%add3A_79, %dma_start3A_102] : memref<128x1600xi32, #tpu.memory_space<hbm>> -> memref<1x1600xi32, #tpu.memory_space<hbm>>
      %dma_start3A_104 = tpu.memref_squeeze %dma_start3A_103 : memref<1x1600xi32, #tpu.memory_space<hbm>> -> memref<1600xi32, #tpu.memory_space<hbm>>
      %dma_start3A_105 = arith.constant 0 : i32
      %dma_start3A_106 = tpu.memref_slice %arg2[%add3A_79, %dma_start3A_105] : memref<128x1600xi32, #tpu.memory_space<hbm>> -> memref<1x1600xi32, #tpu.memory_space<hbm>>
      %dma_start3A_107 = tpu.memref_squeeze %dma_start3A_106 : memref<1x1600xi32, #tpu.memory_space<hbm>> -> memref<1600xi32, #tpu.memory_space<hbm>>
      tpu.enqueue_dma source(%dma_start3A_107 : memref<1600xi32, #tpu.memory_space<hbm>>) target(%arg5 : memref<1600xi32, #tpu.memory_space<vmem>>) target_semaphore(%run_scoped3A : memref<!tpu.dma_semaphore, #tpu.memory_space<semaphore_mem>>)
      %dma_wait3A_108 = arith.constant 0 : i32
      %dma_wait3A_109 = tpu.memref_slice %arg2[%add3A_79, %dma_wait3A_108] : memref<128x1600xi32, #tpu.memory_space<hbm>> -> memref<1x1600xi32, #tpu.memory_space<hbm>>
      %dma_wait3A_110 = tpu.memref_squeeze %dma_wait3A_109 : memref<1x1600xi32, #tpu.memory_space<hbm>> -> memref<1600xi32, #tpu.memory_space<hbm>>
      %dma_wait3A_111 = arith.constant 0 : i32
      %dma_wait3A_112 = tpu.memref_slice %arg2[%add3A_79, %dma_wait3A_111] : memref<128x1600xi32, #tpu.memory_space<hbm>> -> memref<1x1600xi32, #tpu.memory_space<hbm>>
      %dma_wait3A_113 = tpu.memref_squeeze %dma_wait3A_112 : memref<1x1600xi32, #tpu.memory_space<hbm>> -> memref<1600xi32, #tpu.memory_space<hbm>>
      tpu.wait_dma2 semaphore(%run_scoped3A : memref<!tpu.dma_semaphore, #tpu.memory_space<semaphore_mem>>) src(%dma_wait3A_113 : memref<1600xi32, #tpu.memory_space<hbm>>) dst(%arg5 : memref<1600xi32, #tpu.memory_space<vmem>>)
      tpu.yield
    }) : () -> ()
    %scan3A_80 = arith.constant 0 : i32
    %scan3A_81 = arith.constant 0 : i32
    %scan3A_82 = arith.constant 100 : i32
    %scan3A_83 = arith.addi %scan3A_81, %scan3A_82 : i32
    %scan3A_84 = arith.constant 1 : i32
    %scan3A_85 = scf.for %scan3A_102 = %scan3A_81 to %scan3A_83 step %scan3A_84 iter_args(%scan3A_103 = %scan3A_80) -> (i32)  : i32 {
      %mul3A_104 = arith.constant 16 : i32
      %mul3A_105 = arith.muli %scan3A_102, %mul3A_104 : i32
      %multiple_of3A = tpu.assume_multiple %mul3A_105, 16 : i32
      %get3A = arith.index_cast %multiple_of3A : i32 to index
      %get3A_106 = tpu.vector_load %arg5[%get3A] {strides = array<i32>} : memref<1600xi32, #tpu.memory_space<vmem>>, vector<16xi32>,
      %shift_right_arithmetic3A = arith.constant 5 : i32
      %shift_right_arithmetic3A_107 = vector.broadcast %shift_right_arithmetic3A : i32 to vector<16xi32>
      %shift_right_arithmetic3A_108 = arith.shrsi %get3A_106, %shift_right_arithmetic3A_107 : vector<16xi32>
      %swap3A = arith.index_cast %multiple_of3A : i32 to index
      %swap3A_109 = tpu.vector_load %arg6[%swap3A] {strides = array<i32>} : memref<1600xi32, #tpu.memory_space<vmem>>, vector<16xi32>,
      tpu.vector_store %arg6[%swap3A], %shift_right_arithmetic3A_108 {strides = array<i32>} : memref<1600xi32, #tpu.memory_space<vmem>>, vector<16xi32>,
      %scan3A_110 = arith.constant 0 : i32
      scf.yield %scan3A_110 : i32
    }
    %scan3A_86 = arith.constant 100 : i32
    %dma_start3A_87 = arith.constant 0 : i32
    %dma_start3A_88 = arith.constant 0 : i32
    %dma_start3A_89 = tpu.memref_slice %arg3[%dma_start3A_87, %dma_start3A_88] : memref<31250x32xf32, #tpu.memory_space<hbm>> -> memref<31250x32xf32, #tpu.memory_space<hbm>>
    tpu.enqueue_indirect_dma source(%dma_start3A_89 : memref<31250x32xf32, #tpu.memory_space<hbm>>) target(%arg7 : memref<1600x32xf32, #tpu.memory_space<vmem>>) offsets(%arg6 : memref<1600xi32, #tpu.memory_space<vmem>>) semaphore(%arg9 : memref<!tpu.dma_semaphore, #tpu.memory_space<semaphore_mem>>)
    %dma_wait3A_90 = arith.constant 0 : i32
    %dma_wait3A_91 = arith.constant 0 : i32
    %dma_wait3A_92 = tpu.memref_slice %arg3[%dma_wait3A_90, %dma_wait3A_91] : memref<31250x32xf32, #tpu.memory_space<hbm>> -> memref<31250x32xf32, #tpu.memory_space<hbm>>
    tpu.wait_indirect_dma semaphore(%arg9 : memref<!tpu.dma_semaphore, #tpu.memory_space<semaphore_mem>>) src(%dma_wait3A_92 : memref<31250x32xf32, #tpu.memory_space<hbm>>) dst(%arg7 : memref<1600x32xf32, #tpu.memory_space<vmem>>)
    %scan3A_93 = arith.constant 0 : i32
    %scan3A_94 = arith.constant 0 : i32
    %scan3A_95 = arith.constant 32 : i32
    %scan3A_96 = arith.addi %scan3A_94, %scan3A_95 : i32
    %scan3A_97 = arith.constant 1 : i32
    %scan3A_98 = scf.for %scan3A_102 = %scan3A_94 to %scan3A_96 step %scan3A_97 iter_args(%scan3A_103 = %scan3A_93) -> (i32)  : i32 {
      %mul3A_104 = arith.constant 50 : i32
      %mul3A_105 = arith.muli %scan3A_102, %mul3A_104 : i32
      %add3A_106 = arith.constant 0 : i32
      %add3A_107 = arith.addi %mul3A_105, %add3A_106 : i32
      %add3A_108 = vector.broadcast %add3A_107 : i32 to vector<16xi32>
      %add3A_109 = arith.addi %add3A_108, %iota3A : vector<16xi32>
      %min3A = arith.constant 1599 : i32
      %min3A_110 = vector.broadcast %min3A : i32 to vector<16xi32>
      %min3A_111 = arith.minsi %add3A_109, %min3A_110 : vector<16xi32>
      %gather3A = tpu.vector_load_idx %arg5[%min3A_111] : memref<1600xi32, #tpu.memory_space<vmem>>[vector<16xi32>], vector<16xi32>,
      %and3A = arith.constant 31 : i32
      %and3A_112 = vector.broadcast %and3A : i32 to vector<16xi32>
      %and3A_113 = arith.andi %gather3A, %and3A_112 : vector<16xi32>
      %gather3A_114 = tpu.vector_load_idx %arg7[%min3A_111, %and3A_113] : memref<1600x32xf32, #tpu.memory_space<vmem>>[vector<16xi32>, vector<16xi32>], vector<16xf32>,
      %swap3A = arith.index_cast %scan3A_102 : i32 to index
      %swap3A_115 = arith.constant 0 : index
      %swap3A_116 = tpu.vector_load %arg8[%swap3A, %swap3A_115] {strides = array<i32>} : memref<32x64xf32, #tpu.memory_space<vmem>>, vector<16xf32>,
      tpu.vector_store %arg8[%swap3A, %swap3A_115], %gather3A_114 {strides = array<i32>} : memref<32x64xf32, #tpu.memory_space<vmem>>, vector<16xf32>,
      %mul3A_117 = arith.constant 50 : i32
      %mul3A_118 = arith.muli %scan3A_102, %mul3A_117 : i32
      %add3A_119 = arith.constant 16 : i32
      %add3A_120 = arith.addi %mul3A_118, %add3A_119 : i32
      %add3A_121 = vector.broadcast %add3A_120 : i32 to vector<16xi32>
      %add3A_122 = arith.addi %add3A_121, %iota3A : vector<16xi32>
      %min3A_123 = arith.constant 1599 : i32
      %min3A_124 = vector.broadcast %min3A_123 : i32 to vector<16xi32>
      %min3A_125 = arith.minsi %add3A_122, %min3A_124 : vector<16xi32>
      %gather3A_126 = tpu.vector_load_idx %arg5[%min3A_125] : memref<1600xi32, #tpu.memory_space<vmem>>[vector<16xi32>], vector<16xi32>,
      %and3A_127 = arith.constant 31 : i32
      %and3A_128 = vector.broadcast %and3A_127 : i32 to vector<16xi32>
      %and3A_129 = arith.andi %gather3A_126, %and3A_128 : vector<16xi32>
      %gather3A_130 = tpu.vector_load_idx %arg7[%min3A_125, %and3A_129] : memref<1600x32xf32, #tpu.memory_space<vmem>>[vector<16xi32>, vector<16xi32>], vector<16xf32>,
      %swap3A_131 = arith.index_cast %scan3A_102 : i32 to index
      %swap3A_132 = arith.constant 16 : index
      %swap3A_133 = tpu.vector_load %arg8[%swap3A_131, %swap3A_132] {strides = array<i32>} : memref<32x64xf32, #tpu.memory_space<vmem>>, vector<16xf32>,
      tpu.vector_store %arg8[%swap3A_131, %swap3A_132], %gather3A_130 {strides = array<i32>} : memref<32x64xf32, #tpu.memory_space<vmem>>, vector<16xf32>,
      %mul3A_134 = arith.constant 50 : i32
      %mul3A_135 = arith.muli %scan3A_102, %mul3A_134 : i32
      %add3A_136 = arith.constant 32 : i32
      %add3A_137 = arith.addi %mul3A_135, %add3A_136 : i32
      %add3A_138 = vector.broadcast %add3A_137 : i32 to vector<16xi32>
      %add3A_139 = arith.addi %add3A_138, %iota3A : vector<16xi32>
      %min3A_140 = arith.constant 1599 : i32
      %min3A_141 = vector.broadcast %min3A_140 : i32 to vector<16xi32>
      %min3A_142 = arith.minsi %add3A_139, %min3A_141 : vector<16xi32>
      %gather3A_143 = tpu.vector_load_idx %arg5[%min3A_142] : memref<1600xi32, #tpu.memory_space<vmem>>[vector<16xi32>], vector<16xi32>,
      %and3A_144 = arith.constant 31 : i32
      %and3A_145 = vector.broadcast %and3A_144 : i32 to vector<16xi32>
      %and3A_146 = arith.andi %gather3A_143, %and3A_145 : vector<16xi32>
      %gather3A_147 = tpu.vector_load_idx %arg7[%min3A_142, %and3A_146] : memref<1600x32xf32, #tpu.memory_space<vmem>>[vector<16xi32>, vector<16xi32>], vector<16xf32>,
      %swap3A_148 = arith.index_cast %scan3A_102 : i32 to index
      %swap3A_149 = arith.constant 32 : index
      %swap3A_150 = tpu.vector_load %arg8[%swap3A_148, %swap3A_149] {strides = array<i32>} : memref<32x64xf32, #tpu.memory_space<vmem>>, vector<16xf32>,
      tpu.vector_store %arg8[%swap3A_148, %swap3A_149], %gather3A_147 {strides = array<i32>} : memref<32x64xf32, #tpu.memory_space<vmem>>, vector<16xf32>,
      %mul3A_151 = arith.constant 50 : i32
      %mul3A_152 = arith.muli %scan3A_102, %mul3A_151 : i32
      %add3A_153 = arith.constant 48 : i32
      %add3A_154 = arith.addi %mul3A_152, %add3A_153 : i32
      %add3A_155 = vector.broadcast %add3A_154 : i32 to vector<16xi32>
      %add3A_156 = arith.addi %add3A_155, %iota3A : vector<16xi32>
      %min3A_157 = arith.constant 1599 : i32
      %min3A_158 = vector.broadcast %min3A_157 : i32 to vector<16xi32>
      %min3A_159 = arith.minsi %add3A_156, %min3A_158 : vector<16xi32>
      %gather3A_160 = tpu.vector_load_idx %arg5[%min3A_159] : memref<1600xi32, #tpu.memory_space<vmem>>[vector<16xi32>], vector<16xi32>,
      %and3A_161 = arith.constant 31 : i32
      %and3A_162 = vector.broadcast %and3A_161 : i32 to vector<16xi32>
      %and3A_163 = arith.andi %gather3A_160, %and3A_162 : vector<16xi32>
      %gather3A_164 = tpu.vector_load_idx %arg7[%min3A_159, %and3A_163] : memref<1600x32xf32, #tpu.memory_space<vmem>>[vector<16xi32>, vector<16xi32>], vector<16xf32>,
      %swap3A_165 = arith.index_cast %scan3A_102 : i32 to index
      %swap3A_166 = arith.constant 48 : index
      %swap3A_167 = tpu.vector_load %arg8[%swap3A_165, %swap3A_166] {strides = array<i32>} : memref<32x64xf32, #tpu.memory_space<vmem>>, vector<16xf32>,
      tpu.vector_store %arg8[%swap3A_165, %swap3A_166], %gather3A_164 {strides = array<i32>} : memref<32x64xf32, #tpu.memory_space<vmem>>, vector<16xf32>,
      %scan3A_168 = arith.constant 0 : i32
      scf.yield %scan3A_168 : i32
    }
    %scan3A_99 = arith.constant 32 : i32
    %mul3A_100 = arith.constant 32 : i32
    %mul3A_101 = arith.muli %add3A_79, %mul3A_100 : i32
    "tpu.region"() ({
      %run_scoped3A = tpu.sem_alloc : memref<!tpu.dma_semaphore, #tpu.memory_space<semaphore_mem>>
      %dma_start3A_102 = arith.constant 0 : i32
      %dma_start3A_103 = tpu.memref_slice %arg4[%mul3A_101, %dma_start3A_102] : memref<4096x64xf32, #tpu.memory_space<hbm>> -> memref<32x64xf32, #tpu.memory_space<hbm>>
      %dma_start3A_104 = arith.constant 0 : i32
      %dma_start3A_105 = tpu.memref_slice %arg4[%mul3A_101, %dma_start3A_104] : memref<4096x64xf32, #tpu.memory_space<hbm>> -> memref<32x64xf32, #tpu.memory_space<hbm>>
      tpu.enqueue_dma source(%arg8 : memref<32x64xf32, #tpu.memory_space<vmem>>) target(%dma_start3A_105 : memref<32x64xf32, #tpu.memory_space<hbm>>) target_semaphore(%run_scoped3A : memref<!tpu.dma_semaphore, #tpu.memory_space<semaphore_mem>>)
      %dma_wait3A_106 = arith.constant 0 : i32
      %dma_wait3A_107 = tpu.memref_slice %arg4[%mul3A_101, %dma_wait3A_106] : memref<4096x64xf32, #tpu.memory_space<hbm>> -> memref<32x64xf32, #tpu.memory_space<hbm>>
      %dma_wait3A_108 = arith.constant 0 : i32
      %dma_wait3A_109 = tpu.memref_slice %arg4[%mul3A_101, %dma_wait3A_108] : memref<4096x64xf32, #tpu.memory_space<hbm>> -> memref<32x64xf32, #tpu.memory_space<hbm>>
      tpu.wait_dma2 semaphore(%run_scoped3A : memref<!tpu.dma_semaphore, #tpu.memory_space<semaphore_mem>>) src(%arg8 : memref<32x64xf32, #tpu.memory_space<vmem>>) dst(%dma_wait3A_109 : memref<32x64xf32, #tpu.memory_space<hbm>>)
      tpu.yield
    }) : () -> ()
    return
  }
}

</mosaic_0001>

<sc_bundles>
// kernel: kernel.4.cloned.1.call-start
scs
__scs_entry_jumppad:
0x0: {  	(pc) =	sbr.rel $0x88, $3  }
0x1: {  	(tag) =	ssettag $0x0;
	lr =	simm.s32 $0x1  }
0x2: {  	[smem:$0x3F9E] =	sst lr;
	_ =	strace $0xD0000000  }
0x3: {  	_ = 	snop  }
0x4: {  	_ = 	snop  }
0x5: {  	_ = 	snop  }
0x6: {  	_ = 	snop  }
0x7: {  	_ = 	snop  }
__scs_overlays_trampoline_lowered:
0x8: {  	[smem:$0x3FAD] =	sst s0  }
0x9: {  	[smem:$0x3FAE] =	sst s1  }
0xa: {  	[smem:$0x3FAF] =	sst s2  }
0xb: {  	[smem:$0x3FB0] =	sst s3  }
0xc: {  	[smem:$0x3FB1] =	sst s4  }
0xd: {  	[smem:$0x3FB2] =	sst s5  }
0xe: {  	[smem:$0x3FB3] =	sst s6  }
0xf: {  	[smem:$0x3FB4] =	sst s7  }
0x10: {  	[smem:$0x3FB5] =	sst s8  }
0x11: {  	[smem:$0x3FB6] =	sst s9;
	s0 =	simm.s32 @!p0 $0x0  }
0x12: {  	s1 =	sld [smem:$0x3F9C];
	s0 =	simm.s32 @p0 $0x1  }
0x13: {  	[smem:$0x3FB7] =	sst s0;
	s0 =	simm.s32 @!p1 $0x0  }
0x14: {  	s2 =	sld [smem:$0x3F9B];
	s0 =	simm.s32 @p1 $0x1  }
0x15: {  	[smem:$0x3FB8] =	sst s0;
	s0 =	simm.s32 @!p2 $0x0  }
0x16: {  	s3 =	sld [smem:$0x3FDB];
	s0 =	simm.s32 @p2 $0x1  }
0x17: {  	s4 =	simm.s32 $0x1BF5;
	[smem:$0x3FBA] =	sst s0  }
0x18: {  	s0 =	sld [smem:$0x3F9D];
	_ =	swait.ge [sflag:s4], $0x0  }
0x19: {  	s7 =	sld [smem:$0x3F9E]  }
0x1a: {  	s8 =	sadd.s32 $0xFFFFE003, lr  }
0x1b: {  	s9 =	sadd.s32 $0xFFFFFEF7, lr;
	s5 =	simm.s32 $0xFFFFFFFF;
	p2 =	slt.u32 s8, $0xFFFFF086  }
0x1c: {  	p1 =	slt.u32 s9, $0xF7A;
	s5 =	simm.s32 @!p2 $0x0  }
0x1d: {  	s5 =	simm.s32 @p1 $0x1;
	p0 =	seq.s32 s7, s2  }
0x1e: {  	s7 =	smul.u32 @!p0 $0xF7A, s2;
	p2 =	seq.s32 @!p0 s5, $0x0  }
0x1f: {  	s9 =	smul.u32 $0xF7A, s1;
	s8 =	simm.s32 @!p0 $0x1BF5;
	p2 =	por !p2, p0  }
0x20: {  	[sflag:s8] =	ssyncset.s32 @!p0 $0xFFFFF086;
	s6 =	sadd.s32 @!p0 s3, s7;
	s7 =	simm.s32 @!p0 $0x108  }
0x21: {  	s3 =	sadd.s32 s3, s9;
	s6 =	sadd.s32 @!p0 $0x88, s6;
	s7 =	simm.s32 @p2 $0x1082  }
0x22: {  	[simem:s7], [sflag:s8] =	dma.local @!p0 [hbm:s6], $0xF7A  }
0x23: {  	s9 =	sor.u32 $0xD0000000, s2;
	s6 =	simm.s32 $0x108;
	_ =	swait.ge @!p0 [sflag:s8], $0x0  }
0x24: {  	s3 =	sadd.s32 $0x88, s3;
	s6 =	simm.s32 @!p1 $0x1082;
	[sflag:s4] =	ssyncset.s32 $0xFFFFF086  }
0x25: {  	[simem:s6], [sflag:s4] =	dma.local [hbm:s3], $0xF7A  }
0x26: {  	[smem:$0x3F9E] =	sst s1;
	(tag) =	ssettag s2;
	_ =	strace s9  }
0x27: {  	s1 =	sld [smem:$0x3FAE]  }
0x28: {  	s2 =	sld [smem:$0x3FAF]  }
0x29: {  	s4 =	sld [smem:$0x3FB1]  }
0x2a: {  	p0 =	seq.s32 s5, $0x0;
	s5 =	sld [smem:$0x3FB2]  }
0x2b: {  	s6 =	sld [smem:$0x3FB3]  }
0x2c: {  	s7 =	sld [smem:$0x3FB4]  }
0x2d: {  	s3 =	simm.s32 $0x108;
	s8 =	sld [smem:$0x3FB5]  }
0x2e: {  	s3 =	simm.s32 @!p0 $0x1082;
	s9 =	sld [smem:$0x3FB6]  }
0x2f: {  	lr =	sadd.s32 s0, s3;
	s0 =	sld [smem:$0x3FAD]  }
0x30: {  	s3 =	sld [smem:$0x3FB0]  }
0x31: {  	[smem:$0x3FB9] =	sst s10  }
0x32: {  	s10 =	sld [smem:$0x3FB7];
	_ =	sdelay $0x3  }
0x33: {  	p0 =	seq.s32 s10, $0x1;
	s10 =	sld [smem:$0x3FB9];
	_ =	sdelay $0x3  }
0x34: {  	[smem:$0x3FB9] =	sst s10  }
0x35: {  	s10 =	sld [smem:$0x3FB8];
	_ =	sdelay $0x3  }
0x36: {  	p1 =	seq.s32 s10, $0x1;
	s10 =	sld [smem:$0x3FB9];
	_ =	sdelay $0x3  }
0x37: {  	[smem:$0x3FB9] =	sst s10  }
0x38: {  	s10 =	sld [smem:$0x3FBA]  }
0x39: {  	_ = 	snop;
	(pc) =	sbr.ind lr, $3  }
0x3a: {  	_ = 	snop  }
0x3b: {  	_ = 	snop  }
0x3c: {  	p2 =	seq.s32 s10, $0x1;
	s10 =	sld [smem:$0x3FB9]  }
0x3d: {  	_ =	shalt  }
0x3e: {  	_ =	shalt  }
0x3f: {  	_ =	shalt  }
0x40: {  	_ =	shalt  }
0x41: {  	_ =	shalt  }
0x42: {  	_ =	shalt  }
0x43: {  	_ =	shalt  }
0x44: {  	_ =	shalt  }
0x45: {  	_ =	shalt  }
0x46: {  	_ =	shalt  }
0x47: {  	_ =	shalt  }
0x48: {  	_ =	shalt  }
0x49: {  	_ =	shalt  }
0x4a: {  	_ =	shalt  }
0x4b: {  	_ =	shalt  }
0x4c: {  	_ =	shalt  }
0x4d: {  	_ =	shalt  }
0x4e: {  	_ =	shalt  }
0x4f: {  	_ =	shalt  }
0x50: {  	_ =	shalt  }
0x51: {  	_ =	shalt  }
0x52: {  	_ =	shalt  }
0x53: {  	_ =	shalt  }
0x54: {  	_ =	shalt  }
0x55: {  	_ =	shalt  }
0x56: {  	_ =	shalt  }
0x57: {  	_ =	shalt  }
0x58: {  	_ =	shalt  }
0x59: {  	_ =	shalt  }
0x5a: {  	_ =	shalt  }
0x5b: {  	_ =	shalt  }
0x5c: {  	_ =	shalt  }
0x5d: {  	_ =	shalt  }
0x5e: {  	_ =	shalt  }
0x5f: {  	_ =	shalt  }
0x60: {  	_ =	shalt  }
0x61: {  	_ =	shalt  }
0x62: {  	_ =	shalt  }
0x63: {  	_ =	shalt  }
0x64: {  	_ =	shalt  }
0x65: {  	_ =	shalt  }
0x66: {  	_ =	shalt  }
0x67: {  	_ =	shalt  }
0x68: {  	_ =	shalt  }
0x69: {  	_ =	shalt  }
0x6a: {  	_ =	shalt  }
0x6b: {  	_ =	shalt  }
0x6c: {  	_ =	shalt  }
0x6d: {  	_ =	shalt  }
0x6e: {  	_ =	shalt  }
0x6f: {  	_ =	shalt  }
0x70: {  	_ =	shalt  }
0x71: {  	_ =	shalt  }
0x72: {  	_ =	shalt  }
0x73: {  	_ =	shalt  }
0x74: {  	_ =	shalt  }
0x75: {  	_ =	shalt  }
0x76: {  	_ =	shalt  }
0x77: {  	_ =	shalt  }
0x78: {  	_ =	shalt  }
0x79: {  	_ =	shalt  }
0x7a: {  	_ =	shalt  }
0x7b: {  	_ =	shalt  }
0x7c: {  	_ =	shalt  }
0x7d: {  	_ =	shalt  }
0x7e: {  	_ =	shalt  }
0x7f: {  	_ =	shalt  }
0x80: {  	_ =	shalt  }
0x81: {  	_ =	shalt  }
0x82: {  	_ =	shalt  }
0x83: {  	_ =	shalt  }
0x84: {  	_ =	shalt  }
0x85: {  	_ =	shalt  }
0x86: {  	_ =	shalt  }
0x87: {  	_ =	shalt  }
.Lfunc_end0:
.L_simem_size_0:
called_computation_lowered:
.L_overlay_start_0:
0x88: {  	s2 =	sld [smem:$0x3FD9]  }
0x89: {  	s3 =	sld [smem:$0x3FFE];
	_ =	sdelay $0x1  }
0x8a: {  	s1 =	srdreg.scid  }
0x8b: {  	s0 =	sand.u32 $0x1, s1  }
0x8c: {  	s16 =	sshll.u32 s0, $0xA;
	s2 =	sadd.s32 s3, s2  }
0x8d: {  	s2 =	sadd.s32 s2, s16  }
0x8e: {  	[smem:$0x3FC5] =	sst s2  }
0x8f: {  	_ = 	snop  }
0x90: {  	(tm) =	ssettm $0x1  }
0x91: {  	s17 =	sld [smem:$0x3FFB];
	_ =	sdelay $0x3  }
0x92: {  	_ =	strace s17  }
0x93: {  	s2 =	sld [smem:$0x3FFC];
	_ =	sdelay $0x3  }
0x94: {  	_ =	strace s2  }
0x95: {  	s2 =	sld [smem:$0x3FFD];
	_ =	sdelay $0x3  }
0x96: {  	_ =	strace s2  }
0x97: {  	_ =	strace $0x8FFFFFFF  }
0x98: {  	s18 =	sld [smem:$0x3FDB];
	_ =	sdelay $0x1  }
0x99: {  	s19 =	simm.s32 $_scs_section_size  }
0x9a: {  	s4 =	simm.s32 $_size__tile_overlayer_lowered;
	s5 =	simm.s32 $_tile_overlayer_lowered  }
0x9b: {  	s22 =	simm.s32 $0x1BFF;
	s21 =	sshll.u32 s5, $0x1;
	s2 =	sadd.s32 s19, s18  }
0x9c: {  	s6 =	simm.s32 $0x0;
	s20 =	sshll.u32 s4, $0x1;
	s4 =	sadd.s32 s21, s2  }
0x9d: {  	[timem:s6], [sflag:s22] =	dma.local [hbm:s4], s20  }
0x9e: {  	_ =	swait.ge [sflag:s22], s20  }
0x9f: {  	s3 =	ssub.s32 $0x0, s20;
	[sflag:s22] =	ssyncset.done $0x0  }
0xa0: {  	[sflag:s22] =	ssyncadd.s32 s3;
	_ =	sdelay $0x1  }
0xa1: {  	s23 =	simm.s32 $0x1B8B  }
0xa2: {  	_ =	swait.ge [sflag:s23], $0x1  }
0xa3: {  	[sflag:s23] =	ssyncset.done $0x0  }
0xa4: {  	s25 =	simm.s32 $0x1B8E;
	s24 =	sld [smem:$0x3FFE];
	[sflag:s23] =	ssyncadd.s32 $0xFFFFFFFF  }
0xa5: {  	s26 =	simm.s32 $execute0_lowered;
	[smem:$0x3FD2] =	sst s25  }
0xa6: {  	s4 =	sshll.u32 s26, $0x1;
	_ =	strace $0x80000046;
	[dreg:$0x1] =	wrdreg $0xFFFFFFFF  }
0xa7: {  	s28 =	simm.s32 $_size_execute0_lowered;
	s2 =	sadd.s32 s2, s4;
	[dreg:$0x0] =	wrdreg $0x0  }
0xa8: {  	s4 =	sshll.u32 s28, $0x1;
	[dreg:$0x2] =	wrdreg s2  }
0xa9: {  	[dreg:$0x3] =	wrdreg s4  }
0xaa: {  	[dreg:$0x4] =	wrdreg $0xC0  }
0xab: {  	_ =	task [dreg:s6], $0x5FFFF  }
0xac: {  	[dreg:$0x1] =	wrdreg $0xFFFFFFFF  }
0xad: {  	[dreg:$0x0] =	wrdreg $0x60  }
0xae: {  	[dreg:$0x2] =	wrdreg s24  }
0xaf: {  	[dreg:$0x3] =	wrdreg $0x9  }
0xb0: {  	_ =	task.clear_ibuf [dreg:s6], $0x4FFFF;
	_ =	strace $0x90000046  }
0xb1: {  	s29 =	simm.s32 $0x9;
	_ =	strace $0x80000048  }
0xb2: {  	_ =	swait.ge [sflag:s29], $0x1  }
0xb3: {  	[sflag:s29] =	ssyncadd.s32 $0xFFFFFFFF  }
0xb4: {  	_ =	strace $0x90000048  }
0xb5: {  	_ =	sfence  }
0xb6: {  	s30 =	sld [smem:$0x0];
	_ =	sdelay $0x2  }
0xb7: {  	s31 =	sshll.u32 s1, $0xD;
	s1 =	sshrl.u32 s1, $0x2  }
0xb8: {  	s3 =	sand.u32 $0x4000, s31;
	s1 =	sadd.s32 s1, s30  }
0xb9: {  	s0 =	sor.u32 s3, s0;
	s1 =	sshll.u32 s1, $0x11  }
0xba: {  	s0 =	sor.u32 s1, s0  }
0xbb: {  	s0 =	sadd.s32 $0x8F2B, s0  }
0xbc: {  	[sflag:s0] =	ssyncadd.remote.s32 $0x1  }
0xbd: {  	_ =	sfence.sel $0xFFFF  }
0xbe: {  	[dreg:$0x0] =	wrdreg $0xFFFFFFFF;
	(pc) =	sbr.abs _section_cstart, $3  }
0xbf: {  	[dreg:$0x1] =	wrdreg $0xFFFFFFFF  }
0xc0: {  	_ =	task.clear_ibuf [dreg:s6], $0x2FFFF;
	_ =	strace $0x9FFFFFFF  }
0xc1: {  	(tm) =	ssettm $0x7FFFFFFF  }
tec
execute0_lowered:
.L_overlay_start_1:
0x0: {  	(tag) =	ssettag $0x1  }
0x1: {  	s4 =	rddreg [dreg:$0x0]  }
0x2: {  	s0 =	rddreg [dreg:$0x1];
	s2 =	simm.s32 $0x0;
	s3 =	srdreg.scid  }
0x3: {  	s1 =	stileid.u32;
	s16 =	simm.s32 $0x1;
	s17 =	simm.s32 $0xD480  }
0x4: {  	s18 =	simm.s32 $0x0;
	[smem:$0x7FF] =	sst s2;
	s5 =	sand.u32 $0x1, s3  }
0x5: {  	s25 =	sshll.u32 s1, $0x1;
	s10 =	sadd.s32 $0x600, s4;
	s3 =	sadd.s32 $0x6A00, s4  }
0x6: {  	s11 =	sadd.s32 $0x25400, s4;
	_ =	strace $0x80000047;
	s7 =	sor.u32 s5, s25  }
0x7: {  	s5 =	ssub.s32 $0x2, s5;
	s8 =	sshll.u32 s7, $0x2;
	s6 =	smul.u32 $0x320, s7  }
0x8: {  	s26 =	sshrl.u32 s5, $0x1;
	s28 =	sshll.u32 s7, $0xA;
	s14 =	sshllo.u32 s7, $0x2  }
0x9: {  	s9 =	sor.u32 $0x1, s8;
	s13 =	ssub.s32 s5, s26;
	s5 =	sadd.s32 s11, s28  }
0xa: {  	s8 =	sor.u32 $0x2, s8;
	s15 =	smul.u32 $0xC8, s14;
	s31 =	sshll.u32 s14, $0x8  }
0xb: {  	s14 =	simm.s32 $0x640;
	s12 =	smul.u32 $0xC8, s9;
	s4 =	sadd.s32 s10, s6  }
0xc: {  	s9 =	sshll.u32 s9, $0x8;
	s29 =	smul.u32 $0xC8, s8;
	s30 =	sshll.u32 s8, $0x8  }
0xd: {  	s7 =	sadd.s32 s11, s9;
	s9 =	sadd.s32 s11, s30;
	s11 =	sadd.s32 s11, s31  }
0xe: {  	s6 =	sadd.s32 s10, s12;
	s8 =	sadd.s32 s10, s29;
	s10 =	sadd.s32 s10, s15  }
0xf: {  	v0 =	vlaneseq.u32;
	s12 =	smax.u32 s13, $0x1;
	s13 =	simm.s32 $0x2;
	s15 =	simm.s32 $0xC80  }
.LBB2_1:
0x10: {  	[tilespmem:s2], [sflag:$0x2] =	stream.linear.gather [hbm4b:s4+s2], $0x640, $0x38;
	[tilespmem:$0xDC80] =	vst v63  }
0x11: {  	_ =	swait.ge [sflag:s13], $0x640  }
0x12: {  	[sflag:s13] =	ssyncset.done $0x0  }
0x13: {  	s19 =	simm.s32 $0x0;
	[sflag:s13] =	ssyncadd.s32 $0xFFFFF9C0  }
0x14: {  	s20 =	simm.s32 $0x40;
	v1 =	vld [tilespmem:s19+$0x0]  }
.LBB2_2:
0x15: {  	p0 =	sne.s32 s20, $0x18C0  }
.Ltmp0:
0x16: {  	_ = 	snop;
	(pc) =	sbr.rel @p0 .LBB2_2-.Ltmp0, $3  }
0x17: {  	_ =	sdelay $0x1  }
0x18: {  	s21 =	sshra.s32 s20, $0x2;
	s20 =	sadd.s32 $0x40, s20;
	v2 =	vshra.s32 v1, $0x5  }
0x19: {  	v1 =	vld [tilespmem:s21+$0x0];
	[tilespmem:s19+$0x640] =	vst v2;
	s19 =	smov.u32 s21  }
0x1a: {  	_ =	sdelay $0x3  }
0x1b: {  	v1 =	vshra.s32 v1, $0x5  }
0x1c: {  	[tilespmem:s19+$0x640] =	vst v1  }
0x1d: {  	[tilespmem:s15], [sflag:$0x1] =	stream.indirect.gather [hbm4b:s3+s14], $0x20, s14, s14, $0xb8;
	[tilespmem:$0xDC80] =	vst v63  }
0x1e: {  	_ =	swait.ge [sflag:s16], $0xC800  }
0x1f: {  	[sflag:s16] =	ssyncset.done $0x0  }
0x20: {  	s20 =	simm.s32 $0xD4A0;
	s19 =	simm.s32 $0x30;
	[sflag:s16] =	ssyncadd.s32 $0xFFFF3800  }
.LBB2_4:
0x21: {  	s21 =	sadd.s32 $0xFFFFFFD0, s19  }
0x22: {  	v1 =	vadd.s32 s21, v0  }
0x23: {  	vm0 =	vlt.s32 v1, $0x63F  }
0x24: {  	v1 =	vnsel vm0, $0x63F, v1;
	_ =	sdelay $0x4  }
0x25: {  	v2 =	vld.idx.msk [tilespmem:v1+s2+$0x0], $0xffff;
	_ =	sdelay $0x4  }
0x26: {  	v1 =	vshll.u32 v1, $0x5;
	v2 =	vand.u32 $0x1F, v2  }
0x27: {  	v1 =	vor.u32 v1, v2;
	_ =	sdelay $0x2  }
0x28: {  	s30 =	sadd.s32 $0xFFFFFFE0, s19  }
0x29: {  	v2 =	vadd.s32 s30, v0  }
0x2a: {  	vm13 =	vlt.s32 v2, $0x63F;
	v1 =	vld.idx.msk [tilespmem:v1+s15+$0x0], $0xffff  }
0x2b: {  	v2 =	vnsel vm13, $0x63F, v2;
	_ =	sdelay $0x3  }
0x2c: {  	[tilespmem:s20+$0xFFFFFFE0] =	vst v1  }
0x2d: {  	v1 =	vld.idx.msk [tilespmem:v2+s2+$0x0], $0xffff;
	_ =	sdelay $0x4  }
0x2e: {  	v2 =	vshll.u32 v2, $0x5;
	v1 =	vand.u32 $0x1F, v1  }
0x2f: {  	v1 =	vor.u32 v2, v1;
	_ =	sdelay $0x2  }
0x30: {  	s31 =	sadd.s32 $0xFFFFFFF0, s19  }
0x31: {  	v2 =	vadd.s32 s31, v0  }
0x32: {  	vm14 =	vlt.s32 v2, $0x63F;
	v1 =	vld.idx.msk [tilespmem:v1+s15+$0x0], $0xffff  }
0x33: {  	v2 =	vnsel vm14, $0x63F, v2;
	_ =	sdelay $0x3  }
0x34: {  	[tilespmem:s20+$0xFFFFFFF0] =	vst v1  }
0x35: {  	v1 =	vld.idx.msk [tilespmem:v2+s2+$0x0], $0xffff;
	_ =	sdelay $0x4  }
0x36: {  	v2 =	vshll.u32 v2, $0x5;
	v1 =	vand.u32 $0x1F, v1  }
0x37: {  	v1 =	vor.u32 v2, v1;
	_ =	sdelay $0x3  }
0x38: {  	v2 =	vadd.s32 s19, v0  }
0x39: {  	vm15 =	vlt.s32 v2, $0x63F;
	v1 =	vld.idx.msk [tilespmem:v1+s15+$0x0], $0xffff  }
0x3a: {  	v2 =	vnsel vm15, $0x63F, v2;
	_ =	sdelay $0x3  }
0x3b: {  	[tilespmem:s20+$0x0] =	vst v1  }
0x3c: {  	v1 =	vld.idx.msk [tilespmem:v2+s2+$0x0], $0xffff;
	_ =	sdelay $0x4  }
0x3d: {  	v2 =	vshll.u32 v2, $0x5;
	v1 =	vand.u32 $0x1F, v1  }
0x3e: {  	v1 =	vor.u32 v2, v1;
	_ =	sdelay $0x4  }
0x3f: {  	p0 =	sne.s32 s19, $0x63E;
	v1 =	vld.idx.msk [tilespmem:v1+s15+$0x0], $0xffff  }
.Ltmp1:
0x40: {  	_ = 	snop;
	(pc) =	sbr.rel @p0 .LBB2_4-.Ltmp1, $2  }
0x41: {  	_ =	sdelay $0x2  }
0x42: {  	s19 =	sadd.s32 $0x32, s19;
	[tilespmem:s20+$0x10] =	vst v1;
	s20 =	sadd.s32 $0x40, s20  }
0x43: {  	s19 =	simm.s32 $0x0  }
0x44: {  	[hbm4b:s5+s19] =	stream.linear.scatter [tilespmem:s17], [sflag:$0x2], $0x800, $0x38;
	[tilespmem:$0xDC80] =	vst v63  }
0x45: {  	_ =	swait.ge [sflag:s13], $0x800  }
0x46: {  	[sflag:s13] =	ssyncset.done $0x0  }
0x47: {  	[sflag:s13] =	ssyncadd.s32 $0xFFFFF800  }
0x48: {  	[tilespmem:s19], [sflag:$0x2] =	stream.linear.gather [hbm4b:s6+s19], $0x640, $0x38;
	[tilespmem:$0xDC80] =	vst v63  }
0x49: {  	_ =	swait.ge [sflag:s13], $0x640  }
0x4a: {  	[sflag:s13] =	ssyncset.done $0x0  }
0x4b: {  	s19 =	simm.s32 $0x0;
	[sflag:s13] =	ssyncadd.s32 $0xFFFFF9C0  }
0x4c: {  	s20 =	simm.s32 $0x40;
	v1 =	vld [tilespmem:s19+$0x0]  }
.LBB2_6:
0x4d: {  	p0 =	sne.s32 s20, $0x18C0  }
.Ltmp2:
0x4e: {  	_ = 	snop;
	(pc) =	sbr.rel @p0 .LBB2_6-.Ltmp2, $3  }
0x4f: {  	_ =	sdelay $0x1  }
0x50: {  	s21 =	sshra.s32 s20, $0x2;
	s20 =	sadd.s32 $0x40, s20;
	v2 =	vshra.s32 v1, $0x5  }
0x51: {  	v1 =	vld [tilespmem:s21+$0x0];
	[tilespmem:s19+$0x640] =	vst v2;
	s19 =	smov.u32 s21  }
0x52: {  	_ =	sdelay $0x3  }
0x53: {  	v1 =	vshra.s32 v1, $0x5  }
0x54: {  	[tilespmem:s19+$0x640] =	vst v1  }
0x55: {  	[tilespmem:s15], [sflag:$0x1] =	stream.indirect.gather [hbm4b:s3+s14], $0x20, s14, s14, $0xb8;
	[tilespmem:$0xDC80] =	vst v63  }
0x56: {  	_ =	swait.ge [sflag:s16], $0xC800  }
0x57: {  	[sflag:s16] =	ssyncset.done $0x0  }
0x58: {  	s20 =	simm.s32 $0xD4A0;
	s19 =	simm.s32 $0x30;
	[sflag:s16] =	ssyncadd.s32 $0xFFFF3800  }
.LBB2_8:
0x59: {  	s21 =	sadd.s32 $0xFFFFFFD0, s19  }
0x5a: {  	v1 =	vadd.s32 s21, v0  }
0x5b: {  	vm0 =	vlt.s32 v1, $0x63F  }
0x5c: {  	v1 =	vnsel vm0, $0x63F, v1;
	_ =	sdelay $0x4  }
0x5d: {  	v2 =	vld.idx.msk [tilespmem:v1+s2+$0x0], $0xffff;
	_ =	sdelay $0x4  }
0x5e: {  	v1 =	vshll.u32 v1, $0x5;
	v2 =	vand.u32 $0x1F, v2  }
0x5f: {  	v1 =	vor.u32 v1, v2;
	_ =	sdelay $0x2  }
0x60: {  	s30 =	sadd.s32 $0xFFFFFFE0, s19  }
0x61: {  	v2 =	vadd.s32 s30, v0  }
0x62: {  	vm13 =	vlt.s32 v2, $0x63F;
	v1 =	vld.idx.msk [tilespmem:v1+s15+$0x0], $0xffff  }
0x63: {  	v2 =	vnsel vm13, $0x63F, v2;
	_ =	sdelay $0x3  }
0x64: {  	[tilespmem:s20+$0xFFFFFFE0] =	vst v1  }
0x65: {  	v1 =	vld.idx.msk [tilespmem:v2+s2+$0x0], $0xffff;
	_ =	sdelay $0x4  }
0x66: {  	v2 =	vshll.u32 v2, $0x5;
	v1 =	vand.u32 $0x1F, v1  }
0x67: {  	v1 =	vor.u32 v2, v1;
	_ =	sdelay $0x2  }
0x68: {  	s31 =	sadd.s32 $0xFFFFFFF0, s19  }
0x69: {  	v2 =	vadd.s32 s31, v0  }
0x6a: {  	vm14 =	vlt.s32 v2, $0x63F;
	v1 =	vld.idx.msk [tilespmem:v1+s15+$0x0], $0xffff  }
0x6b: {  	v2 =	vnsel vm14, $0x63F, v2;
	_ =	sdelay $0x3  }
0x6c: {  	[tilespmem:s20+$0xFFFFFFF0] =	vst v1  }
0x6d: {  	v1 =	vld.idx.msk [tilespmem:v2+s2+$0x0], $0xffff;
	_ =	sdelay $0x4  }
0x6e: {  	v2 =	vshll.u32 v2, $0x5;
	v1 =	vand.u32 $0x1F, v1  }
0x6f: {  	v1 =	vor.u32 v2, v1;
	_ =	sdelay $0x3  }
0x70: {  	v2 =	vadd.s32 s19, v0  }
0x71: {  	vm15 =	vlt.s32 v2, $0x63F;
	v1 =	vld.idx.msk [tilespmem:v1+s15+$0x0], $0xffff  }
0x72: {  	v2 =	vnsel vm15, $0x63F, v2;
	_ =	sdelay $0x3  }
0x73: {  	[tilespmem:s20+$0x0] =	vst v1  }
0x74: {  	v1 =	vld.idx.msk [tilespmem:v2+s2+$0x0], $0xffff;
	_ =	sdelay $0x4  }
0x75: {  	v2 =	vshll.u32 v2, $0x5;
	v1 =	vand.u32 $0x1F, v1  }
0x76: {  	v1 =	vor.u32 v2, v1;
	_ =	sdelay $0x4  }
0x77: {  	p0 =	sne.s32 s19, $0x63E;
	v1 =	vld.idx.msk [tilespmem:v1+s15+$0x0], $0xffff  }
.Ltmp3:
0x78: {  	_ = 	snop;
	(pc) =	sbr.rel @p0 .LBB2_8-.Ltmp3, $2  }
0x79: {  	_ =	sdelay $0x2  }
0x7a: {  	s19 =	sadd.s32 $0x32, s19;
	[tilespmem:s20+$0x10] =	vst v1;
	s20 =	sadd.s32 $0x40, s20  }
0x7b: {  	s19 =	simm.s32 $0x0  }
0x7c: {  	[hbm4b:s7+s19] =	stream.linear.scatter [tilespmem:s17], [sflag:$0x2], $0x800, $0x38;
	[tilespmem:$0xDC80] =	vst v63  }
0x7d: {  	_ =	swait.ge [sflag:s13], $0x800  }
0x7e: {  	[sflag:s13] =	ssyncset.done $0x0  }
0x7f: {  	[sflag:s13] =	ssyncadd.s32 $0xFFFFF800  }
0x80: {  	[tilespmem:s19], [sflag:$0x2] =	stream.linear.gather [hbm4b:s8+s19], $0x640, $0x38;
	[tilespmem:$0xDC80] =	vst v63  }
0x81: {  	_ =	swait.ge [sflag:s13], $0x640  }
0x82: {  	[sflag:s13] =	ssyncset.done $0x0  }
0x83: {  	s19 =	simm.s32 $0x0;
	[sflag:s13] =	ssyncadd.s32 $0xFFFFF9C0  }
0x84: {  	s20 =	simm.s32 $0x40;
	v1 =	vld [tilespmem:s19+$0x0]  }
.LBB2_10:
0x85: {  	p0 =	sne.s32 s20, $0x18C0  }
.Ltmp4:
0x86: {  	_ = 	snop;
	(pc) =	sbr.rel @p0 .LBB2_10-.Ltmp4, $3  }
0x87: {  	_ =	sdelay $0x1  }
0x88: {  	s21 =	sshra.s32 s20, $0x2;
	s20 =	sadd.s32 $0x40, s20;
	v2 =	vshra.s32 v1, $0x5  }
0x89: {  	v1 =	vld [tilespmem:s21+$0x0];
	[tilespmem:s19+$0x640] =	vst v2;
	s19 =	smov.u32 s21  }
0x8a: {  	_ =	sdelay $0x3  }
0x8b: {  	v1 =	vshra.s32 v1, $0x5  }
0x8c: {  	[tilespmem:s19+$0x640] =	vst v1  }
0x8d: {  	[tilespmem:s15], [sflag:$0x1] =	stream.indirect.gather [hbm4b:s3+s14], $0x20, s14, s14, $0xb8;
	[tilespmem:$0xDC80] =	vst v63  }
0x8e: {  	_ =	swait.ge [sflag:s16], $0xC800  }
0x8f: {  	[sflag:s16] =	ssyncset.done $0x0  }
0x90: {  	s20 =	simm.s32 $0xD4A0;
	s19 =	simm.s32 $0x30;
	[sflag:s16] =	ssyncadd.s32 $0xFFFF3800  }
.LBB2_12:
0x91: {  	s21 =	sadd.s32 $0xFFFFFFD0, s19  }
0x92: {  	v1 =	vadd.s32 s21, v0  }
0x93: {  	vm0 =	vlt.s32 v1, $0x63F  }
0x94: {  	v1 =	vnsel vm0, $0x63F, v1;
	_ =	sdelay $0x4  }
0x95: {  	v2 =	vld.idx.msk [tilespmem:v1+s2+$0x0], $0xffff;
	_ =	sdelay $0x4  }
0x96: {  	v1 =	vshll.u32 v1, $0x5;
	v2 =	vand.u32 $0x1F, v2  }
0x97: {  	v1 =	vor.u32 v1, v2;
	_ =	sdelay $0x2  }
0x98: {  	s30 =	sadd.s32 $0xFFFFFFE0, s19  }
0x99: {  	v2 =	vadd.s32 s30, v0  }
0x9a: {  	vm13 =	vlt.s32 v2, $0x63F;
	v1 =	vld.idx.msk [tilespmem:v1+s15+$0x0], $0xffff  }
0x9b: {  	v2 =	vnsel vm13, $0x63F, v2;
	_ =	sdelay $0x3  }
0x9c: {  	[tilespmem:s20+$0xFFFFFFE0] =	vst v1  }
0x9d: {  	v1 =	vld.idx.msk [tilespmem:v2+s2+$0x0], $0xffff;
	_ =	sdelay $0x4  }
0x9e: {  	v2 =	vshll.u32 v2, $0x5;
	v1 =	vand.u32 $0x1F, v1  }
0x9f: {  	v1 =	vor.u32 v2, v1;
	_ =	sdelay $0x2  }
0xa0: {  	s31 =	sadd.s32 $0xFFFFFFF0, s19  }
0xa1: {  	v2 =	vadd.s32 s31, v0  }
0xa2: {  	vm14 =	vlt.s32 v2, $0x63F;
	v1 =	vld.idx.msk [tilespmem:v1+s15+$0x0], $0xffff  }
0xa3: {  	v2 =	vnsel vm14, $0x63F, v2;
	_ =	sdelay $0x3  }
0xa4: {  	[tilespmem:s20+$0xFFFFFFF0] =	vst v1  }
0xa5: {  	v1 =	vld.idx.msk [tilespmem:v2+s2+$0x0], $0xffff;
	_ =	sdelay $0x4  }
0xa6: {  	v2 =	vshll.u32 v2, $0x5;
	v1 =	vand.u32 $0x1F, v1  }
0xa7: {  	v1 =	vor.u32 v2, v1;
	_ =	sdelay $0x3  }
0xa8: {  	v2 =	vadd.s32 s19, v0  }
0xa9: {  	vm15 =	vlt.s32 v2, $0x63F;
	v1 =	vld.idx.msk [tilespmem:v1+s15+$0x0], $0xffff  }
0xaa: {  	v2 =	vnsel vm15, $0x63F, v2;
	_ =	sdelay $0x3  }
0xab: {  	[tilespmem:s20+$0x0] =	vst v1  }
0xac: {  	v1 =	vld.idx.msk [tilespmem:v2+s2+$0x0], $0xffff;
	_ =	sdelay $0x4  }
0xad: {  	v2 =	vshll.u32 v2, $0x5;
	v1 =	vand.u32 $0x1F, v1  }
0xae: {  	v1 =	vor.u32 v2, v1;
	_ =	sdelay $0x4  }
0xaf: {  	p0 =	sne.s32 s19, $0x63E;
	v1 =	vld.idx.msk [tilespmem:v1+s15+$0x0], $0xffff  }
.Ltmp5:
0xb0: {  	_ = 	snop;
	(pc) =	sbr.rel @p0 .LBB2_12-.Ltmp5, $2  }
0xb1: {  	_ =	sdelay $0x2  }
0xb2: {  	s19 =	sadd.s32 $0x32, s19;
	[tilespmem:s20+$0x10] =	vst v1;
	s20 =	sadd.s32 $0x40, s20  }
0xb3: {  	s19 =	simm.s32 $0x0  }
0xb4: {  	[hbm4b:s9+s19] =	stream.linear.scatter [tilespmem:s17], [sflag:$0x2], $0x800, $0x38;
	[tilespmem:$0xDC80] =	vst v63  }
0xb5: {  	_ =	swait.ge [sflag:s13], $0x800  }
0xb6: {  	[sflag:s13] =	ssyncset.done $0x0  }
0xb7: {  	[sflag:s13] =	ssyncadd.s32 $0xFFFFF800  }
0xb8: {  	[tilespmem:s19], [sflag:$0x2] =	stream.linear.gather [hbm4b:s10+s19], $0x640, $0x38;
	[tilespmem:$0xDC80] =	vst v63  }
0xb9: {  	_ =	swait.ge [sflag:s13], $0x640  }
0xba: {  	[sflag:s13] =	ssyncset.done $0x0  }
0xbb: {  	s19 =	simm.s32 $0x0;
	[sflag:s13] =	ssyncadd.s32 $0xFFFFF9C0  }
0xbc: {  	s20 =	simm.s32 $0x40;
	v1 =	vld [tilespmem:s19+$0x0]  }
.LBB2_14:
0xbd: {  	p0 =	sne.s32 s20, $0x18C0  }
.Ltmp6:
0xbe: {  	_ = 	snop;
	(pc) =	sbr.rel @p0 .LBB2_14-.Ltmp6, $3  }
0xbf: {  	_ =	sdelay $0x1  }
0xc0: {  	s21 =	sshra.s32 s20, $0x2;
	s20 =	sadd.s32 $0x40, s20;
	v2 =	vshra.s32 v1, $0x5  }
0xc1: {  	v1 =	vld [tilespmem:s21+$0x0];
	[tilespmem:s19+$0x640] =	vst v2;
	s19 =	smov.u32 s21  }
0xc2: {  	_ =	sdelay $0x3  }
0xc3: {  	v1 =	vshra.s32 v1, $0x5  }
0xc4: {  	[tilespmem:s19+$0x640] =	vst v1  }
0xc5: {  	[tilespmem:s15], [sflag:$0x1] =	stream.indirect.gather [hbm4b:s3+s14], $0x20, s14, s14, $0xb8;
	[tilespmem:$0xDC80] =	vst v63  }
0xc6: {  	_ =	swait.ge [sflag:s16], $0xC800  }
0xc7: {  	[sflag:s16] =	ssyncset.done $0x0  }
0xc8: {  	s20 =	simm.s32 $0xD4A0;
	s19 =	simm.s32 $0x30;
	[sflag:s16] =	ssyncadd.s32 $0xFFFF3800  }
.LBB2_16:
0xc9: {  	s21 =	sadd.s32 $0xFFFFFFD0, s19  }
0xca: {  	v1 =	vadd.s32 s21, v0  }
0xcb: {  	vm0 =	vlt.s32 v1, $0x63F  }
0xcc: {  	v1 =	vnsel vm0, $0x63F, v1;
	_ =	sdelay $0x4  }
0xcd: {  	v2 =	vld.idx.msk [tilespmem:v1+s2+$0x0], $0xffff;
	_ =	sdelay $0x4  }
0xce: {  	v1 =	vshll.u32 v1, $0x5;
	v2 =	vand.u32 $0x1F, v2  }
0xcf: {  	v1 =	vor.u32 v1, v2;
	_ =	sdelay $0x2  }
0xd0: {  	s30 =	sadd.s32 $0xFFFFFFE0, s19  }
0xd1: {  	v2 =	vadd.s32 s30, v0  }
0xd2: {  	vm13 =	vlt.s32 v2, $0x63F;
	v1 =	vld.idx.msk [tilespmem:v1+s15+$0x0], $0xffff  }
0xd3: {  	v2 =	vnsel vm13, $0x63F, v2;
	_ =	sdelay $0x3  }
0xd4: {  	[tilespmem:s20+$0xFFFFFFE0] =	vst v1  }
0xd5: {  	v1 =	vld.idx.msk [tilespmem:v2+s2+$0x0], $0xffff;
	_ =	sdelay $0x4  }
0xd6: {  	v2 =	vshll.u32 v2, $0x5;
	v1 =	vand.u32 $0x1F, v1  }
0xd7: {  	v1 =	vor.u32 v2, v1;
	_ =	sdelay $0x2  }
0xd8: {  	s31 =	sadd.s32 $0xFFFFFFF0, s19  }
0xd9: {  	v2 =	vadd.s32 s31, v0  }
0xda: {  	vm14 =	vlt.s32 v2, $0x63F;
	v1 =	vld.idx.msk [tilespmem:v1+s15+$0x0], $0xffff  }
0xdb: {  	v2 =	vnsel vm14, $0x63F, v2;
	_ =	sdelay $0x3  }
0xdc: {  	[tilespmem:s20+$0xFFFFFFF0] =	vst v1  }
0xdd: {  	v1 =	vld.idx.msk [tilespmem:v2+s2+$0x0], $0xffff;
	_ =	sdelay $0x4  }
0xde: {  	v2 =	vshll.u32 v2, $0x5;
	v1 =	vand.u32 $0x1F, v1  }
0xdf: {  	v1 =	vor.u32 v2, v1;
	_ =	sdelay $0x3  }
0xe0: {  	v2 =	vadd.s32 s19, v0  }
0xe1: {  	vm15 =	vlt.s32 v2, $0x63F;
	v1 =	vld.idx.msk [tilespmem:v1+s15+$0x0], $0xffff  }
0xe2: {  	v2 =	vnsel vm15, $0x63F, v2;
	_ =	sdelay $0x3  }
0xe3: {  	[tilespmem:s20+$0x0] =	vst v1  }
0xe4: {  	v1 =	vld.idx.msk [tilespmem:v2+s2+$0x0], $0xffff;
	_ =	sdelay $0x4  }
0xe5: {  	v2 =	vshll.u32 v2, $0x5;
	v1 =	vand.u32 $0x1F, v1  }
0xe6: {  	v1 =	vor.u32 v2, v1;
	_ =	sdelay $0x4  }
0xe7: {  	p0 =	sne.s32 s19, $0x63E;
	v1 =	vld.idx.msk [tilespmem:v1+s15+$0x0], $0xffff  }
.Ltmp7:
0xe8: {  	_ = 	snop;
	(pc) =	sbr.rel @p0 .LBB2_16-.Ltmp7, $2  }
0xe9: {  	_ =	sdelay $0x2  }
0xea: {  	s19 =	sadd.s32 $0x32, s19;
	[tilespmem:s20+$0x10] =	vst v1;
	s20 =	sadd.s32 $0x40, s20  }
0xeb: {  	s18 =	sadd.s32 $0x1, s18  }
0xec: {  	p0 =	sne.s32 s18, s12  }
.Ltmp8:
0xed: {  	_ = 	snop;
	(pc) =	sbr.rel @p0 .LBB2_1-.Ltmp8, $4  }
0xee: {  	[hbm4b:s11+s2] =	stream.linear.scatter [tilespmem:s17], [sflag:$0x2], $0x800, $0x38;
	[tilespmem:$0xDC80] =	vst v63  }
0xef: {  	_ =	swait.ge [sflag:s13], $0x800  }
0xf0: {  	[sflag:s13] =	ssyncset.done $0x0  }
0xf1: {  	[sflag:s13] =	ssyncadd.s32 $0xFFFFF800  }
0xf2: {  	_ =	sfence.sel $0x180000  }
0xf3: {  	[bflag:$0x0] =	sbarrier.arrive $0xFFFF  }
0xf4: {  	p0 =	sne.s32 s1, $0x0;
	_ =	strace $0x90000047  }
0xf5: {  	s0 =	sadd.s32 @!p0 $0x100000, s0;
	[bflag:$0x2] =	sbarrier.arrive $0xFFFF  }
0xf6: {  	[sflag:s0] =	ssyncadd.tile.s32 @!p0 $0x1;
	_ =	shalt  }
.Lfunc_end2:
_tile_overlayer_lowered:
.L_overlay_start_2:
0xf7: {  	(tag) =	ssettag $0x2  }
0xf8: {  	s0 =	rddreg [dreg:$0x0];
	s2 =	stileid.u32  }
0xf9: {  	s1 =	rddreg [dreg:$0x1];
	p0 =	sne.s32 s2, $0x0  }
0xfa: {  	s3 =	rddreg [dreg:$0x2];
	[bflag:$0x3] =	sbarrier.arrive $0xFFFF;
	s2 =	simm.s32 @!p0 $0x1C02  }
0xfb: {  	[timem:s3], [sflag:s2] =	dma.local @!p0 [hbm:s0], s1  }
0xfc: {  	s0 =	simm.s32 @!p0 $0x2  }
0xfd: {  	_ =	swait.ge @!p0 [sflag:s0], s1  }
0xfe: {  	s1 =	ssub.s32 @!p0 $0x0, s1;
	[sflag:s0] =	ssyncset.done @!p0 $0x0  }
0xff: {  	[sflag:s0] =	ssyncadd.s32 @!p0 s1  }
0x100: {  	[bflag:$0x3] =	sbarrier.arrive $0xFFFF  }
0x101: {  	_ =	shalt  }

// kernel: kernel.7.cloned.1.call-start
scs
__scs_entry_jumppad:
0x0: {  	(pc) =	sbr.rel $0x88, $3  }
0x1: {  	(tag) =	ssettag $0x0;
	lr =	simm.s32 $0x1  }
0x2: {  	[smem:$0x3F9E] =	sst lr;
	_ =	strace $0xD0000000  }
0x3: {  	_ = 	snop  }
0x4: {  	_ = 	snop  }
0x5: {  	_ = 	snop  }
0x6: {  	_ = 	snop  }
0x7: {  	_ = 	snop  }
__scs_overlays_trampoline_lowered:
0x8: {  	[smem:$0x3FAD] =	sst s0  }
0x9: {  	[smem:$0x3FAE] =	sst s1  }
0xa: {  	[smem:$0x3FAF] =	sst s2  }
0xb: {  	[smem:$0x3FB0] =	sst s3  }
0xc: {  	[smem:$0x3FB1] =	sst s4  }
0xd: {  	[smem:$0x3FB2] =	sst s5  }
0xe: {  	[smem:$0x3FB3] =	sst s6  }
0xf: {  	[smem:$0x3FB4] =	sst s7  }
0x10: {  	[smem:$0x3FB5] =	sst s8  }
0x11: {  	[smem:$0x3FB6] =	sst s9;
	s0 =	simm.s32 @!p0 $0x0  }
0x12: {  	s1 =	sld [smem:$0x3F9C];
	s0 =	simm.s32 @p0 $0x1  }
0x13: {  	[smem:$0x3FB7] =	sst s0;
	s0 =	simm.s32 @!p1 $0x0  }
0x14: {  	s2 =	sld [smem:$0x3F9B];
	s0 =	simm.s32 @p1 $0x1  }
0x15: {  	[smem:$0x3FB8] =	sst s0;
	s0 =	simm.s32 @!p2 $0x0  }
0x16: {  	s3 =	sld [smem:$0x3FDB];
	s0 =	simm.s32 @p2 $0x1  }
0x17: {  	s4 =	simm.s32 $0x1BF5;
	[smem:$0x3FBA] =	sst s0  }
0x18: {  	s0 =	sld [smem:$0x3F9D];
	_ =	swait.ge [sflag:s4], $0x0  }
0x19: {  	s7 =	sld [smem:$0x3F9E]  }
0x1a: {  	s8 =	sadd.s32 $0xFFFFE003, lr  }
0x1b: {  	s9 =	sadd.s32 $0xFFFFFEF7, lr;
	s5 =	simm.s32 $0xFFFFFFFF;
	p2 =	slt.u32 s8, $0xFFFFF086  }
0x1c: {  	p1 =	slt.u32 s9, $0xF7A;
	s5 =	simm.s32 @!p2 $0x0  }
0x1d: {  	s5 =	simm.s32 @p1 $0x1;
	p0 =	seq.s32 s7, s2  }
0x1e: {  	s7 =	smul.u32 @!p0 $0xF7A, s2;
	p2 =	seq.s32 @!p0 s5, $0x0  }
0x1f: {  	s9 =	smul.u32 $0xF7A, s1;
	s8 =	simm.s32 @!p0 $0x1BF5;
	p2 =	por !p2, p0  }
0x20: {  	[sflag:s8] =	ssyncset.s32 @!p0 $0xFFFFF086;
	s6 =	sadd.s32 @!p0 s3, s7;
	s7 =	simm.s32 @!p0 $0x108  }
0x21: {  	s3 =	sadd.s32 s3, s9;
	s6 =	sadd.s32 @!p0 $0x88, s6;
	s7 =	simm.s32 @p2 $0x1082  }
0x22: {  	[simem:s7], [sflag:s8] =	dma.local @!p0 [hbm:s6], $0xF7A  }
0x23: {  	s9 =	sor.u32 $0xD0000000, s2;
	s6 =	simm.s32 $0x108;
	_ =	swait.ge @!p0 [sflag:s8], $0x0  }
0x24: {  	s3 =	sadd.s32 $0x88, s3;
	s6 =	simm.s32 @!p1 $0x1082;
	[sflag:s4] =	ssyncset.s32 $0xFFFFF086  }
0x25: {  	[simem:s6], [sflag:s4] =	dma.local [hbm:s3], $0xF7A  }
0x26: {  	[smem:$0x3F9E] =	sst s1;
	(tag) =	ssettag s2;
	_ =	strace s9  }
0x27: {  	s1 =	sld [smem:$0x3FAE]  }
0x28: {  	s2 =	sld [smem:$0x3FAF]  }
0x29: {  	s4 =	sld [smem:$0x3FB1]  }
0x2a: {  	p0 =	seq.s32 s5, $0x0;
	s5 =	sld [smem:$0x3FB2]  }
0x2b: {  	s6 =	sld [smem:$0x3FB3]  }
0x2c: {  	s7 =	sld [smem:$0x3FB4]  }
0x2d: {  	s3 =	simm.s32 $0x108;
	s8 =	sld [smem:$0x3FB5]  }
0x2e: {  	s3 =	simm.s32 @!p0 $0x1082;
	s9 =	sld [smem:$0x3FB6]  }
0x2f: {  	lr =	sadd.s32 s0, s3;
	s0 =	sld [smem:$0x3FAD]  }
0x30: {  	s3 =	sld [smem:$0x3FB0]  }
0x31: {  	[smem:$0x3FB9] =	sst s10  }
0x32: {  	s10 =	sld [smem:$0x3FB7];
	_ =	sdelay $0x3  }
0x33: {  	p0 =	seq.s32 s10, $0x1;
	s10 =	sld [smem:$0x3FB9];
	_ =	sdelay $0x3  }
0x34: {  	[smem:$0x3FB9] =	sst s10  }
0x35: {  	s10 =	sld [smem:$0x3FB8];
	_ =	sdelay $0x3  }
0x36: {  	p1 =	seq.s32 s10, $0x1;
	s10 =	sld [smem:$0x3FB9];
	_ =	sdelay $0x3  }
0x37: {  	[smem:$0x3FB9] =	sst s10  }
0x38: {  	s10 =	sld [smem:$0x3FBA]  }
0x39: {  	_ = 	snop;
	(pc) =	sbr.ind lr, $3  }
0x3a: {  	_ = 	snop  }
0x3b: {  	_ = 	snop  }
0x3c: {  	p2 =	seq.s32 s10, $0x1;
	s10 =	sld [smem:$0x3FB9]  }
0x3d: {  	_ =	shalt  }
0x3e: {  	_ =	shalt  }
0x3f: {  	_ =	shalt  }
0x40: {  	_ =	shalt  }
0x41: {  	_ =	shalt  }
0x42: {  	_ =	shalt  }
0x43: {  	_ =	shalt  }
0x44: {  	_ =	shalt  }
0x45: {  	_ =	shalt  }
0x46: {  	_ =	shalt  }
0x47: {  	_ =	shalt  }
0x48: {  	_ =	shalt  }
0x49: {  	_ =	shalt  }
0x4a: {  	_ =	shalt  }
0x4b: {  	_ =	shalt  }
0x4c: {  	_ =	shalt  }
0x4d: {  	_ =	shalt  }
0x4e: {  	_ =	shalt  }
0x4f: {  	_ =	shalt  }
0x50: {  	_ =	shalt  }
0x51: {  	_ =	shalt  }
0x52: {  	_ =	shalt  }
0x53: {  	_ =	shalt  }
0x54: {  	_ =	shalt  }
0x55: {  	_ =	shalt  }
0x56: {  	_ =	shalt  }
0x57: {  	_ =	shalt  }
0x58: {  	_ =	shalt  }
0x59: {  	_ =	shalt  }
0x5a: {  	_ =	shalt  }
0x5b: {  	_ =	shalt  }
0x5c: {  	_ =	shalt  }
0x5d: {  	_ =	shalt  }
0x5e: {  	_ =	shalt  }
0x5f: {  	_ =	shalt  }
0x60: {  	_ =	shalt  }
0x61: {  	_ =	shalt  }
0x62: {  	_ =	shalt  }
0x63: {  	_ =	shalt  }
0x64: {  	_ =	shalt  }
0x65: {  	_ =	shalt  }
0x66: {  	_ =	shalt  }
0x67: {  	_ =	shalt  }
0x68: {  	_ =	shalt  }
0x69: {  	_ =	shalt  }
0x6a: {  	_ =	shalt  }
0x6b: {  	_ =	shalt  }
0x6c: {  	_ =	shalt  }
0x6d: {  	_ =	shalt  }
0x6e: {  	_ =	shalt  }
0x6f: {  	_ =	shalt  }
0x70: {  	_ =	shalt  }
0x71: {  	_ =	shalt  }
0x72: {  	_ =	shalt  }
0x73: {  	_ =	shalt  }
0x74: {  	_ =	shalt  }
0x75: {  	_ =	shalt  }
0x76: {  	_ =	shalt  }
0x77: {  	_ =	shalt  }
0x78: {  	_ =	shalt  }
0x79: {  	_ =	shalt  }
0x7a: {  	_ =	shalt  }
0x7b: {  	_ =	shalt  }
0x7c: {  	_ =	shalt  }
0x7d: {  	_ =	shalt  }
0x7e: {  	_ =	shalt  }
0x7f: {  	_ =	shalt  }
0x80: {  	_ =	shalt  }
0x81: {  	_ =	shalt  }
0x82: {  	_ =	shalt  }
0x83: {  	_ =	shalt  }
0x84: {  	_ =	shalt  }
0x85: {  	_ =	shalt  }
0x86: {  	_ =	shalt  }
0x87: {  	_ =	shalt  }
.Lfunc_end0:
.L_simem_size_0:
called_computation.1_lowered:
.L_overlay_start_0:
0x88: {  	s2 =	sld [smem:$0x3FD9]  }
0x89: {  	s3 =	sld [smem:$0x3FFE];
	_ =	sdelay $0x1  }
0x8a: {  	s1 =	srdreg.scid  }
0x8b: {  	s0 =	sand.u32 $0x1, s1  }
0x8c: {  	s17 =	sshll.u32 s0, $0xA;
	s2 =	sadd.s32 s3, s2  }
0x8d: {  	s2 =	sadd.s32 s2, s17  }
0x8e: {  	[smem:$0x3FC5] =	sst s2  }
0x8f: {  	_ = 	snop  }
0x90: {  	s2 =	sld [smem:$0x3FD0];
	(tm) =	ssettm $0x1  }
0x91: {  	s18 =	sld [smem:$0x3FFB];
	_ =	sdelay $0x3  }
0x92: {  	_ =	strace s18  }
0x93: {  	s3 =	sld [smem:$0x3FFC];
	_ =	sdelay $0x3  }
0x94: {  	_ =	strace s3  }
0x95: {  	s3 =	sld [smem:$0x3FFD];
	_ =	sdelay $0x3  }
0x96: {  	_ =	strace s3  }
0x97: {  	_ =	strace $0x8FFFFFFF  }
0x98: {  	s19 =	sld [smem:$0x3FDB];
	_ =	sdelay $0x1  }
0x99: {  	s4 =	simm.s32 $_scs_section_size  }
0x9a: {  	s5 =	simm.s32 $_size__tile_overlayer_lowered;
	s6 =	simm.s32 $_tile_overlayer_lowered  }
0x9b: {  	s22 =	simm.s32 $0x1BFF;
	s21 =	sshll.u32 s6, $0x1;
	s3 =	sadd.s32 s4, s19  }
0x9c: {  	s7 =	simm.s32 $0x0;
	s20 =	sshll.u32 s5, $0x1;
	s5 =	sadd.s32 s21, s3  }
0x9d: {  	[timem:s7], [sflag:s22] =	dma.local [hbm:s5], s20  }
0x9e: {  	_ =	swait.ge [sflag:s22], s20  }
0x9f: {  	s4 =	ssub.s32 $0x0, s20;
	[sflag:s22] =	ssyncset.done $0x0  }
0xa0: {  	[sflag:s22] =	ssyncadd.s32 s4;
	_ =	sdelay $0x1  }
0xa1: {  	s23 =	simm.s32 $0x1B8B  }
0xa2: {  	_ =	swait.ge [sflag:s23], $0x1  }
0xa3: {  	[sflag:s23] =	ssyncset.done $0x0  }
0xa4: {  	s25 =	simm.s32 $0x1B8E;
	s24 =	sld [smem:$0x3FFE];
	[sflag:s23] =	ssyncadd.s32 $0xFFFFFFFF  }
0xa5: {  	s26 =	simm.s32 $execute0_lowered;
	[smem:$0x3FD2] =	sst s25  }
0xa6: {  	s5 =	sshll.u32 s26, $0x1;
	_ =	strace $0x80000049;
	[dreg:$0x1] =	wrdreg $0xFFFFFFFF  }
0xa7: {  	s28 =	simm.s32 $_size_execute0_lowered;
	s3 =	sadd.s32 s3, s5;
	[dreg:$0x0] =	wrdreg $0x0  }
0xa8: {  	s5 =	sshll.u32 s28, $0x1;
	[dreg:$0x2] =	wrdreg s3  }
0xa9: {  	[dreg:$0x3] =	wrdreg s5  }
0xaa: {  	[dreg:$0x4] =	wrdreg $0xC0  }
0xab: {  	_ =	task [dreg:s7], $0x5FFFF  }
0xac: {  	[dreg:$0x1] =	wrdreg $0xFFFFFFFF  }
0xad: {  	[dreg:$0x0] =	wrdreg $0x60  }
0xae: {  	[dreg:$0x2] =	wrdreg s24  }
0xaf: {  	[dreg:$0x3] =	wrdreg s2  }
0xb0: {  	[dreg:$0x4] =	wrdreg $0x9  }
0xb1: {  	_ =	task.clear_ibuf [dreg:s7], $0x5FFFF;
	_ =	strace $0x90000049  }
0xb2: {  	s29 =	simm.s32 $0x9;
	_ =	strace $0x8000004B  }
0xb3: {  	_ =	swait.ge [sflag:s29], $0x1  }
0xb4: {  	[sflag:s29] =	ssyncadd.s32 $0xFFFFFFFF  }
0xb5: {  	_ =	strace $0x9000004B  }
0xb6: {  	_ =	sfence  }
0xb7: {  	s30 =	sld [smem:$0x0];
	_ =	sdelay $0x2  }
0xb8: {  	s31 =	sshll.u32 s1, $0xD;
	s1 =	sshrl.u32 s1, $0x2  }
0xb9: {  	s3 =	sand.u32 $0x4000, s31;
	s1 =	sadd.s32 s1, s30  }
0xba: {  	s0 =	sor.u32 s3, s0;
	s1 =	sshll.u32 s1, $0x11  }
0xbb: {  	s0 =	sor.u32 s1, s0  }
0xbc: {  	s0 =	sadd.s32 $0x8F2B, s0  }
0xbd: {  	[sflag:s0] =	ssyncadd.remote.s32 $0x1  }
0xbe: {  	_ =	sfence.sel $0xFFFF  }
0xbf: {  	[dreg:$0x0] =	wrdreg $0xFFFFFFFF;
	(pc) =	sbr.abs _section_cstart, $3  }
0xc0: {  	[dreg:$0x1] =	wrdreg $0xFFFFFFFF  }
0xc1: {  	_ =	task.clear_ibuf [dreg:s7], $0x2FFFF;
	_ =	strace $0x9FFFFFFF  }
0xc2: {  	(tm) =	ssettm $0x7FFFFFFF  }
0xc3: {  	_ =	shalt  }
tec
execute0_lowered:
.L_overlay_start_1:
0x0: {  	(tag) =	ssettag $0x1  }
0x1: {  	s3 =	rddreg [dreg:$0x0]  }
0x2: {  	s9 =	rddreg [dreg:$0x1]  }
0x3: {  	s0 =	rddreg [dreg:$0x2];
	s1 =	simm.s32 $0x0  }
0x4: {  	s4 =	srdreg.scid;
	s2 =	stileid.u32;
	s14 =	simm.s32 $0x1  }
0x5: {  	s15 =	simm.s32 $0x1AC80;
	s16 =	simm.s32 $0x0;
	[smem:$0x7FF] =	sst s1  }
0x6: {  	s7 =	sadd.s32 $0x600, s3;
	s4 =	sand.u32 $0x1, s4;
	s8 =	sadd.s32 $0x25400, s3  }
0x7: {  	s6 =	sshll.u32 s2, $0x1;
	s3 =	sadd.s32 $0xF6F800, s3;
	s5 =	ssub.s32 $0x2, s4  }
0x8: {  	_ =	strace $0x8000004A;
	s4 =	sor.u32 s4, s6;
	s10 =	sshrl.u32 s5, $0x1  }
0x9: {  	s30 =	smul.u32 $0x320, s4;
	s11 =	sshllo.u32 s4, $0x1;
	s6 =	sshll.u32 s4, $0xA  }
0xa: {  	s12 =	sshll.u32 s4, $0x9;
	s10 =	ssub.s32 s5, s10;
	s13 =	smul.u32 $0x190, s11  }
0xb: {  	s5 =	sadd.s32 s8, s6;
	s6 =	sadd.s32 s9, s12;
	s31 =	sshll.u32 s11, $0x9  }
0xc: {  	s11 =	sshll.u32 s11, $0x8;
	s12 =	simm.s32 $0x19C80;
	s4 =	sadd.s32 s7, s30  }
0xd: {  	s8 =	sadd.s32 s8, s31;
	s9 =	sadd.s32 s9, s11;
	s10 =	smax.u32 s10, $0x1  }
0xe: {  	vm0 =	vmmov $0x3;
	s11 =	simm.s32 $0x2;
	s7 =	sadd.s32 s7, s13;
	s13 =	simm.s32 $0xC80  }
.LBB2_1:
0xf: {  	[tilespmem:s1], [sflag:$0x2] =	stream.linear.gather [hbm4b:s4+s1], $0xC80, $0x38;
	[tilespmem:$0x1B480] =	vst v63  }
0x10: {  	_ =	swait.ge [sflag:s11], $0xC80  }
0x11: {  	[sflag:s11] =	ssyncset.done $0x0  }
0x12: {  	[sflag:s11] =	ssyncadd.s32 $0xFFFFF380  }
0x13: {  	[tilespmem:s12], [sflag:$0x2] =	stream.linear.gather [hbm4b:s5+s1], $0x1000, $0x38;
	[tilespmem:$0x1B480] =	vst v63  }
0x14: {  	_ =	swait.ge [sflag:s11], $0x1000  }
0x15: {  	[sflag:s11] =	ssyncset.done $0x0  }
0x16: {  	[sflag:s11] =	ssyncadd.s32 $0xFFFFF000  }
0x17: {  	[tilespmem:s13], [sflag:$0x1] =	stream.indirect.gather [hbm4b:s3+s13], $0x20, s1, s13, $0xb8;
	[tilespmem:$0x1B480] =	vst v63  }
0x18: {  	_ =	swait.ge [sflag:s14], $0x19000  }
0x19: {  	[sflag:s14] =	ssyncset.done $0x0  }
0x1a: {  	s17 =	simm.s32 $0x19CA0;
	[sflag:s14] =	ssyncadd.s32 $0xFFFE7000  }
0x1b: {  	v0 =	vld [tilespmem:s17+$0xFFFFFFE0]  }
0x1c: {  	v1 =	vld [tilespmem:s17+$0x0]  }
0x1d: {  	v2 =	vld [tilespmem:s17+$0x10]  }
0x1e: {  	v3 =	vld [tilespmem:s17+$0xFFFFFFF0];
	_ =	sdelay $0x3  }
0x1f: {  	v2 =	vnsel vm0, $0xFF800000, v2  }
0x20: {  	v4 =	vmax.f32 v0, v3;
	v5 =	vmax.f32 v1, v2  }
0x21: {  	v4 =	vmax.f32 v4, v5  }
0x22: {  	(xrf0) =	vmax.scan.msk.f32 $0xffff, v4;
	_ =	sdelay $0x5  }
0x23: {  	v4, _, _ =	vpop (xrf0)  }
0x24: {  	v4 =	vbroadcast v4, $0xF;
	_ =	sdelay $0x1  }
0x25: {  	v0 =	vsub.f32 v0, v4  }
0x26: {  	v3 =	vsub.f32 v3, v4  }
0x27: {  	v0 =	vmul.f32 $1.442695020e+00, v0  }
0x28: {  	v1 =	vsub.f32 v1, v4;
	v3 =	vmul.f32 $1.442695020e+00, v3  }
0x29: {  	(erf) = vpow2.f32 v0  }
0x2a: {  	v1 =	vmul.f32 $1.442695020e+00, v1;
	v0 =	vsub.f32 v2, v4;
	(erf) = vpow2.f32 v3;
	_ =	sdelay $0x1  }
0x2b: {  	v0 =	vmul.f32 $1.442695020e+00, v0;
	(erf) = vpow2.f32 v1;
	_ =	sdelay $0x1  }
0x2c: {  	(erf) = vpow2.f32 v0;
	_ =	sdelay $0x3  }
0x2d: {  	v0 =	vpop (erf)  }
0x2e: {  	v1 =	vpop (erf)  }
0x2f: {  	v2 =	vadd.f32 v1, v0  }
0x30: {  	v3 =	vpop (erf)  }
0x31: {  	v2 =	vadd.f32 v2, v3  }
0x32: {  	v20 =	vpop (erf)  }
0x33: {  	v2 =	vadd.f32 v2, v20;
	_ =	sdelay $0x1  }
0x34: {  	(xrf2) =	vadd.scan.msk.f32 $0xffff, v2;
	_ =	sdelay $0x9  }
0x35: {  	v2, _, _ =	vpop (xrf2)  }
0x36: {  	v2 =	vbroadcast v2, $0xF;
	_ =	sdelay $0x1  }
0x37: {  	(erf) = vrcp.f32 v2;
	_ =	sdelay $0x6  }
0x38: {  	s17 =	simm.s32 $0xFA0  }
0x39: {  	v21 =	vld [tilespmem:s17+$0xFFFFFCF0]  }
0x3a: {  	v6 =	vld [tilespmem:s17+$0xFFFFFCE0];
	v7 =	vpop (erf)  }
0x3b: {  	v9 =	vld [tilespmem:s17+$0xFFFFFD00];
	v8 =	vmul.f32 v7, v0  }
0x3c: {  	v10 =	vld [tilespmem:s17+$0xFFFFFD10];
	v2 =	vmul.f32 v7, v1  }
0x3d: {  	v11 =	vld [tilespmem:s17+$0xFFFFFD20];
	v1 =	vmul.f32 v7, v3;
	v3 =	vbroadcast v8, $0x0  }
0x3e: {  	v22 =	vld [tilespmem:s17+$0xFFFFFD30];
	v0 =	vmul.f32 v7, v20;
	v23 =	vbroadcast v8, $0x1  }
0x3f: {  	v24 =	vld [tilespmem:s17+$0xFFFFFD40];
	v6 =	vmul.f32 v3, v6;
	v3 =	vmul.f32 v3, v21  }
0x40: {  	v13 =	vld [tilespmem:s17+$0xFFFFFD50];
	v12 =	vbroadcast v8, $0x2;
	v9 =	vmul.f32 v23, v9  }
0x41: {  	v25 =	vld [tilespmem:s17+$0xFFFFFD60];
	v7 =	vmul.f32 v23, v10;
	v6 =	vadd.f32 $0.0e+00, v6;
	v3 =	vadd.f32 $0.0e+00, v3  }
0x42: {  	v15 =	vld [tilespmem:s17+$0xFFFFFD70];
	v14 =	vbroadcast v8, $0x3;
	v11 =	vmul.f32 v12, v11  }
0x43: {  	v26 =	vld [tilespmem:s17+$0xFFFFFD80];
	v4 =	vmul.f32 v12, v22;
	v6 =	vadd.f32 v6, v9;
	v3 =	vadd.f32 v3, v7  }
0x44: {  	v28 =	vld [tilespmem:s17+$0xFFFFFD90];
	v27 =	vbroadcast v8, $0x4;
	v5 =	vmul.f32 v14, v24  }
0x45: {  	v29 =	vld [tilespmem:s17+$0xFFFFFDA0];
	v13 =	vmul.f32 v14, v13;
	v6 =	vadd.f32 v6, v11;
	v3 =	vadd.f32 v3, v4  }
0x46: {  	v31 =	vld [tilespmem:s17+$0xFFFFFDB0];
	v30 =	vbroadcast v8, $0x5;
	v10 =	vmul.f32 v27, v25  }
0x47: {  	v32 =	vld [tilespmem:s17+$0xFFFFFDC0];
	v9 =	vmul.f32 v27, v15;
	v5 =	vadd.f32 v6, v5;
	v3 =	vadd.f32 v3, v13  }
0x48: {  	v34 =	vld [tilespmem:s17+$0xFFFFFDD0];
	v33 =	vbroadcast v8, $0x6;
	v7 =	vmul.f32 v30, v26  }
0x49: {  	v35 =	vld [tilespmem:s17+$0xFFFFFDE0];
	v11 =	vmul.f32 v30, v28;
	v5 =	vadd.f32 v5, v10;
	v3 =	vadd.f32 v3, v9  }
0x4a: {  	v37 =	vld [tilespmem:s17+$0xFFFFFDF0];
	v36 =	vbroadcast v8, $0x7;
	v4 =	vmul.f32 v33, v29  }
0x4b: {  	v38 =	vld [tilespmem:s17+$0xFFFFFE00];
	v13 =	vmul.f32 v33, v31;
	v5 =	vadd.f32 v5, v7;
	v3 =	vadd.f32 v3, v11  }
0x4c: {  	v40 =	vld [tilespmem:s17+$0xFFFFFE10];
	v39 =	vbroadcast v8, $0x8;
	v6 =	vmul.f32 v36, v32  }
0x4d: {  	v41 =	vld [tilespmem:s17+$0xFFFFFE20];
	v10 =	vmul.f32 v36, v34;
	v4 =	vadd.f32 v5, v4;
	v3 =	vadd.f32 v3, v13  }
0x4e: {  	v43 =	vld [tilespmem:s17+$0xFFFFFE30];
	v42 =	vbroadcast v8, $0x9;
	v9 =	vmul.f32 v39, v35  }
0x4f: {  	v44 =	vld [tilespmem:s17+$0xFFFFFE40];
	v11 =	vmul.f32 v37, v39;
	v4 =	vadd.f32 v4, v6;
	v3 =	vadd.f32 v3, v10  }
0x50: {  	v46 =	vld [tilespmem:s17+$0xFFFFFE50];
	v45 =	vbroadcast v8, $0xA;
	v7 =	vmul.f32 v38, v42  }
0x51: {  	v47 =	vld [tilespmem:s17+$0xFFFFFE60];
	v13 =	vmul.f32 v40, v42;
	v4 =	vadd.f32 v4, v9;
	v3 =	vadd.f32 v3, v11  }
0x52: {  	v49 =	vld [tilespmem:s17+$0xFFFFFE70];
	v48 =	vbroadcast v8, $0xB;
	v5 =	vmul.f32 v41, v45  }
0x53: {  	v50 =	vld [tilespmem:s17+$0xFFFFFE80];
	v10 =	vmul.f32 v43, v45;
	v4 =	vadd.f32 v4, v7;
	v3 =	vadd.f32 v3, v13  }
0x54: {  	v52 =	vld [tilespmem:s17+$0xFFFFFE90];
	v51 =	vbroadcast v8, $0xC;
	v6 =	vmul.f32 v44, v48  }
0x55: {  	v53 =	vld [tilespmem:s17+$0xFFFFFEA0];
	v11 =	vmul.f32 v46, v48;
	v4 =	vadd.f32 v4, v5;
	v3 =	vadd.f32 v3, v10  }
0x56: {  	v55 =	vld [tilespmem:s17+$0xFFFFFEB0];
	v54 =	vbroadcast v8, $0xD;
	v9 =	vmul.f32 v47, v51  }
0x57: {  	v56 =	vld [tilespmem:s17+$0xFFFFFEC0];
	v13 =	vmul.f32 v49, v51;
	v4 =	vadd.f32 v4, v6;
	v3 =	vadd.f32 v3, v11  }
0x58: {  	v58 =	vld [tilespmem:s17+$0xFFFFFED0];
	v57 =	vbroadcast v8, $0xE;
	v7 =	vmul.f32 v50, v54  }
0x59: {  	v59 =	vld [tilespmem:s17+$0xFFFFFEE0];
	v10 =	vmul.f32 v52, v54;
	v4 =	vadd.f32 v4, v9;
	v3 =	vadd.f32 v3, v13  }
0x5a: {  	v60 =	vld [tilespmem:s17+$0xFFFFFEF0];
	v8 =	vbroadcast v8, $0xF;
	v5 =	vmul.f32 v53, v57  }
0x5b: {  	v61 =	vld [tilespmem:s17+$0xFFFFFF00];
	v11 =	vmul.f32 v55, v57;
	v4 =	vadd.f32 v4, v7;
	v3 =	vadd.f32 v3, v10  }
0x5c: {  	v63 =	vld [tilespmem:s17+$0xFFFFFF10];
	v62 =	vbroadcast v2, $0x0;
	v6 =	vmul.f32 v56, v8  }
0x5d: {  	v16 =	vld [tilespmem:s17+$0xFFFFFF20];
	v8 =	vmul.f32 v58, v8;
	v4 =	vadd.f32 v4, v5;
	v3 =	vadd.f32 v3, v11  }
0x5e: {  	v18 =	vld [tilespmem:s17+$0xFFFFFF30];
	v17 =	vbroadcast v2, $0x1;
	v9 =	vmul.f32 v59, v62  }
0x5f: {  	v19 =	vld [tilespmem:s17+$0xFFFFFF40];
	v10 =	vmul.f32 v60, v62;
	v4 =	vadd.f32 v4, v6;
	v3 =	vadd.f32 v3, v8  }
0x60: {  	v20 =	vbroadcast v2, $0x2;
	v21 =	vld [tilespmem:s17+$0xFFFFFF50];
	v7 =	vmul.f32 v61, v17  }
0x61: {  	v22 =	vld [tilespmem:s17+$0xFFFFFF60];
	v11 =	vmul.f32 v63, v17;
	v4 =	vadd.f32 v4, v9;
	v3 =	vadd.f32 v10, v3  }
0x62: {  	v23 =	vbroadcast v2, $0x3;
	v24 =	vld [tilespmem:s17+$0xFFFFFF70];
	v5 =	vmul.f32 v16, v20  }
0x63: {  	v25 =	vld [tilespmem:s17+$0xFFFFFF80];
	v8 =	vmul.f32 v18, v20;
	v4 =	vadd.f32 v7, v4;
	v3 =	vadd.f32 v11, v3  }
0x64: {  	v26 =	vbroadcast v2, $0x4;
	v27 =	vld [tilespmem:s17+$0xFFFFFF90];
	v6 =	vmul.f32 v19, v23  }
0x65: {  	v28 =	vld [tilespmem:s17+$0xFFFFFFA0];
	v10 =	vmul.f32 v21, v23;
	v4 =	vadd.f32 v5, v4;
	v3 =	vadd.f32 v8, v3  }
0x66: {  	v29 =	vbroadcast v2, $0x5;
	v30 =	vld [tilespmem:s17+$0xFFFFFFB0];
	v9 =	vmul.f32 v22, v26  }
0x67: {  	v31 =	vld [tilespmem:s17+$0xFFFFFFC0];
	v11 =	vmul.f32 v24, v26;
	v4 =	vadd.f32 v6, v4;
	v3 =	vadd.f32 v10, v3  }
0x68: {  	v32 =	vbroadcast v2, $0x6;
	v33 =	vld [tilespmem:s17+$0xFFFFFFD0];
	v7 =	vmul.f32 v25, v29  }
0x69: {  	v34 =	vld [tilespmem:s17+$0xFFFFFFE0];
	v8 =	vmul.f32 v27, v29;
	v4 =	vadd.f32 v9, v4;
	v3 =	vadd.f32 v11, v3  }
0x6a: {  	v35 =	vbroadcast v2, $0x7;
	v36 =	vld [tilespmem:s17+$0xFFFFFFF0];
	v5 =	vmul.f32 v28, v32  }
0x6b: {  	v37 =	vld [tilespmem:s17+$0x0];
	v10 =	vmul.f32 v30, v32;
	v4 =	vadd.f32 v7, v4;
	v3 =	vadd.f32 v8, v3  }
0x6c: {  	v38 =	vbroadcast v2, $0x8;
	v39 =	vld [tilespmem:s17+$0x10];
	v6 =	vmul.f32 v31, v35  }
0x6d: {  	v40 =	vld [tilespmem:s17+$0x20];
	v11 =	vmul.f32 v33, v35;
	v4 =	vadd.f32 v5, v4;
	v3 =	vadd.f32 v10, v3  }
0x6e: {  	v41 =	vbroadcast v2, $0x9;
	v42 =	vld [tilespmem:s17+$0x30];
	v9 =	vmul.f32 v34, v38  }
0x6f: {  	v43 =	vld [tilespmem:s17+$0x40];
	v8 =	vmul.f32 v36, v38;
	v4 =	vadd.f32 v6, v4;
	v3 =	vadd.f32 v11, v3  }
0x70: {  	v44 =	vbroadcast v2, $0xA;
	v45 =	vld [tilespmem:s17+$0x50];
	v7 =	vmul.f32 v37, v41  }
0x71: {  	v46 =	vld [tilespmem:s17+$0x60];
	v10 =	vmul.f32 v39, v41;
	v4 =	vadd.f32 v9, v4;
	v3 =	vadd.f32 v8, v3  }
0x72: {  	v47 =	vbroadcast v2, $0xB;
	v48 =	vld [tilespmem:s17+$0x70];
	v5 =	vmul.f32 v40, v44  }
0x73: {  	v49 =	vld [tilespmem:s17+$0x80];
	v11 =	vmul.f32 v42, v44;
	v4 =	vadd.f32 v7, v4;
	v3 =	vadd.f32 v10, v3  }
0x74: {  	v50 =	vbroadcast v2, $0xC;
	v51 =	vld [tilespmem:s17+$0x90];
	v6 =	vmul.f32 v43, v47  }
0x75: {  	v52 =	vld [tilespmem:s17+$0xA0];
	v9 =	vmul.f32 v45, v47;
	v4 =	vadd.f32 v5, v4;
	v3 =	vadd.f32 v11, v3  }
0x76: {  	v53 =	vbroadcast v2, $0xD;
	v54 =	vld [tilespmem:s17+$0xB0];
	v8 =	vmul.f32 v46, v50  }
0x77: {  	v55 =	vld [tilespmem:s17+$0xC0];
	v10 =	vmul.f32 v48, v50;
	v4 =	vadd.f32 v6, v4;
	v3 =	vadd.f32 v9, v3  }
0x78: {  	v56 =	vbroadcast v2, $0xE;
	v57 =	vld [tilespmem:s17+$0xD0];
	v7 =	vmul.f32 v49, v53  }
0x79: {  	v58 =	vld [tilespmem:s17+$0xE0];
	v11 =	vmul.f32 v51, v53;
	v4 =	vadd.f32 v8, v4;
	v3 =	vadd.f32 v10, v3  }
0x7a: {  	v2 =	vbroadcast v2, $0xF;
	v59 =	vld [tilespmem:s17+$0xF0];
	v5 =	vmul.f32 v52, v56  }
0x7b: {  	v60 =	vld [tilespmem:s17+$0x100];
	v9 =	vmul.f32 v54, v56;
	v4 =	vadd.f32 v7, v4;
	v3 =	vadd.f32 v11, v3  }
0x7c: {  	v61 =	vbroadcast v1, $0x0;
	v62 =	vld [tilespmem:s17+$0x110];
	v6 =	vmul.f32 v55, v2  }
0x7d: {  	v63 =	vld [tilespmem:s17+$0x120];
	v2 =	vmul.f32 v57, v2;
	v4 =	vadd.f32 v5, v4;
	v3 =	vadd.f32 v9, v3  }
0x7e: {  	v16 =	vbroadcast v1, $0x1;
	v17 =	vld [tilespmem:s17+$0x130];
	v8 =	vmul.f32 v58, v61  }
0x7f: {  	v19 =	vld [tilespmem:s17+$0x150];
	v10 =	vmul.f32 v59, v61;
	v4 =	vadd.f32 v6, v4;
	v2 =	vadd.f32 v2, v3  }
0x80: {  	v18 =	vbroadcast v1, $0x2;
	v7 =	vmul.f32 v60, v16;
	v3 =	vld [tilespmem:s17+$0x140]  }
0x81: {  	v20 =	vld [tilespmem:s17+$0x160];
	v9 =	vmul.f32 v62, v16;
	v4 =	vadd.f32 v8, v4;
	v2 =	vadd.f32 v10, v2  }
0x82: {  	v21 =	vbroadcast v1, $0x3;
	v22 =	vld [tilespmem:s17+$0x170];
	v5 =	vmul.f32 v63, v18  }
0x83: {  	v23 =	vld [tilespmem:s17+$0x180];
	v6 =	vmul.f32 v17, v18;
	v4 =	vadd.f32 v7, v4;
	v2 =	vadd.f32 v9, v2  }
0x84: {  	v24 =	vbroadcast v1, $0x4;
	v25 =	vld [tilespmem:s17+$0x190];
	v10 =	vmul.f32 v19, v21  }
0x85: {  	v26 =	vld [tilespmem:s17+$0x1A0];
	v3 =	vmul.f32 v3, v21;
	v4 =	vadd.f32 v5, v4;
	v2 =	vadd.f32 v6, v2  }
0x86: {  	v27 =	vbroadcast v1, $0x5;
	v28 =	vld [tilespmem:s17+$0x1B0];
	v8 =	vmul.f32 v20, v24  }
0x87: {  	v31 =	vld [tilespmem:s17+$0x1D0];
	v9 =	vmul.f32 v22, v24;
	v3 =	vadd.f32 v3, v4;
	v2 =	vadd.f32 v10, v2  }
0x88: {  	v29 =	vld [tilespmem:s17+$0x1C0];
	v30 =	vbroadcast v1, $0x6;
	v7 =	vmul.f32 v23, v27  }
0x89: {  	v32 =	vld [tilespmem:s17+$0x1E0];
	v6 =	vmul.f32 v25, v27;
	v3 =	vadd.f32 v8, v3;
	v2 =	vadd.f32 v9, v2  }
0x8a: {  	v33 =	vld [tilespmem:s17+$0x1F0];
	v34 =	vbroadcast v1, $0x7;
	v5 =	vmul.f32 v26, v30  }
0x8b: {  	v35 =	vld [tilespmem:s17+$0x200];
	v10 =	vmul.f32 v28, v30;
	v3 =	vadd.f32 v7, v3;
	v2 =	vadd.f32 v6, v2  }
0x8c: {  	v36 =	vbroadcast v1, $0x8;
	v37 =	vld [tilespmem:s17+$0x210];
	v12 =	vmul.f32 v31, v34  }
0x8d: {  	v40 =	vld [tilespmem:s17+$0x230];
	v4 =	vmul.f32 v29, v34;
	v3 =	vadd.f32 v5, v3;
	v2 =	vadd.f32 v10, v2  }
0x8e: {  	v38 =	vld [tilespmem:s17+$0x220];
	v39 =	vbroadcast v1, $0x9;
	v8 =	vmul.f32 v32, v36  }
0x8f: {  	v41 =	vld [tilespmem:s17+$0x240];
	v7 =	vmul.f32 v33, v36;
	v3 =	vadd.f32 v4, v3;
	v2 =	vadd.f32 v12, v2  }
0x90: {  	v42 =	vbroadcast v1, $0xA;
	v43 =	vld [tilespmem:s17+$0x250];
	v6 =	vmul.f32 v35, v39  }
0x91: {  	v44 =	vld [tilespmem:s17+$0x260];
	v10 =	vmul.f32 v37, v39;
	v3 =	vadd.f32 v8, v3;
	v2 =	vadd.f32 v7, v2  }
0x92: {  	v45 =	vbroadcast v1, $0xB;
	v46 =	vld [tilespmem:s17+$0x270];
	v9 =	vmul.f32 v40, v42  }
0x93: {  	v47 =	vld [tilespmem:s17+$0x280];
	v5 =	vmul.f32 v38, v42;
	v3 =	vadd.f32 v6, v3;
	v2 =	vadd.f32 v10, v2  }
0x94: {  	v48 =	vbroadcast v1, $0xC;
	v49 =	vld [tilespmem:s17+$0x290];
	v4 =	vmul.f32 v41, v45  }
0x95: {  	v50 =	vld [tilespmem:s17+$0x2A0];
	v8 =	vmul.f32 v43, v45;
	v3 =	vadd.f32 v5, v3;
	v2 =	vadd.f32 v9, v2  }
0x96: {  	v51 =	vbroadcast v1, $0xD;
	v52 =	vld [tilespmem:s17+$0x2B0];
	v7 =	vmul.f32 v44, v48  }
0x97: {  	v53 =	vld [tilespmem:s17+$0x2C0];
	v10 =	vmul.f32 v46, v48;
	v3 =	vadd.f32 v4, v3;
	v2 =	vadd.f32 v8, v2  }
0x98: {  	v54 =	vbroadcast v1, $0xE;
	v55 =	vld [tilespmem:s17+$0x2D0];
	v6 =	vmul.f32 v47, v51  }
0x99: {  	v56 =	vld [tilespmem:s17+$0x2E0];
	v9 =	vmul.f32 v49, v51;
	v3 =	vadd.f32 v7, v3;
	v2 =	vadd.f32 v10, v2  }
0x9a: {  	v1 =	vbroadcast v1, $0xF;
	v57 =	vld [tilespmem:s17+$0x2F0];
	v5 =	vmul.f32 v50, v54  }
0x9b: {  	v58 =	vld [tilespmem:s17+$0x300];
	v8 =	vmul.f32 v52, v54;
	v3 =	vadd.f32 v6, v3;
	v2 =	vadd.f32 v9, v2  }
0x9c: {  	v59 =	vbroadcast v0, $0x0;
	v60 =	vld [tilespmem:s17+$0x310];
	v4 =	vmul.f32 v53, v1  }
0x9d: {  	v1 =	vmul.f32 v55, v1;
	v3 =	vadd.f32 v5, v3;
	v2 =	vadd.f32 v8, v2  }
0x9e: {  	v0 =	vbroadcast v0, $0x1;
	v61 =	vmul.f32 v56, v59  }
0x9f: {  	v62 =	vmul.f32 v57, v59;
	v3 =	vadd.f32 v4, v3;
	v1 =	vadd.f32 v1, v2  }
0xa0: {  	v2 =	vmul.f32 v58, v0  }
0xa1: {  	v0 =	vmul.f32 v60, v0;
	v3 =	vadd.f32 v61, v3;
	v63 =	vadd.f32 v62, v1;
	_ =	sdelay $0x1  }
0xa2: {  	s18 =	simm.s32 $0x0;
	s21 =	simm.s32 $0x80;
	s19 =	simm.s32 $0x19CE0;
	v1 =	vadd.f32 v2, v3;
	v0 =	vadd.f32 v0, v63  }
.LBB2_2:
0xa3: {  	s20 =	smov.u32 s21  }
0xa4: {  	s22 =	sshra.s32 s21, $0x2;
	s17 =	sadd.s32 $0x640, s17;
	s20 =	sadd.s32 $0x80, s21  }
0xa5: {  	p0 =	sne.s32 s21, $0x1F80;
	[tilespmem:s18+$0x1AC80] =	vst v1  }
0xa6: {  	[tilespmem:s18+$0x1AC90] =	vst v0;
	s18 =	smov.u32 s22  }
0xa7: {  	v0 =	vld [tilespmem:s19+$0xFFFFFFE0]  }
0xa8: {  	v1 =	vld [tilespmem:s19+$0x0]  }
0xa9: {  	v2 =	vld [tilespmem:s19+$0x10]  }
0xaa: {  	v3 =	vld [tilespmem:s19+$0xFFFFFFF0];
	_ =	sdelay $0x3  }
0xab: {  	v2 =	vnsel vm0, $0xFF800000, v2  }
0xac: {  	v4 =	vmax.f32 v0, v3;
	v5 =	vmax.f32 v1, v2  }
0xad: {  	v4 =	vmax.f32 v4, v5  }
0xae: {  	(xrf0) =	vmax.scan.msk.f32 $0xffff, v4;
	_ =	sdelay $0x5  }
0xaf: {  	v4, _, _ =	vpop (xrf0)  }
0xb0: {  	v4 =	vbroadcast v4, $0xF;
	_ =	sdelay $0x1  }
0xb1: {  	v0 =	vsub.f32 v0, v4;
	v3 =	vsub.f32 v3, v4  }
0xb2: {  	v1 =	vsub.f32 v1, v4;
	v2 =	vsub.f32 v2, v4  }
0xb3: {  	v0 =	vmul.f32 $1.442695020e+00, v0;
	v3 =	vmul.f32 $1.442695020e+00, v3  }
0xb4: {  	v1 =	vmul.f32 $1.442695020e+00, v1;
	v2 =	vmul.f32 $1.442695020e+00, v2  }
0xb5: {  	(erf) = vpow2.f32 v0  }
0xb6: {  	(erf) = vpow2.f32 v3  }
0xb7: {  	(erf) = vpow2.f32 v1;
	_ =	sdelay $0x1  }
0xb8: {  	(erf) = vpow2.f32 v2;
	_ =	sdelay $0x4  }
0xb9: {  	v0 =	vpop (erf)  }
0xba: {  	v1 =	vpop (erf)  }
0xbb: {  	v2 =	vadd.f32 v1, v0;
	v3 =	vpop (erf);
	_ =	sdelay $0x1  }
0xbc: {  	v2 =	vadd.f32 v2, v3;
	v4 =	vpop (erf);
	_ =	sdelay $0x1  }
0xbd: {  	v2 =	vadd.f32 v2, v4;
	_ =	sdelay $0x1  }
0xbe: {  	(xrf2) =	vadd.scan.msk.f32 $0xffff, v2;
	_ =	sdelay $0x9  }
0xbf: {  	v2, _, _ =	vpop (xrf2)  }
0xc0: {  	v2 =	vbroadcast v2, $0xF;
	_ =	sdelay $0x1  }
0xc1: {  	(erf) = vrcp.f32 v2;
	_ =	sdelay $0x6  }
0xc2: {  	v5 =	vld [tilespmem:s17+$0xFFFFFD10]  }
0xc3: {  	v6 =	vld [tilespmem:s17+$0xFFFFFCF0]  }
0xc4: {  	v7 =	vld [tilespmem:s17+$0xFFFFFCE0];
	v8 =	vpop (erf)  }
0xc5: {  	v9 =	vmul.f32 v8, v0;
	v2 =	vmul.f32 v8, v1;
	v10 =	vld [tilespmem:s17+$0xFFFFFD00]  }
0xc6: {  	v1 =	vmul.f32 v8, v3;
	v0 =	vmul.f32 v8, v4;
	v3 =	vld [tilespmem:s17+$0xFFFFFD30]  }
0xc7: {  	v4 =	vbroadcast v9, $0x0;
	v8 =	vbroadcast v9, $0x1;
	v11 =	vld [tilespmem:s17+$0xFFFFFD20]  }
0xc8: {  	v12 =	vbroadcast v9, $0x2;
	v14 =	vbroadcast v9, $0x3;
	v13 =	vld [tilespmem:s17+$0xFFFFFD50]  }
0xc9: {  	v7 =	vmul.f32 v4, v7;
	v4 =	vmul.f32 v4, v6;
	v6 =	vld [tilespmem:s17+$0xFFFFFD40]  }
0xca: {  	v5 =	vmul.f32 v8, v5;
	v10 =	vmul.f32 v8, v10;
	v8 =	vld [tilespmem:s17+$0xFFFFFD70]  }
0xcb: {  	v16 =	vbroadcast v9, $0x4;
	v7 =	vadd.f32 $0.0e+00, v7;
	v4 =	vadd.f32 $0.0e+00, v4;
	v15 =	vld [tilespmem:s17+$0xFFFFFD60]  }
0xcc: {  	v3 =	vmul.f32 v12, v3;
	v11 =	vmul.f32 v12, v11;
	v12 =	vld [tilespmem:s17+$0xFFFFFD90]  }
0xcd: {  	v7 =	vadd.f32 v7, v10;
	v4 =	vadd.f32 v4, v5;
	v5 =	vld [tilespmem:s17+$0xFFFFFD80];
	v10 =	vbroadcast v9, $0x5  }
0xce: {  	v13 =	vmul.f32 v14, v13;
	v6 =	vmul.f32 v14, v6;
	v14 =	vld [tilespmem:s17+$0xFFFFFDB0]  }
0xcf: {  	v7 =	vadd.f32 v7, v11;
	v3 =	vadd.f32 v4, v3;
	v4 =	vld [tilespmem:s17+$0xFFFFFDA0];
	v11 =	vbroadcast v9, $0x6  }
0xd0: {  	v8 =	vmul.f32 v16, v8;
	v15 =	vmul.f32 v16, v15;
	v16 =	vld [tilespmem:s17+$0xFFFFFDD0]  }
0xd1: {  	v6 =	vadd.f32 v7, v6;
	v3 =	vadd.f32 v3, v13;
	v7 =	vld [tilespmem:s17+$0xFFFFFDC0];
	v13 =	vbroadcast v9, $0x7  }
0xd2: {  	v5 =	vmul.f32 v10, v5;
	v10 =	vmul.f32 v10, v12;
	v12 =	vld [tilespmem:s17+$0xFFFFFDF0]  }
0xd3: {  	v6 =	vadd.f32 v6, v15;
	v3 =	vadd.f32 v3, v8;
	v8 =	vld [tilespmem:s17+$0xFFFFFDE0];
	v15 =	vbroadcast v9, $0x8  }
0xd4: {  	v4 =	vmul.f32 v11, v4;
	v11 =	vmul.f32 v11, v14;
	v14 =	vld [tilespmem:s17+$0xFFFFFE10]  }
0xd5: {  	v5 =	vadd.f32 v6, v5;
	v3 =	vadd.f32 v3, v10;
	v6 =	vld [tilespmem:s17+$0xFFFFFE00];
	v10 =	vbroadcast v9, $0x9  }
0xd6: {  	v7 =	vmul.f32 v13, v7;
	v13 =	vmul.f32 v13, v16;
	v16 =	vld [tilespmem:s17+$0xFFFFFE30]  }
0xd7: {  	v4 =	vadd.f32 v5, v4;
	v3 =	vadd.f32 v3, v11;
	v5 =	vld [tilespmem:s17+$0xFFFFFE20];
	v11 =	vbroadcast v9, $0xA  }
0xd8: {  	v12 =	vmul.f32 v12, v15;
	v8 =	vmul.f32 v15, v8;
	v15 =	vld [tilespmem:s17+$0xFFFFFE50]  }
0xd9: {  	v4 =	vadd.f32 v4, v7;
	v3 =	vadd.f32 v3, v13;
	v7 =	vld [tilespmem:s17+$0xFFFFFE40];
	v13 =	vbroadcast v9, $0xB  }
0xda: {  	v6 =	vmul.f32 v6, v10;
	v10 =	vmul.f32 v14, v10;
	v14 =	vld [tilespmem:s17+$0xFFFFFE70]  }
0xdb: {  	v4 =	vadd.f32 v4, v8;
	v3 =	vadd.f32 v3, v12;
	v8 =	vld [tilespmem:s17+$0xFFFFFE60];
	v12 =	vbroadcast v9, $0xC  }
0xdc: {  	v5 =	vmul.f32 v5, v11;
	v11 =	vmul.f32 v16, v11;
	v16 =	vld [tilespmem:s17+$0xFFFFFE90]  }
0xdd: {  	v4 =	vadd.f32 v4, v6;
	v3 =	vadd.f32 v3, v10;
	v6 =	vld [tilespmem:s17+$0xFFFFFE80];
	v10 =	vbroadcast v9, $0xD  }
0xde: {  	v7 =	vmul.f32 v7, v13;
	v13 =	vmul.f32 v15, v13;
	v15 =	vld [tilespmem:s17+$0xFFFFFEB0]  }
0xdf: {  	v4 =	vadd.f32 v4, v5;
	v3 =	vadd.f32 v3, v11;
	v5 =	vld [tilespmem:s17+$0xFFFFFEA0];
	v11 =	vbroadcast v9, $0xE  }
0xe0: {  	v8 =	vmul.f32 v8, v12;
	v12 =	vmul.f32 v14, v12;
	v14 =	vld [tilespmem:s17+$0xFFFFFED0]  }
0xe1: {  	v9 =	vbroadcast v9, $0xF;
	v4 =	vadd.f32 v4, v7;
	v3 =	vadd.f32 v3, v13;
	v7 =	vld [tilespmem:s17+$0xFFFFFEC0]  }
0xe2: {  	v6 =	vmul.f32 v6, v10;
	v10 =	vmul.f32 v16, v10;
	v13 =	vld [tilespmem:s17+$0xFFFFFEF0]  }
0xe3: {  	v4 =	vadd.f32 v4, v8;
	v3 =	vadd.f32 v3, v12;
	v8 =	vld [tilespmem:s17+$0xFFFFFEE0];
	v12 =	vbroadcast v2, $0x0  }
0xe4: {  	v5 =	vmul.f32 v5, v11;
	v11 =	vmul.f32 v15, v11;
	v15 =	vld [tilespmem:s17+$0xFFFFFF10]  }
0xe5: {  	v4 =	vadd.f32 v4, v6;
	v3 =	vadd.f32 v3, v10;
	v6 =	vld [tilespmem:s17+$0xFFFFFF00];
	v10 =	vbroadcast v2, $0x1  }
0xe6: {  	v7 =	vmul.f32 v7, v9;
	v9 =	vmul.f32 v14, v9;
	v14 =	vld [tilespmem:s17+$0xFFFFFF30]  }
0xe7: {  	v4 =	vadd.f32 v4, v5;
	v3 =	vadd.f32 v3, v11;
	v5 =	vld [tilespmem:s17+$0xFFFFFF20];
	v11 =	vbroadcast v2, $0x2  }
0xe8: {  	v8 =	vmul.f32 v8, v12;
	v12 =	vmul.f32 v13, v12;
	v13 =	vld [tilespmem:s17+$0xFFFFFF50]  }
0xe9: {  	v4 =	vadd.f32 v4, v7;
	v3 =	vadd.f32 v3, v9;
	v7 =	vld [tilespmem:s17+$0xFFFFFF40];
	v9 =	vbroadcast v2, $0x3  }
0xea: {  	v6 =	vmul.f32 v6, v10;
	v10 =	vmul.f32 v15, v10;
	v15 =	vld [tilespmem:s17+$0xFFFFFF70]  }
0xeb: {  	v4 =	vadd.f32 v4, v8;
	v3 =	vadd.f32 v12, v3;
	v8 =	vld [tilespmem:s17+$0xFFFFFF60];
	v12 =	vbroadcast v2, $0x4  }
0xec: {  	v5 =	vmul.f32 v5, v11;
	v11 =	vmul.f32 v14, v11;
	v14 =	vld [tilespmem:s17+$0xFFFFFF90]  }
0xed: {  	v4 =	vadd.f32 v6, v4;
	v3 =	vadd.f32 v10, v3;
	v6 =	vld [tilespmem:s17+$0xFFFFFF80];
	v10 =	vbroadcast v2, $0x5  }
0xee: {  	v7 =	vmul.f32 v7, v9;
	v9 =	vmul.f32 v13, v9;
	v13 =	vld [tilespmem:s17+$0xFFFFFFB0]  }
0xef: {  	v4 =	vadd.f32 v5, v4;
	v3 =	vadd.f32 v11, v3;
	v5 =	vld [tilespmem:s17+$0xFFFFFFA0];
	v11 =	vbroadcast v2, $0x6  }
0xf0: {  	v8 =	vmul.f32 v8, v12;
	v12 =	vmul.f32 v15, v12;
	v15 =	vld [tilespmem:s17+$0xFFFFFFD0]  }
0xf1: {  	v4 =	vadd.f32 v7, v4;
	v3 =	vadd.f32 v9, v3;
	v7 =	vld [tilespmem:s17+$0xFFFFFFC0];
	v9 =	vbroadcast v2, $0x7  }
0xf2: {  	v6 =	vmul.f32 v6, v10;
	v10 =	vmul.f32 v14, v10;
	v14 =	vld [tilespmem:s17+$0xFFFFFFF0]  }
0xf3: {  	v4 =	vadd.f32 v8, v4;
	v3 =	vadd.f32 v12, v3;
	v8 =	vld [tilespmem:s17+$0xFFFFFFE0];
	v12 =	vbroadcast v2, $0x8  }
0xf4: {  	v5 =	vmul.f32 v5, v11;
	v11 =	vmul.f32 v13, v11;
	v13 =	vld [tilespmem:s17+$0x10]  }
0xf5: {  	v4 =	vadd.f32 v6, v4;
	v3 =	vadd.f32 v10, v3;
	v6 =	vld [tilespmem:s17+$0x0];
	v10 =	vbroadcast v2, $0x9  }
0xf6: {  	v7 =	vmul.f32 v7, v9;
	v9 =	vmul.f32 v15, v9;
	v15 =	vld [tilespmem:s17+$0x30]  }
0xf7: {  	v4 =	vadd.f32 v5, v4;
	v3 =	vadd.f32 v11, v3;
	v5 =	vld [tilespmem:s17+$0x20];
	v11 =	vbroadcast v2, $0xA  }
0xf8: {  	v8 =	vmul.f32 v8, v12;
	v12 =	vmul.f32 v14, v12;
	v14 =	vld [tilespmem:s17+$0x50]  }
0xf9: {  	v4 =	vadd.f32 v7, v4;
	v3 =	vadd.f32 v9, v3;
	v7 =	vld [tilespmem:s17+$0x40];
	v9 =	vbroadcast v2, $0xB  }
0xfa: {  	v6 =	vmul.f32 v6, v10;
	v10 =	vmul.f32 v13, v10;
	v13 =	vld [tilespmem:s17+$0x70]  }
0xfb: {  	v4 =	vadd.f32 v8, v4;
	v3 =	vadd.f32 v12, v3;
	v8 =	vld [tilespmem:s17+$0x60];
	v12 =	vbroadcast v2, $0xC  }
0xfc: {  	v5 =	vmul.f32 v5, v11;
	v11 =	vmul.f32 v15, v11;
	v15 =	vld [tilespmem:s17+$0x90]  }
0xfd: {  	v4 =	vadd.f32 v6, v4;
	v3 =	vadd.f32 v10, v3;
	v6 =	vld [tilespmem:s17+$0x80];
	v10 =	vbroadcast v2, $0xD  }
0xfe: {  	v7 =	vmul.f32 v7, v9;
	v9 =	vmul.f32 v14, v9;
	v14 =	vld [tilespmem:s17+$0xB0]  }
0xff: {  	v4 =	vadd.f32 v5, v4;
	v3 =	vadd.f32 v11, v3;
	v5 =	vld [tilespmem:s17+$0xA0];
	v11 =	vbroadcast v2, $0xE  }
0x100: {  	v8 =	vmul.f32 v8, v12;
	v12 =	vmul.f32 v13, v12;
	v13 =	vld [tilespmem:s17+$0xD0]  }
0x101: {  	v2 =	vbroadcast v2, $0xF;
	v4 =	vadd.f32 v7, v4;
	v3 =	vadd.f32 v9, v3;
	v7 =	vld [tilespmem:s17+$0xC0]  }
0x102: {  	v9 =	vmul.f32 v15, v10;
	v6 =	vmul.f32 v6, v10;
	v10 =	vld [tilespmem:s17+$0xF0]  }
0x103: {  	v4 =	vadd.f32 v8, v4;
	v3 =	vadd.f32 v12, v3;
	v8 =	vld [tilespmem:s17+$0xE0];
	v12 =	vbroadcast v1, $0x0  }
0x104: {  	v5 =	vmul.f32 v5, v11;
	v11 =	vmul.f32 v14, v11;
	v14 =	vld [tilespmem:s17+$0x110]  }
0x105: {  	v4 =	vadd.f32 v6, v4;
	v3 =	vadd.f32 v9, v3;
	v6 =	vld [tilespmem:s17+$0x100];
	v9 =	vbroadcast v1, $0x1  }
0x106: {  	v7 =	vmul.f32 v7, v2;
	v2 =	vmul.f32 v13, v2;
	v13 =	vld [tilespmem:s17+$0x130]  }
0x107: {  	v4 =	vadd.f32 v5, v4;
	v3 =	vadd.f32 v11, v3;
	v5 =	vld [tilespmem:s17+$0x120];
	v11 =	vbroadcast v1, $0x2  }
0x108: {  	v10 =	vmul.f32 v10, v12;
	v8 =	vmul.f32 v8, v12;
	v12 =	vld [tilespmem:s17+$0x150]  }
0x109: {  	v4 =	vadd.f32 v7, v4;
	v2 =	vadd.f32 v2, v3;
	v3 =	vld [tilespmem:s17+$0x140];
	v7 =	vbroadcast v1, $0x3  }
0x10a: {  	v6 =	vmul.f32 v6, v9;
	v9 =	vmul.f32 v14, v9;
	v14 =	vld [tilespmem:s17+$0x170]  }
0x10b: {  	v4 =	vadd.f32 v8, v4;
	v2 =	vadd.f32 v10, v2;
	v8 =	vld [tilespmem:s17+$0x160];
	v10 =	vbroadcast v1, $0x4  }
0x10c: {  	v5 =	vmul.f32 v5, v11;
	v11 =	vmul.f32 v13, v11;
	v13 =	vld [tilespmem:s17+$0x190]  }
0x10d: {  	v4 =	vadd.f32 v6, v4;
	v2 =	vadd.f32 v9, v2;
	v6 =	vld [tilespmem:s17+$0x180];
	v9 =	vbroadcast v1, $0x5  }
0x10e: {  	v3 =	vmul.f32 v3, v7;
	v7 =	vmul.f32 v12, v7;
	v12 =	vld [tilespmem:s17+$0x1B0]  }
0x10f: {  	v4 =	vadd.f32 v5, v4;
	v2 =	vadd.f32 v11, v2;
	v5 =	vld [tilespmem:s17+$0x1A0];
	v11 =	vbroadcast v1, $0x6  }
0x110: {  	v8 =	vmul.f32 v8, v10;
	v10 =	vmul.f32 v14, v10;
	v14 =	vld [tilespmem:s17+$0x1D0]  }
0x111: {  	v3 =	vadd.f32 v3, v4;
	v2 =	vadd.f32 v7, v2;
	v4 =	vld [tilespmem:s17+$0x1C0];
	v7 =	vbroadcast v1, $0x8  }
0x112: {  	v6 =	vmul.f32 v6, v9;
	v9 =	vmul.f32 v13, v9;
	v13 =	vld [tilespmem:s17+$0x1F0]  }
0x113: {  	v3 =	vadd.f32 v8, v3;
	v2 =	vadd.f32 v10, v2;
	v8 =	vbroadcast v1, $0x7;
	v10 =	vld [tilespmem:s17+$0x1E0]  }
0x114: {  	v5 =	vmul.f32 v5, v11;
	v11 =	vmul.f32 v12, v11;
	v12 =	vld [tilespmem:s17+$0x210]  }
0x115: {  	v3 =	vadd.f32 v6, v3;
	v2 =	vadd.f32 v9, v2;
	v6 =	vld [tilespmem:s17+$0x200];
	v9 =	vbroadcast v1, $0x9  }
0x116: {  	v4 =	vmul.f32 v4, v8;
	v8 =	vmul.f32 v14, v8;
	v14 =	vld [tilespmem:s17+$0x230]  }
0x117: {  	v3 =	vadd.f32 v5, v3;
	v2 =	vadd.f32 v11, v2;
	v5 =	vld [tilespmem:s17+$0x220];
	v11 =	vbroadcast v1, $0xA  }
0x118: {  	v10 =	vmul.f32 v10, v7;
	v7 =	vmul.f32 v13, v7;
	v13 =	vld [tilespmem:s17+$0x250]  }
0x119: {  	v3 =	vadd.f32 v4, v3;
	v2 =	vadd.f32 v8, v2;
	v4 =	vld [tilespmem:s17+$0x240];
	v8 =	vbroadcast v1, $0xB  }
0x11a: {  	v6 =	vmul.f32 v6, v9;
	v9 =	vmul.f32 v12, v9;
	v12 =	vld [tilespmem:s17+$0x270]  }
0x11b: {  	v3 =	vadd.f32 v10, v3;
	v2 =	vadd.f32 v7, v2;
	v7 =	vld [tilespmem:s17+$0x260];
	v10 =	vbroadcast v1, $0xC  }
0x11c: {  	v5 =	vmul.f32 v5, v11;
	v11 =	vmul.f32 v14, v11;
	v14 =	vld [tilespmem:s17+$0x290]  }
0x11d: {  	v3 =	vadd.f32 v6, v3;
	v2 =	vadd.f32 v9, v2;
	v6 =	vld [tilespmem:s17+$0x280];
	v9 =	vbroadcast v1, $0xD  }
0x11e: {  	v4 =	vmul.f32 v4, v8;
	v8 =	vmul.f32 v13, v8;
	v13 =	vld [tilespmem:s17+$0x2B0]  }
0x11f: {  	v3 =	vadd.f32 v5, v3;
	v2 =	vadd.f32 v11, v2;
	v5 =	vld [tilespmem:s17+$0x2A0];
	v11 =	vbroadcast v1, $0xE  }
0x120: {  	v7 =	vmul.f32 v7, v10;
	v10 =	vmul.f32 v12, v10;
	v12 =	vld [tilespmem:s17+$0x2D0]  }
0x121: {  	v1 =	vbroadcast v1, $0xF;
	v3 =	vadd.f32 v4, v3;
	v2 =	vadd.f32 v8, v2;
	v4 =	vld [tilespmem:s17+$0x2C0]  }
0x122: {  	v8 =	vmul.f32 v14, v9;
	v6 =	vmul.f32 v6, v9;
	v9 =	vld [tilespmem:s17+$0x2F0]  }
0x123: {  	v3 =	vadd.f32 v7, v3;
	v2 =	vadd.f32 v10, v2;
	v7 =	vld [tilespmem:s17+$0x2E0];
	v10 =	vbroadcast v0, $0x0  }
0x124: {  	v5 =	vmul.f32 v5, v11;
	v11 =	vmul.f32 v13, v11;
	v13 =	vld [tilespmem:s17+$0x310]  }
0x125: {  	v0 =	vbroadcast v0, $0x1;
	v3 =	vadd.f32 v6, v3;
	v2 =	vadd.f32 v8, v2;
	v6 =	vld [tilespmem:s17+$0x300]  }
0x126: {  	v4 =	vmul.f32 v4, v1;
	v1 =	vmul.f32 v12, v1  }
0x127: {  	v3 =	vadd.f32 v5, v3;
	v2 =	vadd.f32 v11, v2  }
0x128: {  	v5 =	vmul.f32 v7, v10;
	v7 =	vmul.f32 v9, v10  }
.Ltmp0:
0x129: {  	v3 =	vadd.f32 v4, v3;
	v1 =	vadd.f32 v1, v2;
	(pc) =	sbr.rel @p0 .LBB2_2-.Ltmp0, $3  }
0x12a: {  	v2 =	vmul.f32 v6, v0;
	v0 =	vmul.f32 v13, v0  }
0x12b: {  	v3 =	vadd.f32 v5, v3;
	v4 =	vadd.f32 v7, v1;
	_ =	sdelay $0x1  }
0x12c: {  	s21 =	smov.u32 s20;
	s19 =	sadd.s32 $0x40, s19;
	v1 =	vadd.f32 v2, v3;
	v0 =	vadd.f32 v0, v4  }
0x12d: {  	_ = 	snop  }
0x12e: {  	[tilespmem:s18+$0x1AC80] =	vst v1  }
0x12f: {  	s17 =	simm.s32 $0x0;
	[tilespmem:s18+$0x1AC90] =	vst v0  }
0x130: {  	[hbm4b:s6+s17] =	stream.linear.scatter [tilespmem:s15], [sflag:$0x2], $0x800, $0x38;
	[tilespmem:$0x1B480] =	vst v63  }
0x131: {  	_ =	swait.ge [sflag:s11], $0x800  }
0x132: {  	[sflag:s11] =	ssyncset.done $0x0  }
0x133: {  	[sflag:s11] =	ssyncadd.s32 $0xFFFFF800  }
0x134: {  	[tilespmem:s17], [sflag:$0x2] =	stream.linear.gather [hbm4b:s7+s17], $0xC80, $0x38;
	[tilespmem:$0x1B480] =	vst v63  }
0x135: {  	_ =	swait.ge [sflag:s11], $0xC80  }
0x136: {  	[sflag:s11] =	ssyncset.done $0x0  }
0x137: {  	[sflag:s11] =	ssyncadd.s32 $0xFFFFF380  }
0x138: {  	[tilespmem:s12], [sflag:$0x2] =	stream.linear.gather [hbm4b:s8+s17], $0x1000, $0x38;
	[tilespmem:$0x1B480] =	vst v63  }
0x139: {  	_ =	swait.ge [sflag:s11], $0x1000  }
0x13a: {  	[sflag:s11] =	ssyncset.done $0x0  }
0x13b: {  	[sflag:s11] =	ssyncadd.s32 $0xFFFFF000  }
0x13c: {  	[tilespmem:s13], [sflag:$0x1] =	stream.indirect.gather [hbm4b:s3+s13], $0x20, s17, s13, $0xb8;
	[tilespmem:$0x1B480] =	vst v63  }
0x13d: {  	_ =	swait.ge [sflag:s14], $0x19000  }
0x13e: {  	[sflag:s14] =	ssyncset.done $0x0  }
0x13f: {  	s31 =	simm.s32 $0x19CA0;
	[sflag:s14] =	ssyncadd.s32 $0xFFFE7000  }
0x140: {  	v0 =	vld [tilespmem:s31+$0xFFFFFFE0]  }
0x141: {  	v1 =	vld [tilespmem:s31+$0x0]  }
0x142: {  	v2 =	vld [tilespmem:s31+$0x10]  }
0x143: {  	v3 =	vld [tilespmem:s31+$0xFFFFFFF0];
	_ =	sdelay $0x3  }
0x144: {  	v2 =	vnsel vm0, $0xFF800000, v2  }
0x145: {  	v4 =	vmax.f32 v0, v3;
	v5 =	vmax.f32 v1, v2  }
0x146: {  	v4 =	vmax.f32 v4, v5  }
0x147: {  	(xrf0) =	vmax.scan.msk.f32 $0xffff, v4;
	_ =	sdelay $0x5  }
0x148: {  	v4, _, _ =	vpop (xrf0)  }
0x149: {  	v4 =	vbroadcast v4, $0xF;
	_ =	sdelay $0x1  }
0x14a: {  	v0 =	vsub.f32 v0, v4  }
0x14b: {  	v3 =	vsub.f32 v3, v4  }
0x14c: {  	v0 =	vmul.f32 $1.442695020e+00, v0  }
0x14d: {  	v1 =	vsub.f32 v1, v4;
	v3 =	vmul.f32 $1.442695020e+00, v3  }
0x14e: {  	(erf) = vpow2.f32 v0  }
0x14f: {  	v1 =	vmul.f32 $1.442695020e+00, v1;
	v0 =	vsub.f32 v2, v4;
	(erf) = vpow2.f32 v3;
	_ =	sdelay $0x1  }
0x150: {  	v0 =	vmul.f32 $1.442695020e+00, v0;
	(erf) = vpow2.f32 v1;
	_ =	sdelay $0x1  }
0x151: {  	(erf) = vpow2.f32 v0;
	_ =	sdelay $0x3  }
0x152: {  	v0 =	vpop (erf)  }
0x153: {  	v1 =	vpop (erf)  }
0x154: {  	v2 =	vadd.f32 v1, v0  }
0x155: {  	v3 =	vpop (erf)  }
0x156: {  	v2 =	vadd.f32 v2, v3  }
0x157: {  	v20 =	vpop (erf)  }
0x158: {  	v2 =	vadd.f32 v2, v20;
	_ =	sdelay $0x1  }
0x159: {  	(xrf2) =	vadd.scan.msk.f32 $0xffff, v2;
	_ =	sdelay $0x9  }
0x15a: {  	v2, _, _ =	vpop (xrf2)  }
0x15b: {  	v2 =	vbroadcast v2, $0xF;
	_ =	sdelay $0x1  }
0x15c: {  	(erf) = vrcp.f32 v2;
	_ =	sdelay $0x6  }
0x15d: {  	s17 =	simm.s32 $0xFA0  }
0x15e: {  	v21 =	vld [tilespmem:s17+$0xFFFFFCF0]  }
0x15f: {  	v6 =	vld [tilespmem:s17+$0xFFFFFCE0];
	v7 =	vpop (erf)  }
0x160: {  	v9 =	vld [tilespmem:s17+$0xFFFFFD00];
	v8 =	vmul.f32 v7, v0  }
0x161: {  	v10 =	vld [tilespmem:s17+$0xFFFFFD10];
	v2 =	vmul.f32 v7, v1  }
0x162: {  	v11 =	vld [tilespmem:s17+$0xFFFFFD20];
	v1 =	vmul.f32 v7, v3;
	v3 =	vbroadcast v8, $0x0  }
0x163: {  	v22 =	vld [tilespmem:s17+$0xFFFFFD30];
	v0 =	vmul.f32 v7, v20;
	v23 =	vbroadcast v8, $0x1  }
0x164: {  	v24 =	vld [tilespmem:s17+$0xFFFFFD40];
	v6 =	vmul.f32 v3, v6;
	v3 =	vmul.f32 v3, v21  }
0x165: {  	v13 =	vld [tilespmem:s17+$0xFFFFFD50];
	v12 =	vbroadcast v8, $0x2;
	v9 =	vmul.f32 v23, v9  }
0x166: {  	v25 =	vld [tilespmem:s17+$0xFFFFFD60];
	v7 =	vmul.f32 v23, v10;
	v6 =	vadd.f32 $0.0e+00, v6;
	v3 =	vadd.f32 $0.0e+00, v3  }
0x167: {  	v15 =	vld [tilespmem:s17+$0xFFFFFD70];
	v14 =	vbroadcast v8, $0x3;
	v11 =	vmul.f32 v12, v11  }
0x168: {  	v26 =	vld [tilespmem:s17+$0xFFFFFD80];
	v4 =	vmul.f32 v12, v22;
	v6 =	vadd.f32 v6, v9;
	v3 =	vadd.f32 v3, v7  }
0x169: {  	v28 =	vld [tilespmem:s17+$0xFFFFFD90];
	v27 =	vbroadcast v8, $0x4;
	v5 =	vmul.f32 v14, v24  }
0x16a: {  	v29 =	vld [tilespmem:s17+$0xFFFFFDA0];
	v13 =	vmul.f32 v14, v13;
	v6 =	vadd.f32 v6, v11;
	v3 =	vadd.f32 v3, v4  }
0x16b: {  	v31 =	vld [tilespmem:s17+$0xFFFFFDB0];
	v30 =	vbroadcast v8, $0x5;
	v10 =	vmul.f32 v27, v25  }
0x16c: {  	v32 =	vld [tilespmem:s17+$0xFFFFFDC0];
	v9 =	vmul.f32 v27, v15;
	v5 =	vadd.f32 v6, v5;
	v3 =	vadd.f32 v3, v13  }
0x16d: {  	v34 =	vld [tilespmem:s17+$0xFFFFFDD0];
	v33 =	vbroadcast v8, $0x6;
	v7 =	vmul.f32 v30, v26  }
0x16e: {  	v35 =	vld [tilespmem:s17+$0xFFFFFDE0];
	v11 =	vmul.f32 v30, v28;
	v5 =	vadd.f32 v5, v10;
	v3 =	vadd.f32 v3, v9  }
0x16f: {  	v37 =	vld [tilespmem:s17+$0xFFFFFDF0];
	v36 =	vbroadcast v8, $0x7;
	v4 =	vmul.f32 v33, v29  }
0x170: {  	v38 =	vld [tilespmem:s17+$0xFFFFFE00];
	v13 =	vmul.f32 v33, v31;
	v5 =	vadd.f32 v5, v7;
	v3 =	vadd.f32 v3, v11  }
0x171: {  	v40 =	vld [tilespmem:s17+$0xFFFFFE10];
	v39 =	vbroadcast v8, $0x8;
	v6 =	vmul.f32 v36, v32  }
0x172: {  	v41 =	vld [tilespmem:s17+$0xFFFFFE20];
	v10 =	vmul.f32 v36, v34;
	v4 =	vadd.f32 v5, v4;
	v3 =	vadd.f32 v3, v13  }
0x173: {  	v43 =	vld [tilespmem:s17+$0xFFFFFE30];
	v42 =	vbroadcast v8, $0x9;
	v9 =	vmul.f32 v39, v35  }
0x174: {  	v44 =	vld [tilespmem:s17+$0xFFFFFE40];
	v11 =	vmul.f32 v37, v39;
	v4 =	vadd.f32 v4, v6;
	v3 =	vadd.f32 v3, v10  }
0x175: {  	v46 =	vld [tilespmem:s17+$0xFFFFFE50];
	v45 =	vbroadcast v8, $0xA;
	v7 =	vmul.f32 v38, v42  }
0x176: {  	v47 =	vld [tilespmem:s17+$0xFFFFFE60];
	v13 =	vmul.f32 v40, v42;
	v4 =	vadd.f32 v4, v9;
	v3 =	vadd.f32 v3, v11  }
0x177: {  	v49 =	vld [tilespmem:s17+$0xFFFFFE70];
	v48 =	vbroadcast v8, $0xB;
	v5 =	vmul.f32 v41, v45  }
0x178: {  	v50 =	vld [tilespmem:s17+$0xFFFFFE80];
	v10 =	vmul.f32 v43, v45;
	v4 =	vadd.f32 v4, v7;
	v3 =	vadd.f32 v3, v13  }
0x179: {  	v52 =	vld [tilespmem:s17+$0xFFFFFE90];
	v51 =	vbroadcast v8, $0xC;
	v6 =	vmul.f32 v44, v48  }
0x17a: {  	v53 =	vld [tilespmem:s17+$0xFFFFFEA0];
	v11 =	vmul.f32 v46, v48;
	v4 =	vadd.f32 v4, v5;
	v3 =	vadd.f32 v3, v10  }
0x17b: {  	v55 =	vld [tilespmem:s17+$0xFFFFFEB0];
	v54 =	vbroadcast v8, $0xD;
	v9 =	vmul.f32 v47, v51  }
0x17c: {  	v56 =	vld [tilespmem:s17+$0xFFFFFEC0];
	v13 =	vmul.f32 v49, v51;
	v4 =	vadd.f32 v4, v6;
	v3 =	vadd.f32 v3, v11  }
0x17d: {  	v58 =	vld [tilespmem:s17+$0xFFFFFED0];
	v57 =	vbroadcast v8, $0xE;
	v7 =	vmul.f32 v50, v54  }
0x17e: {  	v59 =	vld [tilespmem:s17+$0xFFFFFEE0];
	v10 =	vmul.f32 v52, v54;
	v4 =	vadd.f32 v4, v9;
	v3 =	vadd.f32 v3, v13  }
0x17f: {  	v60 =	vld [tilespmem:s17+$0xFFFFFEF0];
	v8 =	vbroadcast v8, $0xF;
	v5 =	vmul.f32 v53, v57  }
0x180: {  	v61 =	vld [tilespmem:s17+$0xFFFFFF00];
	v11 =	vmul.f32 v55, v57;
	v4 =	vadd.f32 v4, v7;
	v3 =	vadd.f32 v3, v10  }
0x181: {  	v63 =	vld [tilespmem:s17+$0xFFFFFF10];
	v62 =	vbroadcast v2, $0x0;
	v6 =	vmul.f32 v56, v8  }
0x182: {  	v16 =	vld [tilespmem:s17+$0xFFFFFF20];
	v8 =	vmul.f32 v58, v8;
	v4 =	vadd.f32 v4, v5;
	v3 =	vadd.f32 v3, v11  }
0x183: {  	v18 =	vld [tilespmem:s17+$0xFFFFFF30];
	v17 =	vbroadcast v2, $0x1;
	v9 =	vmul.f32 v59, v62  }
0x184: {  	v19 =	vld [tilespmem:s17+$0xFFFFFF40];
	v10 =	vmul.f32 v60, v62;
	v4 =	vadd.f32 v4, v6;
	v3 =	vadd.f32 v3, v8  }
0x185: {  	v20 =	vbroadcast v2, $0x2;
	v21 =	vld [tilespmem:s17+$0xFFFFFF50];
	v7 =	vmul.f32 v61, v17  }
0x186: {  	v22 =	vld [tilespmem:s17+$0xFFFFFF60];
	v11 =	vmul.f32 v63, v17;
	v4 =	vadd.f32 v4, v9;
	v3 =	vadd.f32 v10, v3  }
0x187: {  	v23 =	vbroadcast v2, $0x3;
	v24 =	vld [tilespmem:s17+$0xFFFFFF70];
	v5 =	vmul.f32 v16, v20  }
0x188: {  	v25 =	vld [tilespmem:s17+$0xFFFFFF80];
	v8 =	vmul.f32 v18, v20;
	v4 =	vadd.f32 v7, v4;
	v3 =	vadd.f32 v11, v3  }
0x189: {  	v26 =	vbroadcast v2, $0x4;
	v27 =	vld [tilespmem:s17+$0xFFFFFF90];
	v6 =	vmul.f32 v19, v23  }
0x18a: {  	v28 =	vld [tilespmem:s17+$0xFFFFFFA0];
	v10 =	vmul.f32 v21, v23;
	v4 =	vadd.f32 v5, v4;
	v3 =	vadd.f32 v8, v3  }
0x18b: {  	v29 =	vbroadcast v2, $0x5;
	v30 =	vld [tilespmem:s17+$0xFFFFFFB0];
	v9 =	vmul.f32 v22, v26  }
0x18c: {  	v31 =	vld [tilespmem:s17+$0xFFFFFFC0];
	v11 =	vmul.f32 v24, v26;
	v4 =	vadd.f32 v6, v4;
	v3 =	vadd.f32 v10, v3  }
0x18d: {  	v32 =	vbroadcast v2, $0x6;
	v33 =	vld [tilespmem:s17+$0xFFFFFFD0];
	v7 =	vmul.f32 v25, v29  }
0x18e: {  	v34 =	vld [tilespmem:s17+$0xFFFFFFE0];
	v8 =	vmul.f32 v27, v29;
	v4 =	vadd.f32 v9, v4;
	v3 =	vadd.f32 v11, v3  }
0x18f: {  	v35 =	vbroadcast v2, $0x7;
	v36 =	vld [tilespmem:s17+$0xFFFFFFF0];
	v5 =	vmul.f32 v28, v32  }
0x190: {  	v37 =	vld [tilespmem:s17+$0x0];
	v10 =	vmul.f32 v30, v32;
	v4 =	vadd.f32 v7, v4;
	v3 =	vadd.f32 v8, v3  }
0x191: {  	v38 =	vbroadcast v2, $0x8;
	v39 =	vld [tilespmem:s17+$0x10];
	v6 =	vmul.f32 v31, v35  }
0x192: {  	v40 =	vld [tilespmem:s17+$0x20];
	v11 =	vmul.f32 v33, v35;
	v4 =	vadd.f32 v5, v4;
	v3 =	vadd.f32 v10, v3  }
0x193: {  	v41 =	vbroadcast v2, $0x9;
	v42 =	vld [tilespmem:s17+$0x30];
	v9 =	vmul.f32 v34, v38  }
0x194: {  	v43 =	vld [tilespmem:s17+$0x40];
	v8 =	vmul.f32 v36, v38;
	v4 =	vadd.f32 v6, v4;
	v3 =	vadd.f32 v11, v3  }
0x195: {  	v44 =	vbroadcast v2, $0xA;
	v45 =	vld [tilespmem:s17+$0x50];
	v7 =	vmul.f32 v37, v41  }
0x196: {  	v46 =	vld [tilespmem:s17+$0x60];
	v10 =	vmul.f32 v39, v41;
	v4 =	vadd.f32 v9, v4;
	v3 =	vadd.f32 v8, v3  }
0x197: {  	v47 =	vbroadcast v2, $0xB;
	v48 =	vld [tilespmem:s17+$0x70];
	v5 =	vmul.f32 v40, v44  }
0x198: {  	v49 =	vld [tilespmem:s17+$0x80];
	v11 =	vmul.f32 v42, v44;
	v4 =	vadd.f32 v7, v4;
	v3 =	vadd.f32 v10, v3  }
0x199: {  	v50 =	vbroadcast v2, $0xC;
	v51 =	vld [tilespmem:s17+$0x90];
	v6 =	vmul.f32 v43, v47  }
0x19a: {  	v52 =	vld [tilespmem:s17+$0xA0];
	v9 =	vmul.f32 v45, v47;
	v4 =	vadd.f32 v5, v4;
	v3 =	vadd.f32 v11, v3  }
0x19b: {  	v53 =	vbroadcast v2, $0xD;
	v54 =	vld [tilespmem:s17+$0xB0];
	v8 =	vmul.f32 v46, v50  }
0x19c: {  	v55 =	vld [tilespmem:s17+$0xC0];
	v10 =	vmul.f32 v48, v50;
	v4 =	vadd.f32 v6, v4;
	v3 =	vadd.f32 v9, v3  }
0x19d: {  	v56 =	vbroadcast v2, $0xE;
	v57 =	vld [tilespmem:s17+$0xD0];
	v7 =	vmul.f32 v49, v53  }
0x19e: {  	v58 =	vld [tilespmem:s17+$0xE0];
	v11 =	vmul.f32 v51, v53;
	v4 =	vadd.f32 v8, v4;
	v3 =	vadd.f32 v10, v3  }
0x19f: {  	v2 =	vbroadcast v2, $0xF;
	v59 =	vld [tilespmem:s17+$0xF0];
	v5 =	vmul.f32 v52, v56  }
0x1a0: {  	v60 =	vld [tilespmem:s17+$0x100];
	v9 =	vmul.f32 v54, v56;
	v4 =	vadd.f32 v7, v4;
	v3 =	vadd.f32 v11, v3  }
0x1a1: {  	v61 =	vbroadcast v1, $0x0;
	v62 =	vld [tilespmem:s17+$0x110];
	v6 =	vmul.f32 v55, v2  }
0x1a2: {  	v63 =	vld [tilespmem:s17+$0x120];
	v2 =	vmul.f32 v57, v2;
	v4 =	vadd.f32 v5, v4;
	v3 =	vadd.f32 v9, v3  }
0x1a3: {  	v16 =	vbroadcast v1, $0x1;
	v17 =	vld [tilespmem:s17+$0x130];
	v8 =	vmul.f32 v58, v61  }
0x1a4: {  	v19 =	vld [tilespmem:s17+$0x150];
	v10 =	vmul.f32 v59, v61;
	v4 =	vadd.f32 v6, v4;
	v2 =	vadd.f32 v2, v3  }
0x1a5: {  	v18 =	vbroadcast v1, $0x2;
	v7 =	vmul.f32 v60, v16;
	v3 =	vld [tilespmem:s17+$0x140]  }
0x1a6: {  	v20 =	vld [tilespmem:s17+$0x160];
	v9 =	vmul.f32 v62, v16;
	v4 =	vadd.f32 v8, v4;
	v2 =	vadd.f32 v10, v2  }
0x1a7: {  	v21 =	vbroadcast v1, $0x3;
	v22 =	vld [tilespmem:s17+$0x170];
	v5 =	vmul.f32 v63, v18  }
0x1a8: {  	v23 =	vld [tilespmem:s17+$0x180];
	v6 =	vmul.f32 v17, v18;
	v4 =	vadd.f32 v7, v4;
	v2 =	vadd.f32 v9, v2  }
0x1a9: {  	v24 =	vbroadcast v1, $0x4;
	v25 =	vld [tilespmem:s17+$0x190];
	v10 =	vmul.f32 v19, v21  }
0x1aa: {  	v26 =	vld [tilespmem:s17+$0x1A0];
	v3 =	vmul.f32 v3, v21;
	v4 =	vadd.f32 v5, v4;
	v2 =	vadd.f32 v6, v2  }
0x1ab: {  	v27 =	vbroadcast v1, $0x5;
	v28 =	vld [tilespmem:s17+$0x1B0];
	v8 =	vmul.f32 v20, v24  }
0x1ac: {  	v31 =	vld [tilespmem:s17+$0x1D0];
	v9 =	vmul.f32 v22, v24;
	v3 =	vadd.f32 v3, v4;
	v2 =	vadd.f32 v10, v2  }
0x1ad: {  	v29 =	vld [tilespmem:s17+$0x1C0];
	v30 =	vbroadcast v1, $0x6;
	v7 =	vmul.f32 v23, v27  }
0x1ae: {  	v32 =	vld [tilespmem:s17+$0x1E0];
	v6 =	vmul.f32 v25, v27;
	v3 =	vadd.f32 v8, v3;
	v2 =	vadd.f32 v9, v2  }
0x1af: {  	v33 =	vld [tilespmem:s17+$0x1F0];
	v34 =	vbroadcast v1, $0x7;
	v5 =	vmul.f32 v26, v30  }
0x1b0: {  	v35 =	vld [tilespmem:s17+$0x200];
	v10 =	vmul.f32 v28, v30;
	v3 =	vadd.f32 v7, v3;
	v2 =	vadd.f32 v6, v2  }
0x1b1: {  	v36 =	vbroadcast v1, $0x8;
	v37 =	vld [tilespmem:s17+$0x210];
	v12 =	vmul.f32 v31, v34  }
0x1b2: {  	v40 =	vld [tilespmem:s17+$0x230];
	v4 =	vmul.f32 v29, v34;
	v3 =	vadd.f32 v5, v3;
	v2 =	vadd.f32 v10, v2  }
0x1b3: {  	v38 =	vld [tilespmem:s17+$0x220];
	v39 =	vbroadcast v1, $0x9;
	v8 =	vmul.f32 v32, v36  }
0x1b4: {  	v41 =	vld [tilespmem:s17+$0x240];
	v7 =	vmul.f32 v33, v36;
	v3 =	vadd.f32 v4, v3;
	v2 =	vadd.f32 v12, v2  }
0x1b5: {  	v42 =	vbroadcast v1, $0xA;
	v43 =	vld [tilespmem:s17+$0x250];
	v6 =	vmul.f32 v35, v39  }
0x1b6: {  	v44 =	vld [tilespmem:s17+$0x260];
	v10 =	vmul.f32 v37, v39;
	v3 =	vadd.f32 v8, v3;
	v2 =	vadd.f32 v7, v2  }
0x1b7: {  	v45 =	vbroadcast v1, $0xB;
	v46 =	vld [tilespmem:s17+$0x270];
	v9 =	vmul.f32 v40, v42  }
0x1b8: {  	v47 =	vld [tilespmem:s17+$0x280];
	v5 =	vmul.f32 v38, v42;
	v3 =	vadd.f32 v6, v3;
	v2 =	vadd.f32 v10, v2  }
0x1b9: {  	v48 =	vbroadcast v1, $0xC;
	v49 =	vld [tilespmem:s17+$0x290];
	v4 =	vmul.f32 v41, v45  }
0x1ba: {  	v50 =	vld [tilespmem:s17+$0x2A0];
	v8 =	vmul.f32 v43, v45;
	v3 =	vadd.f32 v5, v3;
	v2 =	vadd.f32 v9, v2  }
0x1bb: {  	v51 =	vbroadcast v1, $0xD;
	v52 =	vld [tilespmem:s17+$0x2B0];
	v7 =	vmul.f32 v44, v48  }
0x1bc: {  	v53 =	vld [tilespmem:s17+$0x2C0];
	v10 =	vmul.f32 v46, v48;
	v3 =	vadd.f32 v4, v3;
	v2 =	vadd.f32 v8, v2  }
0x1bd: {  	v54 =	vbroadcast v1, $0xE;
	v55 =	vld [tilespmem:s17+$0x2D0];
	v6 =	vmul.f32 v47, v51  }
0x1be: {  	v56 =	vld [tilespmem:s17+$0x2E0];
	v9 =	vmul.f32 v49, v51;
	v3 =	vadd.f32 v7, v3;
	v2 =	vadd.f32 v10, v2  }
0x1bf: {  	v1 =	vbroadcast v1, $0xF;
	v57 =	vld [tilespmem:s17+$0x2F0];
	v5 =	vmul.f32 v50, v54  }
0x1c0: {  	v58 =	vld [tilespmem:s17+$0x300];
	v8 =	vmul.f32 v52, v54;
	v3 =	vadd.f32 v6, v3;
	v2 =	vadd.f32 v9, v2  }
0x1c1: {  	v59 =	vbroadcast v0, $0x0;
	v60 =	vld [tilespmem:s17+$0x310];
	v4 =	vmul.f32 v53, v1  }
0x1c2: {  	v1 =	vmul.f32 v55, v1;
	v3 =	vadd.f32 v5, v3;
	v2 =	vadd.f32 v8, v2  }
0x1c3: {  	v0 =	vbroadcast v0, $0x1;
	v61 =	vmul.f32 v56, v59  }
0x1c4: {  	v62 =	vmul.f32 v57, v59;
	v3 =	vadd.f32 v4, v3;
	v1 =	vadd.f32 v1, v2  }
0x1c5: {  	v2 =	vmul.f32 v58, v0  }
0x1c6: {  	v0 =	vmul.f32 v60, v0;
	v3 =	vadd.f32 v61, v3;
	v63 =	vadd.f32 v62, v1;
	_ =	sdelay $0x1  }
0x1c7: {  	s21 =	simm.s32 $0x80;
	s19 =	simm.s32 $0x19CE0;
	s18 =	simm.s32 $0x0;
	v1 =	vadd.f32 v2, v3;
	v0 =	vadd.f32 v0, v63  }
.LBB2_4:
0x1c8: {  	s20 =	smov.u32 s21  }
0x1c9: {  	s22 =	sshra.s32 s21, $0x2;
	s17 =	sadd.s32 $0x640, s17;
	s20 =	sadd.s32 $0x80, s21  }
0x1ca: {  	p0 =	sne.s32 s21, $0x1F80;
	[tilespmem:s18+$0x1AC80] =	vst v1  }
0x1cb: {  	[tilespmem:s18+$0x1AC90] =	vst v0;
	s18 =	smov.u32 s22  }
0x1cc: {  	v0 =	vld [tilespmem:s19+$0xFFFFFFE0]  }
0x1cd: {  	v1 =	vld [tilespmem:s19+$0x0]  }
0x1ce: {  	v2 =	vld [tilespmem:s19+$0x10]  }
0x1cf: {  	v3 =	vld [tilespmem:s19+$0xFFFFFFF0];
	_ =	sdelay $0x3  }
0x1d0: {  	v2 =	vnsel vm0, $0xFF800000, v2  }
0x1d1: {  	v4 =	vmax.f32 v0, v3;
	v5 =	vmax.f32 v1, v2  }
0x1d2: {  	v4 =	vmax.f32 v4, v5  }
0x1d3: {  	(xrf0) =	vmax.scan.msk.f32 $0xffff, v4;
	_ =	sdelay $0x5  }
0x1d4: {  	v4, _, _ =	vpop (xrf0)  }
0x1d5: {  	v4 =	vbroadcast v4, $0xF;
	_ =	sdelay $0x1  }
0x1d6: {  	v0 =	vsub.f32 v0, v4;
	v3 =	vsub.f32 v3, v4  }
0x1d7: {  	v1 =	vsub.f32 v1, v4;
	v2 =	vsub.f32 v2, v4  }
0x1d8: {  	v0 =	vmul.f32 $1.442695020e+00, v0;
	v3 =	vmul.f32 $1.442695020e+00, v3  }
0x1d9: {  	v1 =	vmul.f32 $1.442695020e+00, v1;
	v2 =	vmul.f32 $1.442695020e+00, v2  }
0x1da: {  	(erf) = vpow2.f32 v0  }
0x1db: {  	(erf) = vpow2.f32 v3  }
0x1dc: {  	(erf) = vpow2.f32 v1;
	_ =	sdelay $0x1  }
0x1dd: {  	(erf) = vpow2.f32 v2;
	_ =	sdelay $0x4  }
0x1de: {  	v0 =	vpop (erf)  }
0x1df: {  	v1 =	vpop (erf)  }
0x1e0: {  	v2 =	vadd.f32 v1, v0;
	v3 =	vpop (erf);
	_ =	sdelay $0x1  }
0x1e1: {  	v2 =	vadd.f32 v2, v3;
	v4 =	vpop (erf);
	_ =	sdelay $0x1  }
0x1e2: {  	v2 =	vadd.f32 v2, v4;
	_ =	sdelay $0x1  }
0x1e3: {  	(xrf2) =	vadd.scan.msk.f32 $0xffff, v2;
	_ =	sdelay $0x9  }
0x1e4: {  	v2, _, _ =	vpop (xrf2)  }
0x1e5: {  	v2 =	vbroadcast v2, $0xF;
	_ =	sdelay $0x1  }
0x1e6: {  	(erf) = vrcp.f32 v2;
	_ =	sdelay $0x6  }
0x1e7: {  	v5 =	vld [tilespmem:s17+$0xFFFFFD10]  }
0x1e8: {  	v6 =	vld [tilespmem:s17+$0xFFFFFCF0]  }
0x1e9: {  	v7 =	vld [tilespmem:s17+$0xFFFFFCE0];
	v8 =	vpop (erf)  }
0x1ea: {  	v9 =	vmul.f32 v8, v0;
	v2 =	vmul.f32 v8, v1;
	v10 =	vld [tilespmem:s17+$0xFFFFFD00]  }
0x1eb: {  	v1 =	vmul.f32 v8, v3;
	v0 =	vmul.f32 v8, v4;
	v3 =	vld [tilespmem:s17+$0xFFFFFD30]  }
0x1ec: {  	v4 =	vbroadcast v9, $0x0;
	v8 =	vbroadcast v9, $0x1;
	v11 =	vld [tilespmem:s17+$0xFFFFFD20]  }
0x1ed: {  	v12 =	vbroadcast v9, $0x2;
	v14 =	vbroadcast v9, $0x3;
	v13 =	vld [tilespmem:s17+$0xFFFFFD50]  }
0x1ee: {  	v7 =	vmul.f32 v4, v7;
	v4 =	vmul.f32 v4, v6;
	v6 =	vld [tilespmem:s17+$0xFFFFFD40]  }
0x1ef: {  	v5 =	vmul.f32 v8, v5;
	v10 =	vmul.f32 v8, v10;
	v8 =	vld [tilespmem:s17+$0xFFFFFD70]  }
0x1f0: {  	v16 =	vbroadcast v9, $0x4;
	v7 =	vadd.f32 $0.0e+00, v7;
	v4 =	vadd.f32 $0.0e+00, v4;
	v15 =	vld [tilespmem:s17+$0xFFFFFD60]  }
0x1f1: {  	v3 =	vmul.f32 v12, v3;
	v11 =	vmul.f32 v12, v11;
	v12 =	vld [tilespmem:s17+$0xFFFFFD90]  }
0x1f2: {  	v7 =	vadd.f32 v7, v10;
	v4 =	vadd.f32 v4, v5;
	v5 =	vld [tilespmem:s17+$0xFFFFFD80];
	v10 =	vbroadcast v9, $0x5  }
0x1f3: {  	v13 =	vmul.f32 v14, v13;
	v6 =	vmul.f32 v14, v6;
	v14 =	vld [tilespmem:s17+$0xFFFFFDB0]  }
0x1f4: {  	v7 =	vadd.f32 v7, v11;
	v3 =	vadd.f32 v4, v3;
	v4 =	vld [tilespmem:s17+$0xFFFFFDA0];
	v11 =	vbroadcast v9, $0x6  }
0x1f5: {  	v8 =	vmul.f32 v16, v8;
	v15 =	vmul.f32 v16, v15;
	v16 =	vld [tilespmem:s17+$0xFFFFFDD0]  }
0x1f6: {  	v6 =	vadd.f32 v7, v6;
	v3 =	vadd.f32 v3, v13;
	v7 =	vld [tilespmem:s17+$0xFFFFFDC0];
	v13 =	vbroadcast v9, $0x7  }
0x1f7: {  	v5 =	vmul.f32 v10, v5;
	v10 =	vmul.f32 v10, v12;
	v12 =	vld [tilespmem:s17+$0xFFFFFDF0]  }
0x1f8: {  	v6 =	vadd.f32 v6, v15;
	v3 =	vadd.f32 v3, v8;
	v8 =	vld [tilespmem:s17+$0xFFFFFDE0];
	v15 =	vbroadcast v9, $0x8  }
0x1f9: {  	v4 =	vmul.f32 v11, v4;
	v11 =	vmul.f32 v11, v14;
	v14 =	vld [tilespmem:s17+$0xFFFFFE10]  }
0x1fa: {  	v5 =	vadd.f32 v6, v5;
	v3 =	vadd.f32 v3, v10;
	v6 =	vld [tilespmem:s17+$0xFFFFFE00];
	v10 =	vbroadcast v9, $0x9  }
0x1fb: {  	v7 =	vmul.f32 v13, v7;
	v13 =	vmul.f32 v13, v16;
	v16 =	vld [tilespmem:s17+$0xFFFFFE30]  }
0x1fc: {  	v4 =	vadd.f32 v5, v4;
	v3 =	vadd.f32 v3, v11;
	v5 =	vld [tilespmem:s17+$0xFFFFFE20];
	v11 =	vbroadcast v9, $0xA  }
0x1fd: {  	v12 =	vmul.f32 v12, v15;
	v8 =	vmul.f32 v15, v8;
	v15 =	vld [tilespmem:s17+$0xFFFFFE50]  }
0x1fe: {  	v4 =	vadd.f32 v4, v7;
	v3 =	vadd.f32 v3, v13;
	v7 =	vld [tilespmem:s17+$0xFFFFFE40];
	v13 =	vbroadcast v9, $0xB  }
0x1ff: {  	v6 =	vmul.f32 v6, v10;
	v10 =	vmul.f32 v14, v10;
	v14 =	vld [tilespmem:s17+$0xFFFFFE70]  }
0x200: {  	v4 =	vadd.f32 v4, v8;
	v3 =	vadd.f32 v3, v12;
	v8 =	vld [tilespmem:s17+$0xFFFFFE60];
	v12 =	vbroadcast v9, $0xC  }
0x201: {  	v5 =	vmul.f32 v5, v11;
	v11 =	vmul.f32 v16, v11;
	v16 =	vld [tilespmem:s17+$0xFFFFFE90]  }
0x202: {  	v4 =	vadd.f32 v4, v6;
	v3 =	vadd.f32 v3, v10;
	v6 =	vld [tilespmem:s17+$0xFFFFFE80];
	v10 =	vbroadcast v9, $0xD  }
0x203: {  	v7 =	vmul.f32 v7, v13;
	v13 =	vmul.f32 v15, v13;
	v15 =	vld [tilespmem:s17+$0xFFFFFEB0]  }
0x204: {  	v4 =	vadd.f32 v4, v5;
	v3 =	vadd.f32 v3, v11;
	v5 =	vld [tilespmem:s17+$0xFFFFFEA0];
	v11 =	vbroadcast v9, $0xE  }
0x205: {  	v8 =	vmul.f32 v8, v12;
	v12 =	vmul.f32 v14, v12;
	v14 =	vld [tilespmem:s17+$0xFFFFFED0]  }
0x206: {  	v9 =	vbroadcast v9, $0xF;
	v4 =	vadd.f32 v4, v7;
	v3 =	vadd.f32 v3, v13;
	v7 =	vld [tilespmem:s17+$0xFFFFFEC0]  }
0x207: {  	v6 =	vmul.f32 v6, v10;
	v10 =	vmul.f32 v16, v10;
	v13 =	vld [tilespmem:s17+$0xFFFFFEF0]  }
0x208: {  	v4 =	vadd.f32 v4, v8;
	v3 =	vadd.f32 v3, v12;
	v8 =	vld [tilespmem:s17+$0xFFFFFEE0];
	v12 =	vbroadcast v2, $0x0  }
0x209: {  	v5 =	vmul.f32 v5, v11;
	v11 =	vmul.f32 v15, v11;
	v15 =	vld [tilespmem:s17+$0xFFFFFF10]  }
0x20a: {  	v4 =	vadd.f32 v4, v6;
	v3 =	vadd.f32 v3, v10;
	v6 =	vld [tilespmem:s17+$0xFFFFFF00];
	v10 =	vbroadcast v2, $0x1  }
0x20b: {  	v7 =	vmul.f32 v7, v9;
	v9 =	vmul.f32 v14, v9;
	v14 =	vld [tilespmem:s17+$0xFFFFFF30]  }
0x20c: {  	v4 =	vadd.f32 v4, v5;
	v3 =	vadd.f32 v3, v11;
	v5 =	vld [tilespmem:s17+$0xFFFFFF20];
	v11 =	vbroadcast v2, $0x2  }
0x20d: {  	v8 =	vmul.f32 v8, v12;
	v12 =	vmul.f32 v13, v12;
	v13 =	vld [tilespmem:s17+$0xFFFFFF50]  }
0x20e: {  	v4 =	vadd.f32 v4, v7;
	v3 =	vadd.f32 v3, v9;
	v7 =	vld [tilespmem:s17+$0xFFFFFF40];
	v9 =	vbroadcast v2, $0x3  }
0x20f: {  	v6 =	vmul.f32 v6, v10;
	v10 =	vmul.f32 v15, v10;
	v15 =	vld [tilespmem:s17+$0xFFFFFF70]  }
0x210: {  	v4 =	vadd.f32 v4, v8;
	v3 =	vadd.f32 v12, v3;
	v8 =	vld [tilespmem:s17+$0xFFFFFF60];
	v12 =	vbroadcast v2, $0x4  }
0x211: {  	v5 =	vmul.f32 v5, v11;
	v11 =	vmul.f32 v14, v11;
	v14 =	vld [tilespmem:s17+$0xFFFFFF90]  }
0x212: {  	v4 =	vadd.f32 v6, v4;
	v3 =	vadd.f32 v10, v3;
	v6 =	vld [tilespmem:s17+$0xFFFFFF80];
	v10 =	vbroadcast v2, $0x5  }
0x213: {  	v7 =	vmul.f32 v7, v9;
	v9 =	vmul.f32 v13, v9;
	v13 =	vld [tilespmem:s17+$0xFFFFFFB0]  }
0x214: {  	v4 =	vadd.f32 v5, v4;
	v3 =	vadd.f32 v11, v3;
	v5 =	vld [tilespmem:s17+$0xFFFFFFA0];
	v11 =	vbroadcast v2, $0x6  }
0x215: {  	v8 =	vmul.f32 v8, v12;
	v12 =	vmul.f32 v15, v12;
	v15 =	vld [tilespmem:s17+$0xFFFFFFD0]  }
0x216: {  	v4 =	vadd.f32 v7, v4;
	v3 =	vadd.f32 v9, v3;
	v7 =	vld [tilespmem:s17+$0xFFFFFFC0];
	v9 =	vbroadcast v2, $0x7  }
0x217: {  	v6 =	vmul.f32 v6, v10;
	v10 =	vmul.f32 v14, v10;
	v14 =	vld [tilespmem:s17+$0xFFFFFFF0]  }
0x218: {  	v4 =	vadd.f32 v8, v4;
	v3 =	vadd.f32 v12, v3;
	v8 =	vld [tilespmem:s17+$0xFFFFFFE0];
	v12 =	vbroadcast v2, $0x8  }
0x219: {  	v5 =	vmul.f32 v5, v11;
	v11 =	vmul.f32 v13, v11;
	v13 =	vld [tilespmem:s17+$0x10]  }
0x21a: {  	v4 =	vadd.f32 v6, v4;
	v3 =	vadd.f32 v10, v3;
	v6 =	vld [tilespmem:s17+$0x0];
	v10 =	vbroadcast v2, $0x9  }
0x21b: {  	v7 =	vmul.f32 v7, v9;
	v9 =	vmul.f32 v15, v9;
	v15 =	vld [tilespmem:s17+$0x30]  }
0x21c: {  	v4 =	vadd.f32 v5, v4;
	v3 =	vadd.f32 v11, v3;
	v5 =	vld [tilespmem:s17+$0x20];
	v11 =	vbroadcast v2, $0xA  }
0x21d: {  	v8 =	vmul.f32 v8, v12;
	v12 =	vmul.f32 v14, v12;
	v14 =	vld [tilespmem:s17+$0x50]  }
0x21e: {  	v4 =	vadd.f32 v7, v4;
	v3 =	vadd.f32 v9, v3;
	v7 =	vld [tilespmem:s17+$0x40];
	v9 =	vbroadcast v2, $0xB  }
0x21f: {  	v6 =	vmul.f32 v6, v10;
	v10 =	vmul.f32 v13, v10;
	v13 =	vld [tilespmem:s17+$0x70]  }
0x220: {  	v4 =	vadd.f32 v8, v4;
	v3 =	vadd.f32 v12, v3;
	v8 =	vld [tilespmem:s17+$0x60];
	v12 =	vbroadcast v2, $0xC  }
0x221: {  	v5 =	vmul.f32 v5, v11;
	v11 =	vmul.f32 v15, v11;
	v15 =	vld [tilespmem:s17+$0x90]  }
0x222: {  	v4 =	vadd.f32 v6, v4;
	v3 =	vadd.f32 v10, v3;
	v6 =	vld [tilespmem:s17+$0x80];
	v10 =	vbroadcast v2, $0xD  }
0x223: {  	v7 =	vmul.f32 v7, v9;
	v9 =	vmul.f32 v14, v9;
	v14 =	vld [tilespmem:s17+$0xB0]  }
0x224: {  	v4 =	vadd.f32 v5, v4;
	v3 =	vadd.f32 v11, v3;
	v5 =	vld [tilespmem:s17+$0xA0];
	v11 =	vbroadcast v2, $0xE  }
0x225: {  	v8 =	vmul.f32 v8, v12;
	v12 =	vmul.f32 v13, v12;
	v13 =	vld [tilespmem:s17+$0xD0]  }
0x226: {  	v2 =	vbroadcast v2, $0xF;
	v4 =	vadd.f32 v7, v4;
	v3 =	vadd.f32 v9, v3;
	v7 =	vld [tilespmem:s17+$0xC0]  }
0x227: {  	v9 =	vmul.f32 v15, v10;
	v6 =	vmul.f32 v6, v10;
	v10 =	vld [tilespmem:s17+$0xF0]  }
0x228: {  	v4 =	vadd.f32 v8, v4;
	v3 =	vadd.f32 v12, v3;
	v8 =	vld [tilespmem:s17+$0xE0];
	v12 =	vbroadcast v1, $0x0  }
0x229: {  	v5 =	vmul.f32 v5, v11;
	v11 =	vmul.f32 v14, v11;
	v14 =	vld [tilespmem:s17+$0x110]  }
0x22a: {  	v4 =	vadd.f32 v6, v4;
	v3 =	vadd.f32 v9, v3;
	v6 =	vld [tilespmem:s17+$0x100];
	v9 =	vbroadcast v1, $0x1  }
0x22b: {  	v7 =	vmul.f32 v7, v2;
	v2 =	vmul.f32 v13, v2;
	v13 =	vld [tilespmem:s17+$0x130]  }
0x22c: {  	v4 =	vadd.f32 v5, v4;
	v3 =	vadd.f32 v11, v3;
	v5 =	vld [tilespmem:s17+$0x120];
	v11 =	vbroadcast v1, $0x2  }
0x22d: {  	v10 =	vmul.f32 v10, v12;
	v8 =	vmul.f32 v8, v12;
	v12 =	vld [tilespmem:s17+$0x150]  }
0x22e: {  	v4 =	vadd.f32 v7, v4;
	v2 =	vadd.f32 v2, v3;
	v3 =	vld [tilespmem:s17+$0x140];
	v7 =	vbroadcast v1, $0x3  }
0x22f: {  	v6 =	vmul.f32 v6, v9;
	v9 =	vmul.f32 v14, v9;
	v14 =	vld [tilespmem:s17+$0x170]  }
0x230: {  	v4 =	vadd.f32 v8, v4;
	v2 =	vadd.f32 v10, v2;
	v8 =	vld [tilespmem:s17+$0x160];
	v10 =	vbroadcast v1, $0x4  }
0x231: {  	v5 =	vmul.f32 v5, v11;
	v11 =	vmul.f32 v13, v11;
	v13 =	vld [tilespmem:s17+$0x190]  }
0x232: {  	v4 =	vadd.f32 v6, v4;
	v2 =	vadd.f32 v9, v2;
	v6 =	vld [tilespmem:s17+$0x180];
	v9 =	vbroadcast v1, $0x5  }
0x233: {  	v3 =	vmul.f32 v3, v7;
	v7 =	vmul.f32 v12, v7;
	v12 =	vld [tilespmem:s17+$0x1B0]  }
0x234: {  	v4 =	vadd.f32 v5, v4;
	v2 =	vadd.f32 v11, v2;
	v5 =	vld [tilespmem:s17+$0x1A0];
	v11 =	vbroadcast v1, $0x6  }
0x235: {  	v8 =	vmul.f32 v8, v10;
	v10 =	vmul.f32 v14, v10;
	v14 =	vld [tilespmem:s17+$0x1D0]  }
0x236: {  	v3 =	vadd.f32 v3, v4;
	v2 =	vadd.f32 v7, v2;
	v4 =	vld [tilespmem:s17+$0x1C0];
	v7 =	vbroadcast v1, $0x8  }
0x237: {  	v6 =	vmul.f32 v6, v9;
	v9 =	vmul.f32 v13, v9;
	v13 =	vld [tilespmem:s17+$0x1F0]  }
0x238: {  	v3 =	vadd.f32 v8, v3;
	v2 =	vadd.f32 v10, v2;
	v8 =	vbroadcast v1, $0x7;
	v10 =	vld [tilespmem:s17+$0x1E0]  }
0x239: {  	v5 =	vmul.f32 v5, v11;
	v11 =	vmul.f32 v12, v11;
	v12 =	vld [tilespmem:s17+$0x210]  }
0x23a: {  	v3 =	vadd.f32 v6, v3;
	v2 =	vadd.f32 v9, v2;
	v6 =	vld [tilespmem:s17+$0x200];
	v9 =	vbroadcast v1, $0x9  }
0x23b: {  	v4 =	vmul.f32 v4, v8;
	v8 =	vmul.f32 v14, v8;
	v14 =	vld [tilespmem:s17+$0x230]  }
0x23c: {  	v3 =	vadd.f32 v5, v3;
	v2 =	vadd.f32 v11, v2;
	v5 =	vld [tilespmem:s17+$0x220];
	v11 =	vbroadcast v1, $0xA  }
0x23d: {  	v10 =	vmul.f32 v10, v7;
	v7 =	vmul.f32 v13, v7;
	v13 =	vld [tilespmem:s17+$0x250]  }
0x23e: {  	v3 =	vadd.f32 v4, v3;
	v2 =	vadd.f32 v8, v2;
	v4 =	vld [tilespmem:s17+$0x240];
	v8 =	vbroadcast v1, $0xB  }
0x23f: {  	v6 =	vmul.f32 v6, v9;
	v9 =	vmul.f32 v12, v9;
	v12 =	vld [tilespmem:s17+$0x270]  }
0x240: {  	v3 =	vadd.f32 v10, v3;
	v2 =	vadd.f32 v7, v2;
	v7 =	vld [tilespmem:s17+$0x260];
	v10 =	vbroadcast v1, $0xC  }
0x241: {  	v5 =	vmul.f32 v5, v11;
	v11 =	vmul.f32 v14, v11;
	v14 =	vld [tilespmem:s17+$0x290]  }
0x242: {  	v3 =	vadd.f32 v6, v3;
	v2 =	vadd.f32 v9, v2;
	v6 =	vld [tilespmem:s17+$0x280];
	v9 =	vbroadcast v1, $0xD  }
0x243: {  	v4 =	vmul.f32 v4, v8;
	v8 =	vmul.f32 v13, v8;
	v13 =	vld [tilespmem:s17+$0x2B0]  }
0x244: {  	v3 =	vadd.f32 v5, v3;
	v2 =	vadd.f32 v11, v2;
	v5 =	vld [tilespmem:s17+$0x2A0];
	v11 =	vbroadcast v1, $0xE  }
0x245: {  	v7 =	vmul.f32 v7, v10;
	v10 =	vmul.f32 v12, v10;
	v12 =	vld [tilespmem:s17+$0x2D0]  }
0x246: {  	v1 =	vbroadcast v1, $0xF;
	v3 =	vadd.f32 v4, v3;
	v2 =	vadd.f32 v8, v2;
	v4 =	vld [tilespmem:s17+$0x2C0]  }
0x247: {  	v8 =	vmul.f32 v14, v9;
	v6 =	vmul.f32 v6, v9;
	v9 =	vld [tilespmem:s17+$0x2F0]  }
0x248: {  	v3 =	vadd.f32 v7, v3;
	v2 =	vadd.f32 v10, v2;
	v7 =	vld [tilespmem:s17+$0x2E0];
	v10 =	vbroadcast v0, $0x0  }
0x249: {  	v5 =	vmul.f32 v5, v11;
	v11 =	vmul.f32 v13, v11;
	v13 =	vld [tilespmem:s17+$0x310]  }
0x24a: {  	v0 =	vbroadcast v0, $0x1;
	v3 =	vadd.f32 v6, v3;
	v2 =	vadd.f32 v8, v2;
	v6 =	vld [tilespmem:s17+$0x300]  }
0x24b: {  	v4 =	vmul.f32 v4, v1;
	v1 =	vmul.f32 v12, v1  }
0x24c: {  	v3 =	vadd.f32 v5, v3;
	v2 =	vadd.f32 v11, v2  }
0x24d: {  	v5 =	vmul.f32 v7, v10;
	v7 =	vmul.f32 v9, v10  }
.Ltmp1:
0x24e: {  	v3 =	vadd.f32 v4, v3;
	v1 =	vadd.f32 v1, v2;
	(pc) =	sbr.rel @p0 .LBB2_4-.Ltmp1, $3  }
0x24f: {  	v2 =	vmul.f32 v6, v0;
	v0 =	vmul.f32 v13, v0  }
0x250: {  	v3 =	vadd.f32 v5, v3;
	v4 =	vadd.f32 v7, v1;
	_ =	sdelay $0x1  }
0x251: {  	s21 =	smov.u32 s20;
	s19 =	sadd.s32 $0x40, s19;
	v1 =	vadd.f32 v2, v3;
	v0 =	vadd.f32 v0, v4  }
0x252: {  	s16 =	sadd.s32 $0x1, s16  }
0x253: {  	[tilespmem:s18+$0x1AC80] =	vst v1;
	p0 =	sne.s32 s16, s10  }
.Ltmp2:
0x254: {  	[tilespmem:s18+$0x1AC90] =	vst v0;
	(pc) =	sbr.rel @p0 .LBB2_1-.Ltmp2, $4  }
0x255: {  	[hbm4b:s9+s1] =	stream.linear.scatter [tilespmem:s15], [sflag:$0x2], $0x800, $0x38;
	[tilespmem:$0x1B480] =	vst v63  }
0x256: {  	_ =	swait.ge [sflag:s11], $0x800  }
0x257: {  	[sflag:s11] =	ssyncset.done $0x0  }
0x258: {  	[sflag:s11] =	ssyncadd.s32 $0xFFFFF800  }
0x259: {  	_ =	sfence.sel $0x180000  }
0x25a: {  	[bflag:$0x0] =	sbarrier.arrive $0xFFFF  }
0x25b: {  	p0 =	sne.s32 s2, $0x0;
	_ =	strace $0x9000004A  }
0x25c: {  	s0 =	sadd.s32 @!p0 $0x100000, s0;
	[bflag:$0x2] =	sbarrier.arrive $0xFFFF  }
0x25d: {  	[sflag:s0] =	ssyncadd.tile.s32 @!p0 $0x1;
	_ =	shalt  }
.Lfunc_end2:
_tile_overlayer_lowered:
.L_overlay_start_2:
0x25e: {  	(tag) =	ssettag $0x2  }
0x25f: {  	s0 =	rddreg [dreg:$0x0];
	s2 =	stileid.u32  }
0x260: {  	s1 =	rddreg [dreg:$0x1];
	p0 =	sne.s32 s2, $0x0  }
0x261: {  	s3 =	rddreg [dreg:$0x2];
	[bflag:$0x3] =	sbarrier.arrive $0xFFFF;
	s2 =	simm.s32 @!p0 $0x1C02  }
0x262: {  	[timem:s3], [sflag:s2] =	dma.local @!p0 [hbm:s0], s1  }
0x263: {  	s0 =	simm.s32 @!p0 $0x2  }
0x264: {  	_ =	swait.ge @!p0 [sflag:s0], s1  }
0x265: {  	s1 =	ssub.s32 @!p0 $0x0, s1;
	[sflag:s0] =	ssyncset.done @!p0 $0x0  }
0x266: {  	[sflag:s0] =	ssyncadd.s32 @!p0 s1  }
0x267: {  	[bflag:$0x3] =	sbarrier.arrive $0xFFFF  }
0x268: {  	_ =	shalt  }

</sc_bundles>
